<compile_context>
chip_gen: v7x
topology: tpu7x:2x2x1
jax: 0.10.2.dev20260603
libtpu: 0.0.44.dev20260713+nightly
codegen_flags: <defaults>
</compile_context>

<pallas_src>
import dataclasses
import functools

import jax
import jax.numpy as jnp
from jax import lax
from jax.experimental import pallas as pl
from jax.experimental.pallas import tpu as pltpu
from jax.experimental.pallas import tpu_sc as plsc

NC = 2
NS = 16
LANES = 16
B = 128
ZC = 80
NQ = 4


def _sc_spmm(x, comb, epb):
    n, d = x.shape
    nchunk = n // ZC
    mesh = plsc.VectorSubcoreMesh(core_axis_name="c", subcore_axis_name="s")
    cp = pltpu.CompilerParams()
    if "needs_layout_passes" in pltpu.CompilerParams.__dataclass_fields__:
        cp = dataclasses.replace(cp, needs_layout_passes=False)

    @functools.partial(
        pl.kernel,
        out_type=jax.ShapeDtypeStruct((NC, n, d), jnp.float32),
        mesh=mesh,
        compiler_params=cp,
        scratch_types=[
            pltpu.VMEM((NQ * 3, 1, B), jnp.int32),
            pltpu.VMEM((B, d), jnp.float32),
            pltpu.VMEM((B, d), jnp.float32),
            pltpu.VMEM_SHARED((n, d), jnp.float32),
            pltpu.SemaphoreType.DMA,
            pltpu.SemaphoreType.DMA,
            pltpu.SemaphoreType.DMA,
            pltpu.SemaphoreType.DMA,
            pltpu.SemaphoreType.DMA,
            pltpu.SemaphoreType.DMA,
            pltpu.SemaphoreType.DMA,
            pltpu.SemaphoreType.DMA,
            pltpu.SemaphoreType.DMA,
        ],
    )
    def k(x_hbm, comb_hbm, out_hbm, comb_v, rows0, rows1, acc_sh,
          si0, si1, si2, si3, sg0, sg1, ss0, ss1, sch):
        c = lax.axis_index("c")
        s = lax.axis_index("s")
        wid = s * NC + c
        lo = wid * epb
        isems = (si0, si1, si2, si3)
        bufs = (rows0, rows1)
        gsems = (sg0, sg1)
        ssems = (ss0, ss1)

        def idx_start(t, q):
            pltpu.async_copy(comb_hbm.at[pl.ds((lo + t) * 3, 3)],
                             comb_v.at[pl.ds(q * 3, 3)], isems[q])

        def idx_wait(t, q):
            pltpu.make_async_copy(comb_hbm.at[pl.ds((lo + t) * 3, 3)],
                                  comb_v.at[pl.ds(q * 3, 3)], isems[q]).wait()

        def gather_start(q, p):
            pltpu.async_copy(x_hbm.at[comb_v.at[q * 3, 0]], bufs[p], gsems[p])

        def gather_wait(q, p):
            pltpu.make_async_copy(
                x_hbm.at[comb_v.at[q * 3, 0]], bufs[p], gsems[p]).wait()

        def scale(q, p):
            buf = bufs[p]

            @pl.loop(0, B, step=4)
            def _(i):
                row = jnp.full((LANES,), q * 3 + 2, jnp.int32)
                col = jnp.full((LANES,), 0, jnp.int32)
                wbs = [plsc.bitcast(
                    plsc.load_gather(
                        comb_v, [row, col,
                                 jnp.full((LANES,), i + u, jnp.int32)]),
                    jnp.float32) for u in range(4)]
                for u in range(4):
                    for jj in range(d // LANES):
                        sl = pl.ds(jj * LANES, LANES)
                        buf[i + u, sl] = buf[i + u, sl] * wbs[u]

        def scatter_start(q, p):
            pltpu.async_copy(bufs[p], acc_sh.at[comb_v.at[q * 3 + 1, 0]],
                             ssems[p], add=True)

        def scatter_wait(q, p):
            pltpu.make_async_copy(bufs[p], acc_sh.at[comb_v.at[q * 3 + 1, 0]],
                                  ssems[p]).wait()

        for t in range(3):
            idx_start(t, t)

        zero = jnp.zeros((LANES,), jnp.float32)

        @pl.loop(0, ZC)
        def _(i):
            for j in range(d // LANES):
                rows0[i, pl.ds(j * LANES, LANES)] = zero

        @pl.loop(s, nchunk, step=NS)
        def _(t):
            pltpu.async_copy(rows0.at[pl.ds(0, ZC)],
                             acc_sh.at[pl.ds(t * ZC, ZC)], sch)

        @pl.loop(s, nchunk, step=NS)
        def _(t):
            pltpu.make_async_copy(rows0.at[pl.ds(0, ZC)],
                                  acc_sh.at[pl.ds(t * ZC, ZC)], sch).wait()

        idx_wait(0, 0)
        gather_start(0, 0)
        plsc.subcore_barrier()

        @pl.loop(0, epb, step=NQ)
        def _(j):
            for b in range(NQ):
                t = j + b
                q, p = b, b % 2
                qn, pn = (b + 1) % NQ, (b + 1) % 2
                qprev = (b + 3) % NQ

                @pl.when(t + 1 < epb)
                def _():
                    idx_wait(t + 1, qn)

                gather_wait(q, p)

                @pl.when(t > 0)
                def _():
                    scatter_wait(qprev, pn)

                @pl.when(t + 1 < epb)
                def _():
                    gather_start(qn, pn)

                scale(q, p)
                scatter_start(q, p)

                @pl.when(t + 3 < epb)
                def _():
                    idx_start(t + 3, (b + 3) % NQ)

        scatter_wait((epb - 1) % NQ, (epb - 1) % 2)
        plsc.subcore_barrier()

        @pl.loop(s, nchunk, step=NS)
        def _(t):
            pltpu.async_copy(acc_sh.at[pl.ds(t * ZC, ZC)],
                             out_hbm.at[c].at[pl.ds(t * ZC, ZC)], sch)

        @pl.loop(s, nchunk, step=NS)
        def _(t):
            pltpu.make_async_copy(acc_sh.at[pl.ds(t * ZC, ZC)],
                                  out_hbm.at[c].at[pl.ds(t * ZC, ZC)],
                                  sch).wait()

    return k(x, comb)


def _tc_finish(y, w):
    _, n, d = y.shape
    blk = 2000

    def body(y_ref, w_ref, o_ref):
        acc = y_ref[0] + y_ref[1]
        o_ref[...] = jnp.maximum(
            jnp.dot(acc, w_ref[...], preferred_element_type=jnp.float32), 0.0)

    return pl.pallas_call(
        body,
        out_shape=jax.ShapeDtypeStruct((n, d), jnp.float32),
        grid=(n // blk,),
        in_specs=[
            pl.BlockSpec((2, blk, d), lambda i: (0, i, 0)),
            pl.BlockSpec((d, d), lambda i: (0, 0)),
        ],
        out_specs=pl.BlockSpec((blk, d), lambda i: (i, 0)),
    )(y, w)


def kernel(x, edge_index, edge_weight, W):
    e = edge_index.shape[1]
    nw = NC * NS
    epb = -(-e // (nw * B))
    epb = -(-epb // NQ) * NQ
    ep = nw * epb * B
    pad = ep - e
    pad_idx = (jnp.arange(pad, dtype=jnp.int32) %
               jnp.int32(x.shape[0])).astype(jnp.int32)
    src = jnp.concatenate([edge_index[0], pad_idx]).reshape(-1, 1, B)
    dst = jnp.concatenate([edge_index[1], pad_idx]).reshape(-1, 1, B)
    wbits = jax.lax.bitcast_convert_type(
        jnp.concatenate([edge_weight, jnp.zeros((pad,), jnp.float32)]),
        jnp.int32).reshape(-1, 1, B)
    comb = jnp.concatenate([src, dst, wbits],
                           axis=1).reshape(-1, 1, B)
    y = _sc_spmm(x, comb, epb)
    return _tc_finish(y, W)

# --- scband reference (transcript-rebuilt; emitter-appended) ---
"""Pipeline reference for scband-graph-convolution-39487929319800 (READ-ONLY COPY).

The authoritative reference and input builder live on the scoring server;
editing this copy changes nothing except your own understanding.
"""

import jax, jax.numpy as jnp
import numpy as np

N = 10000
E = 320000
D_IN = 128
D_OUT = 128


def setup_inputs(seed: int = 0) -> dict:
    key = jax.random.key(seed)
    k1, k2, k3, k4 = jax.random.split(key, 4)
    x = jax.random.normal(k1, (N, D_IN), dtype=jnp.float32)
    edge_index = jax.random.randint(k2, (2, E), 0, N, dtype=jnp.int32)
    edge_weight = jax.random.uniform(k3, (E,), dtype=jnp.float32)
    # Glorot-uniform weight for the single support, per build(): shape (in_dim, output_dim)
    limit = float(np.sqrt(6.0 / (D_IN + D_OUT)))
    W = jax.random.uniform(k4, (D_IN, D_OUT), minval=-limit, maxval=limit, dtype=jnp.float32)
    return {"x": x, "edge_index": edge_index, "edge_weight": edge_weight, "W": W}


def reference(x, edge_index, edge_weight, W):
    # GraphConvolution.call with dropout=0.0 (identity), featureless=False, use_bias=False,
    # a single support represented in COO form (edge_index, edge_weight).
    # pre_sup = x @ W  (dense matmul)
    pre_sup = jnp.dot(x, W)
    src = edge_index[0]
    dst = edge_index[1]
    # support @ pre_sup  == sparse-dense matmul: gather rows by src, scale by edge value,
    # scatter-add into dst rows (SparseCore gather + segment_sum pattern).
    msgs = jnp.take(pre_sup, src, axis=0) * edge_weight[:, None]
    out = jax.ops.segment_sum(msgs, dst, num_segments=N)
    # activation = tf.nn.relu
    return jax.nn.relu(out)

if __name__ == "__main__":
    import jax
    _d = setup_inputs()
    print(jax.jit(kernel)(*tuple(_d.values())))

</pallas_src>

<mosaic_0001>
#map = affine_map<(d0, d1) -> (0, 0)>
#map1 = affine_map<(d0, d1) -> (0, 0, 0)>
module attributes {stable_mosaic.version = 14 : i64} {
  func.func @k(%arg0: i32, %arg1: i32, %arg2: memref<10000x128xf32, #tpu.memory_space<hbm>>, %arg3: memref<7680x1x128xi32, #tpu.memory_space<hbm>>, %arg4: memref<2x10000x128xf32, #tpu.memory_space<hbm>>, %arg5: memref<12x1x128xi32, #tpu.memory_space<vmem>>, %arg6: memref<128x128xf32, #tpu.memory_space<vmem>>, %arg7: memref<128x128xf32, #tpu.memory_space<vmem>>, %arg8: memref<10000x128xf32, #tpu.memory_space<vmem_shared>>, %arg9: memref<!tpu.dma_semaphore, #tpu.memory_space<semaphore_mem>>, %arg10: memref<!tpu.dma_semaphore, #tpu.memory_space<semaphore_mem>>, %arg11: memref<!tpu.dma_semaphore, #tpu.memory_space<semaphore_mem>>, %arg12: memref<!tpu.dma_semaphore, #tpu.memory_space<semaphore_mem>>, %arg13: memref<!tpu.dma_semaphore, #tpu.memory_space<semaphore_mem>>, %arg14: memref<!tpu.dma_semaphore, #tpu.memory_space<semaphore_mem>>, %arg15: memref<!tpu.dma_semaphore, #tpu.memory_space<semaphore_mem>>, %arg16: memref<!tpu.dma_semaphore, #tpu.memory_space<semaphore_mem>>, %arg17: memref<!tpu.dma_semaphore, #tpu.memory_space<semaphore_mem>>) attributes {dimension_semantics = [#tpu.dimension_semantics<core_parallel>, #tpu.dimension_semantics<subcore_parallel>], iteration_bounds = array<i64: 2, 16>, scalar_prefetch = 0 : i64, scratch_operands = 13 : i64, tpu.core_type = #tpu.core_type<sc_vector_subcore>, window_params = [{transform_indices = #map}, {transform_indices = #map1}, {transform_indices = #map1}]} {
    %mul3A = arith.constant 2 : i32
    %mul3A_0 = arith.muli %arg1, %mul3A : i32
    %add3A = arith.addi %mul3A_0, %arg0 : i32
    %mul3A_1 = arith.constant 80 : i32
    %mul3A_2 = arith.muli %add3A, %mul3A_1 : i32
    %add3A_3 = arith.constant 0 : i32
    %add3A_4 = arith.addi %mul3A_2, %add3A_3 : i32
    %mul3A_5 = arith.constant 3 : i32
    %mul3A_6 = arith.muli %add3A_4, %mul3A_5 : i32
    %dma_start3A = arith.constant 0 : i32
    %dma_start3A_7 = arith.constant 0 : i32
    %dma_start3A_8 = arith.constant 0 : i32
    %dma_start3A_9 = tpu.memref_slice %arg5[%dma_start3A, %dma_start3A_7, %dma_start3A_8] : memref<12x1x128xi32, #tpu.memory_space<vmem>> -> memref<3x1x128xi32, #tpu.memory_space<vmem>>
    %dma_start3A_10 = arith.constant 0 : i32
    %dma_start3A_11 = arith.constant 0 : i32
    %dma_start3A_12 = tpu.memref_slice %arg3[%mul3A_6, %dma_start3A_10, %dma_start3A_11] : memref<7680x1x128xi32, #tpu.memory_space<hbm>> -> memref<3x1x128xi32, #tpu.memory_space<hbm>>
    %dma_start3A_13 = arith.constant 0 : i32
    %dma_start3A_14 = arith.constant 0 : i32
    %dma_start3A_15 = arith.constant 0 : i32
    %dma_start3A_16 = tpu.memref_slice %arg5[%dma_start3A_13, %dma_start3A_14, %dma_start3A_15] : memref<12x1x128xi32, #tpu.memory_space<vmem>> -> memref<3x1x128xi32, #tpu.memory_space<vmem>>
    %dma_start3A_17 = arith.constant 0 : i32
    %dma_start3A_18 = arith.constant 0 : i32
    %dma_start3A_19 = tpu.memref_slice %arg3[%mul3A_6, %dma_start3A_17, %dma_start3A_18] : memref<7680x1x128xi32, #tpu.memory_space<hbm>> -> memref<3x1x128xi32, #tpu.memory_space<hbm>>
    tpu.enqueue_dma source(%dma_start3A_19 : memref<3x1x128xi32, #tpu.memory_space<hbm>>) target(%dma_start3A_16 : memref<3x1x128xi32, #tpu.memory_space<vmem>>) target_semaphore(%arg9 : memref<!tpu.dma_semaphore, #tpu.memory_space<semaphore_mem>>)
    %add3A_20 = arith.constant 1 : i32
    %add3A_21 = arith.addi %mul3A_2, %add3A_20 : i32
    %mul3A_22 = arith.constant 3 : i32
    %mul3A_23 = arith.muli %add3A_21, %mul3A_22 : i32
    %dma_start3A_24 = arith.constant 3 : i32
    %dma_start3A_25 = arith.constant 0 : i32
    %dma_start3A_26 = arith.constant 0 : i32
    %dma_start3A_27 = tpu.memref_slice %arg5[%dma_start3A_24, %dma_start3A_25, %dma_start3A_26] : memref<12x1x128xi32, #tpu.memory_space<vmem>> -> memref<3x1x128xi32, #tpu.memory_space<vmem>>
    %dma_start3A_28 = arith.constant 0 : i32
    %dma_start3A_29 = arith.constant 0 : i32
    %dma_start3A_30 = tpu.memref_slice %arg3[%mul3A_23, %dma_start3A_28, %dma_start3A_29] : memref<7680x1x128xi32, #tpu.memory_space<hbm>> -> memref<3x1x128xi32, #tpu.memory_space<hbm>>
    %dma_start3A_31 = arith.constant 3 : i32
    %dma_start3A_32 = arith.constant 0 : i32
    %dma_start3A_33 = arith.constant 0 : i32
    %dma_start3A_34 = tpu.memref_slice %arg5[%dma_start3A_31, %dma_start3A_32, %dma_start3A_33] : memref<12x1x128xi32, #tpu.memory_space<vmem>> -> memref<3x1x128xi32, #tpu.memory_space<vmem>>
    %dma_start3A_35 = arith.constant 0 : i32
    %dma_start3A_36 = arith.constant 0 : i32
    %dma_start3A_37 = tpu.memref_slice %arg3[%mul3A_23, %dma_start3A_35, %dma_start3A_36] : memref<7680x1x128xi32, #tpu.memory_space<hbm>> -> memref<3x1x128xi32, #tpu.memory_space<hbm>>
    tpu.enqueue_dma source(%dma_start3A_37 : memref<3x1x128xi32, #tpu.memory_space<hbm>>) target(%dma_start3A_34 : memref<3x1x128xi32, #tpu.memory_space<vmem>>) target_semaphore(%arg10 : memref<!tpu.dma_semaphore, #tpu.memory_space<semaphore_mem>>)
    %add3A_38 = arith.constant 2 : i32
    %add3A_39 = arith.addi %mul3A_2, %add3A_38 : i32
    %mul3A_40 = arith.constant 3 : i32
    %mul3A_41 = arith.muli %add3A_39, %mul3A_40 : i32
    %dma_start3A_42 = arith.constant 6 : i32
    %dma_start3A_43 = arith.constant 0 : i32
    %dma_start3A_44 = arith.constant 0 : i32
    %dma_start3A_45 = tpu.memref_slice %arg5[%dma_start3A_42, %dma_start3A_43, %dma_start3A_44] : memref<12x1x128xi32, #tpu.memory_space<vmem>> -> memref<3x1x128xi32, #tpu.memory_space<vmem>>
    %dma_start3A_46 = arith.constant 0 : i32
    %dma_start3A_47 = arith.constant 0 : i32
    %dma_start3A_48 = tpu.memref_slice %arg3[%mul3A_41, %dma_start3A_46, %dma_start3A_47] : memref<7680x1x128xi32, #tpu.memory_space<hbm>> -> memref<3x1x128xi32, #tpu.memory_space<hbm>>
    %dma_start3A_49 = arith.constant 6 : i32
    %dma_start3A_50 = arith.constant 0 : i32
    %dma_start3A_51 = arith.constant 0 : i32
    %dma_start3A_52 = tpu.memref_slice %arg5[%dma_start3A_49, %dma_start3A_50, %dma_start3A_51] : memref<12x1x128xi32, #tpu.memory_space<vmem>> -> memref<3x1x128xi32, #tpu.memory_space<vmem>>
    %dma_start3A_53 = arith.constant 0 : i32
    %dma_start3A_54 = arith.constant 0 : i32
    %dma_start3A_55 = tpu.memref_slice %arg3[%mul3A_41, %dma_start3A_53, %dma_start3A_54] : memref<7680x1x128xi32, #tpu.memory_space<hbm>> -> memref<3x1x128xi32, #tpu.memory_space<hbm>>
    tpu.enqueue_dma source(%dma_start3A_55 : memref<3x1x128xi32, #tpu.memory_space<hbm>>) target(%dma_start3A_52 : memref<3x1x128xi32, #tpu.memory_space<vmem>>) target_semaphore(%arg11 : memref<!tpu.dma_semaphore, #tpu.memory_space<semaphore_mem>>)
    %broadcast_in_dim3A = arith.constant 0.000000e+00 : f32
    %broadcast_in_dim3A_56 = vector.broadcast %broadcast_in_dim3A : f32 to vector<16xf32>
    %scan3A = arith.constant 0 : i32
    %scan3A_57 = arith.constant 80 : i32
    %scan3A_58 = arith.addi %scan3A, %scan3A_57 : i32
    %scan3A_59 = arith.constant 1 : i32
    scf.for %scan3A_169 = %scan3A to %scan3A_58 step %scan3A_59  : i32 {
      %mul3A_170 = arith.constant 1 : i32
      %mul3A_171 = arith.muli %scan3A_169, %mul3A_170 : i32
      %add3A_172 = arith.constant 0 : i32
      %add3A_173 = arith.addi %add3A_172, %mul3A_171 : i32
      %swap3A = arith.index_cast %add3A_173 : i32 to index
      %swap3A_174 = arith.constant 0 : index
      %swap3A_175 = tpu.vector_load %arg6[%swap3A, %swap3A_174] {strides = array<i32>} : memref<128x128xf32, #tpu.memory_space<vmem>>, vector<16xf32>,
      tpu.vector_store %arg6[%swap3A, %swap3A_174], %broadcast_in_dim3A_56 {strides = array<i32>} : memref<128x128xf32, #tpu.memory_space<vmem>>, vector<16xf32>,
      %swap3A_176 = arith.index_cast %add3A_173 : i32 to index
      %swap3A_177 = arith.constant 16 : index
      %swap3A_178 = tpu.vector_load %arg6[%swap3A_176, %swap3A_177] {strides = array<i32>} : memref<128x128xf32, #tpu.memory_space<vmem>>, vector<16xf32>,
      tpu.vector_store %arg6[%swap3A_176, %swap3A_177], %broadcast_in_dim3A_56 {strides = array<i32>} : memref<128x128xf32, #tpu.memory_space<vmem>>, vector<16xf32>,
      %swap3A_179 = arith.index_cast %add3A_173 : i32 to index
      %swap3A_180 = arith.constant 32 : index
      %swap3A_181 = tpu.vector_load %arg6[%swap3A_179, %swap3A_180] {strides = array<i32>} : memref<128x128xf32, #tpu.memory_space<vmem>>, vector<16xf32>,
      tpu.vector_store %arg6[%swap3A_179, %swap3A_180], %broadcast_in_dim3A_56 {strides = array<i32>} : memref<128x128xf32, #tpu.memory_space<vmem>>, vector<16xf32>,
      %swap3A_182 = arith.index_cast %add3A_173 : i32 to index
      %swap3A_183 = arith.constant 48 : index
      %swap3A_184 = tpu.vector_load %arg6[%swap3A_182, %swap3A_183] {strides = array<i32>} : memref<128x128xf32, #tpu.memory_space<vmem>>, vector<16xf32>,
      tpu.vector_store %arg6[%swap3A_182, %swap3A_183], %broadcast_in_dim3A_56 {strides = array<i32>} : memref<128x128xf32, #tpu.memory_space<vmem>>, vector<16xf32>,
      %swap3A_185 = arith.index_cast %add3A_173 : i32 to index
      %swap3A_186 = arith.constant 64 : index
      %swap3A_187 = tpu.vector_load %arg6[%swap3A_185, %swap3A_186] {strides = array<i32>} : memref<128x128xf32, #tpu.memory_space<vmem>>, vector<16xf32>,
      tpu.vector_store %arg6[%swap3A_185, %swap3A_186], %broadcast_in_dim3A_56 {strides = array<i32>} : memref<128x128xf32, #tpu.memory_space<vmem>>, vector<16xf32>,
      %swap3A_188 = arith.index_cast %add3A_173 : i32 to index
      %swap3A_189 = arith.constant 80 : index
      %swap3A_190 = tpu.vector_load %arg6[%swap3A_188, %swap3A_189] {strides = array<i32>} : memref<128x128xf32, #tpu.memory_space<vmem>>, vector<16xf32>,
      tpu.vector_store %arg6[%swap3A_188, %swap3A_189], %broadcast_in_dim3A_56 {strides = array<i32>} : memref<128x128xf32, #tpu.memory_space<vmem>>, vector<16xf32>,
      %swap3A_191 = arith.index_cast %add3A_173 : i32 to index
      %swap3A_192 = arith.constant 96 : index
      %swap3A_193 = tpu.vector_load %arg6[%swap3A_191, %swap3A_192] {strides = array<i32>} : memref<128x128xf32, #tpu.memory_space<vmem>>, vector<16xf32>,
      tpu.vector_store %arg6[%swap3A_191, %swap3A_192], %broadcast_in_dim3A_56 {strides = array<i32>} : memref<128x128xf32, #tpu.memory_space<vmem>>, vector<16xf32>,
      %swap3A_194 = arith.index_cast %add3A_173 : i32 to index
      %swap3A_195 = arith.constant 112 : index
      %swap3A_196 = tpu.vector_load %arg6[%swap3A_194, %swap3A_195] {strides = array<i32>} : memref<128x128xf32, #tpu.memory_space<vmem>>, vector<16xf32>,
      tpu.vector_store %arg6[%swap3A_194, %swap3A_195], %broadcast_in_dim3A_56 {strides = array<i32>} : memref<128x128xf32, #tpu.memory_space<vmem>>, vector<16xf32>,
    }
    %scan3A_60 = arith.constant 80 : i32
    %sub3A = arith.constant 125 : i32
    %sub3A_61 = arith.subi %sub3A, %arg1 : i32
    %sub3A_62 = arith.constant 16 : i32
    %sub3A_63 = arith.constant 1 : i32
    %sub3A_64 = arith.subi %sub3A_62, %sub3A_63 : i32
    %add3A_65 = arith.addi %sub3A_61, %sub3A_64 : i32
    %div3A = arith.constant 16 : i32
    %div3A_66 = arith.divsi %add3A_65, %div3A : i32
    %while3A = arith.constant 16 : i32
    %while3A_67 = arith.constant 0 : i32
    %while3A_68 = arith.subi %div3A_66, %while3A_67 : i32
    %while3A_69 = arith.addi %while3A_67, %while3A_68 : i32
    %while3A_70 = arith.constant 1 : i32
    %while3A_71 = arith.divsi %while3A_68, %while3A_70 : i32
    %while3A_72 = arith.muli %while3A_71, %while3A_70 : i32
    %while3A_73 = arith.addi %while3A_67, %while3A_72 : i32
    %while3A_74 = arith.constant 1 : i32
    scf.for %while3A_169 = %while3A_67 to %while3A_73 step %while3A_74  : i32 {
      %mul3A_170 = arith.muli %while3A_169, %while3A : i32
      %add3A_171 = arith.addi %arg1, %mul3A_170 : i32
      %mul3A_172 = arith.constant 80 : i32
      %mul3A_173 = arith.muli %add3A_171, %mul3A_172 : i32
      %dma_start3A_174 = arith.constant 0 : i32
      %dma_start3A_175 = arith.constant 0 : i32
      %dma_start3A_176 = tpu.memref_slice %arg6[%dma_start3A_174, %dma_start3A_175] : memref<128x128xf32, #tpu.memory_space<vmem>> -> memref<80x128xf32, #tpu.memory_space<vmem>>
      %dma_start3A_177 = arith.constant 0 : i32
      %dma_start3A_178 = tpu.memref_slice %arg8[%mul3A_173, %dma_start3A_177] : memref<10000x128xf32, #tpu.memory_space<vmem_shared>> -> memref<80x128xf32, #tpu.memory_space<vmem_shared>>
      %dma_start3A_179 = arith.constant 0 : i32
      %dma_start3A_180 = tpu.memref_slice %arg8[%mul3A_173, %dma_start3A_179] : memref<10000x128xf32, #tpu.memory_space<vmem_shared>> -> memref<80x128xf32, #tpu.memory_space<vmem_shared>>
      %dma_start3A_181 = arith.constant 0 : i32
      %dma_start3A_182 = arith.constant 0 : i32
      %dma_start3A_183 = tpu.memref_slice %arg6[%dma_start3A_181, %dma_start3A_182] : memref<128x128xf32, #tpu.memory_space<vmem>> -> memref<80x128xf32, #tpu.memory_space<vmem>>
      tpu.enqueue_dma source(%dma_start3A_183 : memref<80x128xf32, #tpu.memory_space<vmem>>) target(%dma_start3A_180 : memref<80x128xf32, #tpu.memory_space<vmem_shared>>) target_semaphore(%arg17 : memref<!tpu.dma_semaphore, #tpu.memory_space<semaphore_mem>>)
    }
    %while3A_75 = arith.constant 1 : i32
    scf.for %while3A_169 = %while3A_73 to %while3A_69 step %while3A_75  : i32 {
      %mul3A_170 = arith.muli %while3A_169, %while3A : i32
      %add3A_171 = arith.addi %arg1, %mul3A_170 : i32
      %mul3A_172 = arith.constant 80 : i32
      %mul3A_173 = arith.muli %add3A_171, %mul3A_172 : i32
      %dma_start3A_174 = arith.constant 0 : i32
      %dma_start3A_175 = arith.constant 0 : i32
      %dma_start3A_176 = tpu.memref_slice %arg6[%dma_start3A_174, %dma_start3A_175] : memref<128x128xf32, #tpu.memory_space<vmem>> -> memref<80x128xf32, #tpu.memory_space<vmem>>
      %dma_start3A_177 = arith.constant 0 : i32
      %dma_start3A_178 = tpu.memref_slice %arg8[%mul3A_173, %dma_start3A_177] : memref<10000x128xf32, #tpu.memory_space<vmem_shared>> -> memref<80x128xf32, #tpu.memory_space<vmem_shared>>
      %dma_start3A_179 = arith.constant 0 : i32
      %dma_start3A_180 = tpu.memref_slice %arg8[%mul3A_173, %dma_start3A_179] : memref<10000x128xf32, #tpu.memory_space<vmem_shared>> -> memref<80x128xf32, #tpu.memory_space<vmem_shared>>
      %dma_start3A_181 = arith.constant 0 : i32
      %dma_start3A_182 = arith.constant 0 : i32
      %dma_start3A_183 = tpu.memref_slice %arg6[%dma_start3A_181, %dma_start3A_182] : memref<128x128xf32, #tpu.memory_space<vmem>> -> memref<80x128xf32, #tpu.memory_space<vmem>>
      tpu.enqueue_dma source(%dma_start3A_183 : memref<80x128xf32, #tpu.memory_space<vmem>>) target(%dma_start3A_180 : memref<80x128xf32, #tpu.memory_space<vmem_shared>>) target_semaphore(%arg17 : memref<!tpu.dma_semaphore, #tpu.memory_space<semaphore_mem>>)
    }
    %sub3A_76 = arith.constant 125 : i32
    %sub3A_77 = arith.subi %sub3A_76, %arg1 : i32
    %sub3A_78 = arith.constant 16 : i32
    %sub3A_79 = arith.constant 1 : i32
    %sub3A_80 = arith.subi %sub3A_78, %sub3A_79 : i32
    %add3A_81 = arith.addi %sub3A_77, %sub3A_80 : i32
    %div3A_82 = arith.constant 16 : i32
    %div3A_83 = arith.divsi %add3A_81, %div3A_82 : i32
    %while3A_84 = arith.constant 16 : i32
    %while3A_85 = arith.constant 0 : i32
    %while3A_86 = arith.subi %div3A_83, %while3A_85 : i32
    %while3A_87 = arith.addi %while3A_85, %while3A_86 : i32
    %while3A_88 = arith.constant 1 : i32
    %while3A_89 = arith.divsi %while3A_86, %while3A_88 : i32
    %while3A_90 = arith.muli %while3A_89, %while3A_88 : i32
    %while3A_91 = arith.addi %while3A_85, %while3A_90 : i32
    %while3A_92 = arith.constant 1 : i32
    scf.for %while3A_169 = %while3A_85 to %while3A_91 step %while3A_92  : i32 {
      %mul3A_170 = arith.muli %while3A_169, %while3A_84 : i32
      %add3A_171 = arith.addi %arg1, %mul3A_170 : i32
      %mul3A_172 = arith.constant 80 : i32
      %mul3A_173 = arith.muli %add3A_171, %mul3A_172 : i32
      %dma_wait3A_174 = arith.constant 0 : i32
      %dma_wait3A_175 = arith.constant 0 : i32
      %dma_wait3A_176 = tpu.memref_slice %arg6[%dma_wait3A_174, %dma_wait3A_175] : memref<128x128xf32, #tpu.memory_space<vmem>> -> memref<80x128xf32, #tpu.memory_space<vmem>>
      %dma_wait3A_177 = arith.constant 0 : i32
      %dma_wait3A_178 = tpu.memref_slice %arg8[%mul3A_173, %dma_wait3A_177] : memref<10000x128xf32, #tpu.memory_space<vmem_shared>> -> memref<80x128xf32, #tpu.memory_space<vmem_shared>>
      %dma_wait3A_179 = arith.constant 0 : i32
      %dma_wait3A_180 = tpu.memref_slice %arg8[%mul3A_173, %dma_wait3A_179] : memref<10000x128xf32, #tpu.memory_space<vmem_shared>> -> memref<80x128xf32, #tpu.memory_space<vmem_shared>>
      %dma_wait3A_181 = arith.constant 0 : i32
      %dma_wait3A_182 = arith.constant 0 : i32
      %dma_wait3A_183 = tpu.memref_slice %arg6[%dma_wait3A_181, %dma_wait3A_182] : memref<128x128xf32, #tpu.memory_space<vmem>> -> memref<80x128xf32, #tpu.memory_space<vmem>>
      tpu.wait_dma2 semaphore(%arg17 : memref<!tpu.dma_semaphore, #tpu.memory_space<semaphore_mem>>) src(%dma_wait3A_183 : memref<80x128xf32, #tpu.memory_space<vmem>>) dst(%dma_wait3A_180 : memref<80x128xf32, #tpu.memory_space<vmem_shared>>)
    }
    %while3A_93 = arith.constant 1 : i32
    scf.for %while3A_169 = %while3A_91 to %while3A_87 step %while3A_93  : i32 {
      %mul3A_170 = arith.muli %while3A_169, %while3A_84 : i32
      %add3A_171 = arith.addi %arg1, %mul3A_170 : i32
      %mul3A_172 = arith.constant 80 : i32
      %mul3A_173 = arith.muli %add3A_171, %mul3A_172 : i32
      %dma_wait3A_174 = arith.constant 0 : i32
      %dma_wait3A_175 = arith.constant 0 : i32
      %dma_wait3A_176 = tpu.memref_slice %arg6[%dma_wait3A_174, %dma_wait3A_175] : memref<128x128xf32, #tpu.memory_space<vmem>> -> memref<80x128xf32, #tpu.memory_space<vmem>>
      %dma_wait3A_177 = arith.constant 0 : i32
      %dma_wait3A_178 = tpu.memref_slice %arg8[%mul3A_173, %dma_wait3A_177] : memref<10000x128xf32, #tpu.memory_space<vmem_shared>> -> memref<80x128xf32, #tpu.memory_space<vmem_shared>>
      %dma_wait3A_179 = arith.constant 0 : i32
      %dma_wait3A_180 = tpu.memref_slice %arg8[%mul3A_173, %dma_wait3A_179] : memref<10000x128xf32, #tpu.memory_space<vmem_shared>> -> memref<80x128xf32, #tpu.memory_space<vmem_shared>>
      %dma_wait3A_181 = arith.constant 0 : i32
      %dma_wait3A_182 = arith.constant 0 : i32
      %dma_wait3A_183 = tpu.memref_slice %arg6[%dma_wait3A_181, %dma_wait3A_182] : memref<128x128xf32, #tpu.memory_space<vmem>> -> memref<80x128xf32, #tpu.memory_space<vmem>>
      tpu.wait_dma2 semaphore(%arg17 : memref<!tpu.dma_semaphore, #tpu.memory_space<semaphore_mem>>) src(%dma_wait3A_183 : memref<80x128xf32, #tpu.memory_space<vmem>>) dst(%dma_wait3A_180 : memref<80x128xf32, #tpu.memory_space<vmem_shared>>)
    }
    %add3A_94 = arith.constant 0 : i32
    %add3A_95 = arith.addi %mul3A_2, %add3A_94 : i32
    %mul3A_96 = arith.constant 3 : i32
    %mul3A_97 = arith.muli %add3A_95, %mul3A_96 : i32
    %dma_wait3A = arith.constant 0 : i32
    %dma_wait3A_98 = arith.constant 0 : i32
    %dma_wait3A_99 = arith.constant 0 : i32
    %dma_wait3A_100 = tpu.memref_slice %arg5[%dma_wait3A, %dma_wait3A_98, %dma_wait3A_99] : memref<12x1x128xi32, #tpu.memory_space<vmem>> -> memref<3x1x128xi32, #tpu.memory_space<vmem>>
    %dma_wait3A_101 = arith.constant 0 : i32
    %dma_wait3A_102 = arith.constant 0 : i32
    %dma_wait3A_103 = tpu.memref_slice %arg3[%mul3A_97, %dma_wait3A_101, %dma_wait3A_102] : memref<7680x1x128xi32, #tpu.memory_space<hbm>> -> memref<3x1x128xi32, #tpu.memory_space<hbm>>
    %dma_wait3A_104 = arith.constant 0 : i32
    %dma_wait3A_105 = arith.constant 0 : i32
    %dma_wait3A_106 = arith.constant 0 : i32
    %dma_wait3A_107 = tpu.memref_slice %arg5[%dma_wait3A_104, %dma_wait3A_105, %dma_wait3A_106] : memref<12x1x128xi32, #tpu.memory_space<vmem>> -> memref<3x1x128xi32, #tpu.memory_space<vmem>>
    %dma_wait3A_108 = arith.constant 0 : i32
    %dma_wait3A_109 = arith.constant 0 : i32
    %dma_wait3A_110 = tpu.memref_slice %arg3[%mul3A_97, %dma_wait3A_108, %dma_wait3A_109] : memref<7680x1x128xi32, #tpu.memory_space<hbm>> -> memref<3x1x128xi32, #tpu.memory_space<hbm>>
    tpu.wait_dma2 semaphore(%arg9 : memref<!tpu.dma_semaphore, #tpu.memory_space<semaphore_mem>>) src(%dma_wait3A_110 : memref<3x1x128xi32, #tpu.memory_space<hbm>>) dst(%dma_wait3A_107 : memref<3x1x128xi32, #tpu.memory_space<vmem>>)
    %dma_start3A_111 = arith.constant 0 : i32
    %dma_start3A_112 = arith.constant 0 : i32
    %dma_start3A_113 = arith.constant 0 : i32
    %dma_start3A_114 = tpu.memref_slice %arg5[%dma_start3A_111, %dma_start3A_112, %dma_start3A_113] : memref<12x1x128xi32, #tpu.memory_space<vmem>> -> memref<1x1x128xi32, #tpu.memory_space<vmem>>
    %dma_start3A_115 = tpu.memref_squeeze %dma_start3A_114 : memref<1x1x128xi32, #tpu.memory_space<vmem>> -> memref<128xi32, #tpu.memory_space<vmem>>
    %dma_start3A_116 = arith.constant 0 : i32
    %dma_start3A_117 = arith.constant 0 : i32
    %dma_start3A_118 = tpu.memref_slice %arg2[%dma_start3A_116, %dma_start3A_117] : memref<10000x128xf32, #tpu.memory_space<hbm>> -> memref<10000x128xf32, #tpu.memory_space<hbm>>
    tpu.enqueue_indirect_dma source(%dma_start3A_118 : memref<10000x128xf32, #tpu.memory_space<hbm>>) target(%arg6 : memref<128x128xf32, #tpu.memory_space<vmem>>) offsets(%dma_start3A_115 : memref<128xi32, #tpu.memory_space<vmem>>) semaphore(%arg13 : memref<!tpu.dma_semaphore, #tpu.memory_space<semaphore_mem>>)
    %barrier3A = arith.constant 0 : index
    tpu.barrier barrier_id(%barrier3A)
    %scan3A_119 = arith.constant 0 : i32
    %scan3A_120 = arith.constant 20 : i32
    %scan3A_121 = arith.addi %scan3A_119, %scan3A_120 : i32
    %scan3A_122 = arith.constant 1 : i32
    scf.for %scan3A_169 = %scan3A_119 to %scan3A_121 step %scan3A_122  : i32 {
      %mul3A_170 = arith.constant 4 : i32
      %mul3A_171 = arith.muli %scan3A_169, %mul3A_170 : i32
      %add3A_172 = arith.constant 0 : i32
      %add3A_173 = arith.addi %add3A_172, %mul3A_171 : i32
      %add3A_174 = arith.constant 0 : i32
      %add3A_175 = arith.addi %add3A_173, %add3A_174 : i32
      %add3A_176 = arith.constant 1 : i32
      %add3A_177 = arith.addi %add3A_175, %add3A_176 : i32
      %lt3A = arith.constant 80 : i32
      %lt3A_178 = arith.cmpi slt, %add3A_177, %lt3A : i32
      %convert_element_type3A = arith.extui %lt3A_178 : i1 to i32
      %cond3A = arith.constant 0 : i32
      %cond3A_179 = arith.cmpi ne, %convert_element_type3A, %cond3A : i32
      scf.if %cond3A_179 {
        %add3A_366 = arith.constant 1 : i32
        %add3A_367 = arith.addi %add3A_175, %add3A_366 : i32
        %add3A_368 = arith.addi %mul3A_2, %add3A_367 : i32
        %mul3A_369 = arith.constant 3 : i32
        %mul3A_370 = arith.muli %add3A_368, %mul3A_369 : i32
        %dma_wait3A_371 = arith.constant 3 : i32
        %dma_wait3A_372 = arith.constant 0 : i32
        %dma_wait3A_373 = arith.constant 0 : i32
        %dma_wait3A_374 = tpu.memref_slice %arg5[%dma_wait3A_371, %dma_wait3A_372, %dma_wait3A_373] : memref<12x1x128xi32, #tpu.memory_space<vmem>> -> memref<3x1x128xi32, #tpu.memory_space<vmem>>
        %dma_wait3A_375 = arith.constant 0 : i32
        %dma_wait3A_376 = arith.constant 0 : i32
        %dma_wait3A_377 = tpu.memref_slice %arg3[%mul3A_370, %dma_wait3A_375, %dma_wait3A_376] : memref<7680x1x128xi32, #tpu.memory_space<hbm>> -> memref<3x1x128xi32, #tpu.memory_space<hbm>>
        %dma_wait3A_378 = arith.constant 3 : i32
        %dma_wait3A_379 = arith.constant 0 : i32
        %dma_wait3A_380 = arith.constant 0 : i32
        %dma_wait3A_381 = tpu.memref_slice %arg5[%dma_wait3A_378, %dma_wait3A_379, %dma_wait3A_380] : memref<12x1x128xi32, #tpu.memory_space<vmem>> -> memref<3x1x128xi32, #tpu.memory_space<vmem>>
        %dma_wait3A_382 = arith.constant 0 : i32
        %dma_wait3A_383 = arith.constant 0 : i32
        %dma_wait3A_384 = tpu.memref_slice %arg3[%mul3A_370, %dma_wait3A_382, %dma_wait3A_383] : memref<7680x1x128xi32, #tpu.memory_space<hbm>> -> memref<3x1x128xi32, #tpu.memory_space<hbm>>
        tpu.wait_dma2 semaphore(%arg10 : memref<!tpu.dma_semaphore, #tpu.memory_space<semaphore_mem>>) src(%dma_wait3A_384 : memref<3x1x128xi32, #tpu.memory_space<hbm>>) dst(%dma_wait3A_381 : memref<3x1x128xi32, #tpu.memory_space<vmem>>)
      } else {
      }
      %dma_wait3A_180 = arith.constant 0 : i32
      %dma_wait3A_181 = arith.constant 0 : i32
      %dma_wait3A_182 = arith.constant 0 : i32
      %dma_wait3A_183 = tpu.memref_slice %arg5[%dma_wait3A_180, %dma_wait3A_181, %dma_wait3A_182] : memref<12x1x128xi32, #tpu.memory_space<vmem>> -> memref<1x1x128xi32, #tpu.memory_space<vmem>>
      %dma_wait3A_184 = tpu.memref_squeeze %dma_wait3A_183 : memref<1x1x128xi32, #tpu.memory_space<vmem>> -> memref<128xi32, #tpu.memory_space<vmem>>
      %dma_wait3A_185 = arith.constant 0 : i32
      %dma_wait3A_186 = arith.constant 0 : i32
      %dma_wait3A_187 = tpu.memref_slice %arg2[%dma_wait3A_185, %dma_wait3A_186] : memref<10000x128xf32, #tpu.memory_space<hbm>> -> memref<10000x128xf32, #tpu.memory_space<hbm>>
      tpu.wait_indirect_dma semaphore(%arg13 : memref<!tpu.dma_semaphore, #tpu.memory_space<semaphore_mem>>) src(%dma_wait3A_187 : memref<10000x128xf32, #tpu.memory_space<hbm>>) dst(%arg6 : memref<128x128xf32, #tpu.memory_space<vmem>>)
      %gt3A = arith.constant 0 : i32
      %gt3A_188 = arith.cmpi sgt, %add3A_175, %gt3A : i32
      %convert_element_type3A_189 = arith.extui %gt3A_188 : i1 to i32
      %cond3A_190 = arith.constant 0 : i32
      %cond3A_191 = arith.cmpi ne, %convert_element_type3A_189, %cond3A_190 : i32
      scf.if %cond3A_191 {
        %dma_wait3A_366 = arith.constant 10 : i32
        %dma_wait3A_367 = arith.constant 0 : i32
        %dma_wait3A_368 = arith.constant 0 : i32
        %dma_wait3A_369 = tpu.memref_slice %arg5[%dma_wait3A_366, %dma_wait3A_367, %dma_wait3A_368] : memref<12x1x128xi32, #tpu.memory_space<vmem>> -> memref<1x1x128xi32, #tpu.memory_space<vmem>>
        %dma_wait3A_370 = tpu.memref_squeeze %dma_wait3A_369 : memref<1x1x128xi32, #tpu.memory_space<vmem>> -> memref<128xi32, #tpu.memory_space<vmem>>
        %dma_wait3A_371 = arith.constant 0 : i32
        %dma_wait3A_372 = arith.constant 0 : i32
        %dma_wait3A_373 = tpu.memref_slice %arg8[%dma_wait3A_371, %dma_wait3A_372] : memref<10000x128xf32, #tpu.memory_space<vmem_shared>> -> memref<10000x128xf32, #tpu.memory_space<vmem_shared>>
        tpu.wait_indirect_dma semaphore(%arg16 : memref<!tpu.dma_semaphore, #tpu.memory_space<semaphore_mem>>) src(%arg7 : memref<128x128xf32, #tpu.memory_space<vmem>>) dst(%dma_wait3A_373 : memref<10000x128xf32, #tpu.memory_space<vmem_shared>>)
      } else {
      }
      %add3A_192 = arith.constant 1 : i32
      %add3A_193 = arith.addi %add3A_175, %add3A_192 : i32
      %lt3A_194 = arith.constant 80 : i32
      %lt3A_195 = arith.cmpi slt, %add3A_193, %lt3A_194 : i32
      %convert_element_type3A_196 = arith.extui %lt3A_195 : i1 to i32
      %cond3A_197 = arith.constant 0 : i32
      %cond3A_198 = arith.cmpi ne, %convert_element_type3A_196, %cond3A_197 : i32
      scf.if %cond3A_198 {
        %dma_start3A_366 = arith.constant 3 : i32
        %dma_start3A_367 = arith.constant 0 : i32
        %dma_start3A_368 = arith.constant 0 : i32
        %dma_start3A_369 = tpu.memref_slice %arg5[%dma_start3A_366, %dma_start3A_367, %dma_start3A_368] : memref<12x1x128xi32, #tpu.memory_space<vmem>> -> memref<1x1x128xi32, #tpu.memory_space<vmem>>
        %dma_start3A_370 = tpu.memref_squeeze %dma_start3A_369 : memref<1x1x128xi32, #tpu.memory_space<vmem>> -> memref<128xi32, #tpu.memory_space<vmem>>
        %dma_start3A_371 = arith.constant 0 : i32
        %dma_start3A_372 = arith.constant 0 : i32
        %dma_start3A_373 = tpu.memref_slice %arg2[%dma_start3A_371, %dma_start3A_372] : memref<10000x128xf32, #tpu.memory_space<hbm>> -> memref<10000x128xf32, #tpu.memory_space<hbm>>
        tpu.enqueue_indirect_dma source(%dma_start3A_373 : memref<10000x128xf32, #tpu.memory_space<hbm>>) target(%arg7 : memref<128x128xf32, #tpu.memory_space<vmem>>) offsets(%dma_start3A_370 : memref<128xi32, #tpu.memory_space<vmem>>) semaphore(%arg14 : memref<!tpu.dma_semaphore, #tpu.memory_space<semaphore_mem>>)
      } else {
      }
      %scan3A_199 = arith.constant 0 : i32
      %scan3A_200 = arith.constant 32 : i32
      %scan3A_201 = arith.addi %scan3A_199, %scan3A_200 : i32
      %scan3A_202 = arith.constant 1 : i32
      scf.for %scan3A_366 = %scan3A_199 to %scan3A_201 step %scan3A_202  : i32 {
        %mul3A_367 = arith.constant 4 : i32
        %mul3A_368 = arith.muli %scan3A_366, %mul3A_367 : i32
        %add3A_369 = arith.constant 0 : i32
        %add3A_370 = arith.addi %add3A_369, %mul3A_368 : i32
        %broadcast_in_dim3A_371 = arith.constant 2 : i32
        %broadcast_in_dim3A_372 = vector.broadcast %broadcast_in_dim3A_371 : i32 to vector<16xi32>
        %broadcast_in_dim3A_373 = arith.constant 0 : i32
        %broadcast_in_dim3A_374 = vector.broadcast %broadcast_in_dim3A_373 : i32 to vector<16xi32>
        %add3A_375 = arith.constant 0 : i32
        %add3A_376 = arith.addi %add3A_370, %add3A_375 : i32
        %broadcast_in_dim3A_377 = vector.broadcast %add3A_376 : i32 to vector<16xi32>
        %gather3A = tpu.vector_load_idx %arg5[%broadcast_in_dim3A_372, %broadcast_in_dim3A_374, %broadcast_in_dim3A_377] : memref<12x1x128xi32, #tpu.memory_space<vmem>>[vector<16xi32>, vector<16xi32>, vector<16xi32>], vector<16xi32>,
        %bitcast3A = vector.bitcast %gather3A : vector<16xi32> to vector<16xf32>
        %add3A_378 = arith.constant 1 : i32
        %add3A_379 = arith.addi %add3A_370, %add3A_378 : i32
        %broadcast_in_dim3A_380 = vector.broadcast %add3A_379 : i32 to vector<16xi32>
        %gather3A_381 = tpu.vector_load_idx %arg5[%broadcast_in_dim3A_372, %broadcast_in_dim3A_374, %broadcast_in_dim3A_380] : memref<12x1x128xi32, #tpu.memory_space<vmem>>[vector<16xi32>, vector<16xi32>, vector<16xi32>], vector<16xi32>,
        %bitcast3A_382 = vector.bitcast %gather3A_381 : vector<16xi32> to vector<16xf32>
        %add3A_383 = arith.constant 2 : i32
        %add3A_384 = arith.addi %add3A_370, %add3A_383 : i32
        %broadcast_in_dim3A_385 = vector.broadcast %add3A_384 : i32 to vector<16xi32>
        %gather3A_386 = tpu.vector_load_idx %arg5[%broadcast_in_dim3A_372, %broadcast_in_dim3A_374, %broadcast_in_dim3A_385] : memref<12x1x128xi32, #tpu.memory_space<vmem>>[vector<16xi32>, vector<16xi32>, vector<16xi32>], vector<16xi32>,
        %bitcast3A_387 = vector.bitcast %gather3A_386 : vector<16xi32> to vector<16xf32>
        %add3A_388 = arith.constant 3 : i32
        %add3A_389 = arith.addi %add3A_370, %add3A_388 : i32
        %broadcast_in_dim3A_390 = vector.broadcast %add3A_389 : i32 to vector<16xi32>
        %gather3A_391 = tpu.vector_load_idx %arg5[%broadcast_in_dim3A_372, %broadcast_in_dim3A_374, %broadcast_in_dim3A_390] : memref<12x1x128xi32, #tpu.memory_space<vmem>>[vector<16xi32>, vector<16xi32>, vector<16xi32>], vector<16xi32>,
        %bitcast3A_392 = vector.bitcast %gather3A_391 : vector<16xi32> to vector<16xf32>
        %add3A_393 = arith.constant 0 : i32
        %add3A_394 = arith.addi %add3A_370, %add3A_393 : i32
        %get3A = arith.index_cast %add3A_394 : i32 to index
        %get3A_395 = arith.constant 0 : index
        %get3A_396 = tpu.vector_load %arg6[%get3A, %get3A_395] {strides = array<i32>} : memref<128x128xf32, #tpu.memory_space<vmem>>, vector<16xf32>,
        %mul3A_397 = arith.mulf %get3A_396, %bitcast3A : vector<16xf32>
        %add3A_398 = arith.constant 0 : i32
        %add3A_399 = arith.addi %add3A_370, %add3A_398 : i32
        %swap3A = arith.index_cast %add3A_399 : i32 to index
        %swap3A_400 = arith.constant 0 : index
        %swap3A_401 = tpu.vector_load %arg6[%swap3A, %swap3A_400] {strides = array<i32>} : memref<128x128xf32, #tpu.memory_space<vmem>>, vector<16xf32>,
        tpu.vector_store %arg6[%swap3A, %swap3A_400], %mul3A_397 {strides = array<i32>} : memref<128x128xf32, #tpu.memory_space<vmem>>, vector<16xf32>,
        %add3A_402 = arith.constant 0 : i32
        %add3A_403 = arith.addi %add3A_370, %add3A_402 : i32
        %get3A_404 = arith.index_cast %add3A_403 : i32 to index
        %get3A_405 = arith.constant 16 : index
        %get3A_406 = tpu.vector_load %arg6[%get3A_404, %get3A_405] {strides = array<i32>} : memref<128x128xf32, #tpu.memory_space<vmem>>, vector<16xf32>,
        %mul3A_407 = arith.mulf %get3A_406, %bitcast3A : vector<16xf32>
        %add3A_408 = arith.constant 0 : i32
        %add3A_409 = arith.addi %add3A_370, %add3A_408 : i32
        %swap3A_410 = arith.index_cast %add3A_409 : i32 to index
        %swap3A_411 = arith.constant 16 : index
        %swap3A_412 = tpu.vector_load %arg6[%swap3A_410, %swap3A_411] {strides = array<i32>} : memref<128x128xf32, #tpu.memory_space<vmem>>, vector<16xf32>,
        tpu.vector_store %arg6[%swap3A_410, %swap3A_411], %mul3A_407 {strides = array<i32>} : memref<128x128xf32, #tpu.memory_space<vmem>>, vector<16xf32>,
        %add3A_413 = arith.constant 0 : i32
        %add3A_414 = arith.addi %add3A_370, %add3A_413 : i32
        %get3A_415 = arith.index_cast %add3A_414 : i32 to index
        %get3A_416 = arith.constant 32 : index
        %get3A_417 = tpu.vector_load %arg6[%get3A_415, %get3A_416] {strides = array<i32>} : memref<128x128xf32, #tpu.memory_space<vmem>>, vector<16xf32>,
        %mul3A_418 = arith.mulf %get3A_417, %bitcast3A : vector<16xf32>
        %add3A_419 = arith.constant 0 : i32
        %add3A_420 = arith.addi %add3A_370, %add3A_419 : i32
        %swap3A_421 = arith.index_cast %add3A_420 : i32 to index
        %swap3A_422 = arith.constant 32 : index
        %swap3A_423 = tpu.vector_load %arg6[%swap3A_421, %swap3A_422] {strides = array<i32>} : memref<128x128xf32, #tpu.memory_space<vmem>>, vector<16xf32>,
        tpu.vector_store %arg6[%swap3A_421, %swap3A_422], %mul3A_418 {strides = array<i32>} : memref<128x128xf32, #tpu.memory_space<vmem>>, vector<16xf32>,
        %add3A_424 = arith.constant 0 : i32
        %add3A_425 = arith.addi %add3A_370, %add3A_424 : i32
        %get3A_426 = arith.index_cast %add3A_425 : i32 to index
        %get3A_427 = arith.constant 48 : index
        %get3A_428 = tpu.vector_load %arg6[%get3A_426, %get3A_427] {strides = array<i32>} : memref<128x128xf32, #tpu.memory_space<vmem>>, vector<16xf32>,
        %mul3A_429 = arith.mulf %get3A_428, %bitcast3A : vector<16xf32>
        %add3A_430 = arith.constant 0 : i32
        %add3A_431 = arith.addi %add3A_370, %add3A_430 : i32
        %swap3A_432 = arith.index_cast %add3A_431 : i32 to index
        %swap3A_433 = arith.constant 48 : index
        %swap3A_434 = tpu.vector_load %arg6[%swap3A_432, %swap3A_433] {strides = array<i32>} : memref<128x128xf32, #tpu.memory_space<vmem>>, vector<16xf32>,
        tpu.vector_store %arg6[%swap3A_432, %swap3A_433], %mul3A_429 {strides = array<i32>} : memref<128x128xf32, #tpu.memory_space<vmem>>, vector<16xf32>,
        %add3A_435 = arith.constant 0 : i32
        %add3A_436 = arith.addi %add3A_370, %add3A_435 : i32
        %get3A_437 = arith.index_cast %add3A_436 : i32 to index
        %get3A_438 = arith.constant 64 : index
        %get3A_439 = tpu.vector_load %arg6[%get3A_437, %get3A_438] {strides = array<i32>} : memref<128x128xf32, #tpu.memory_space<vmem>>, vector<16xf32>,
        %mul3A_440 = arith.mulf %get3A_439, %bitcast3A : vector<16xf32>
        %add3A_441 = arith.constant 0 : i32
        %add3A_442 = arith.addi %add3A_370, %add3A_441 : i32
        %swap3A_443 = arith.index_cast %add3A_442 : i32 to index
        %swap3A_444 = arith.constant 64 : index
        %swap3A_445 = tpu.vector_load %arg6[%swap3A_443, %swap3A_444] {strides = array<i32>} : memref<128x128xf32, #tpu.memory_space<vmem>>, vector<16xf32>,
        tpu.vector_store %arg6[%swap3A_443, %swap3A_444], %mul3A_440 {strides = array<i32>} : memref<128x128xf32, #tpu.memory_space<vmem>>, vector<16xf32>,
        %add3A_446 = arith.constant 0 : i32
        %add3A_447 = arith.addi %add3A_370, %add3A_446 : i32
        %get3A_448 = arith.index_cast %add3A_447 : i32 to index
        %get3A_449 = arith.constant 80 : index
        %get3A_450 = tpu.vector_load %arg6[%get3A_448, %get3A_449] {strides = array<i32>} : memref<128x128xf32, #tpu.memory_space<vmem>>, vector<16xf32>,
        %mul3A_451 = arith.mulf %get3A_450, %bitcast3A : vector<16xf32>
        %add3A_452 = arith.constant 0 : i32
        %add3A_453 = arith.addi %add3A_370, %add3A_452 : i32
        %swap3A_454 = arith.index_cast %add3A_453 : i32 to index
        %swap3A_455 = arith.constant 80 : index
        %swap3A_456 = tpu.vector_load %arg6[%swap3A_454, %swap3A_455] {strides = array<i32>} : memref<128x128xf32, #tpu.memory_space<vmem>>, vector<16xf32>,
        tpu.vector_store %arg6[%swap3A_454, %swap3A_455], %mul3A_451 {strides = array<i32>} : memref<128x128xf32, #tpu.memory_space<vmem>>, vector<16xf32>,
        %add3A_457 = arith.constant 0 : i32
        %add3A_458 = arith.addi %add3A_370, %add3A_457 : i32
        %get3A_459 = arith.index_cast %add3A_458 : i32 to index
        %get3A_460 = arith.constant 96 : index
        %get3A_461 = tpu.vector_load %arg6[%get3A_459, %get3A_460] {strides = array<i32>} : memref<128x128xf32, #tpu.memory_space<vmem>>, vector<16xf32>,
        %mul3A_462 = arith.mulf %get3A_461, %bitcast3A : vector<16xf32>
        %add3A_463 = arith.constant 0 : i32
        %add3A_464 = arith.addi %add3A_370, %add3A_463 : i32
        %swap3A_465 = arith.index_cast %add3A_464 : i32 to index
        %swap3A_466 = arith.constant 96 : index
        %swap3A_467 = tpu.vector_load %arg6[%swap3A_465, %swap3A_466] {strides = array<i32>} : memref<128x128xf32, #tpu.memory_space<vmem>>, vector<16xf32>,
        tpu.vector_store %arg6[%swap3A_465, %swap3A_466], %mul3A_462 {strides = array<i32>} : memref<128x128xf32, #tpu.memory_space<vmem>>, vector<16xf32>,
        %add3A_468 = arith.constant 0 : i32
        %add3A_469 = arith.addi %add3A_370, %add3A_468 : i32
        %get3A_470 = arith.index_cast %add3A_469 : i32 to index
        %get3A_471 = arith.constant 112 : index
        %get3A_472 = tpu.vector_load %arg6[%get3A_470, %get3A_471] {strides = array<i32>} : memref<128x128xf32, #tpu.memory_space<vmem>>, vector<16xf32>,
        %mul3A_473 = arith.mulf %get3A_472, %bitcast3A : vector<16xf32>
        %add3A_474 = arith.constant 0 : i32
        %add3A_475 = arith.addi %add3A_370, %add3A_474 : i32
        %swap3A_476 = arith.index_cast %add3A_475 : i32 to index
        %swap3A_477 = arith.constant 112 : index
        %swap3A_478 = tpu.vector_load %arg6[%swap3A_476, %swap3A_477] {strides = array<i32>} : memref<128x128xf32, #tpu.memory_space<vmem>>, vector<16xf32>,
        tpu.vector_store %arg6[%swap3A_476, %swap3A_477], %mul3A_473 {strides = array<i32>} : memref<128x128xf32, #tpu.memory_space<vmem>>, vector<16xf32>,
        %add3A_479 = arith.constant 1 : i32
        %add3A_480 = arith.addi %add3A_370, %add3A_479 : i32
        %get3A_481 = arith.index_cast %add3A_480 : i32 to index
        %get3A_482 = arith.constant 0 : index
        %get3A_483 = tpu.vector_load %arg6[%get3A_481, %get3A_482] {strides = array<i32>} : memref<128x128xf32, #tpu.memory_space<vmem>>, vector<16xf32>,
        %mul3A_484 = arith.mulf %get3A_483, %bitcast3A_382 : vector<16xf32>
        %add3A_485 = arith.constant 1 : i32
        %add3A_486 = arith.addi %add3A_370, %add3A_485 : i32
        %swap3A_487 = arith.index_cast %add3A_486 : i32 to index
        %swap3A_488 = arith.constant 0 : index
        %swap3A_489 = tpu.vector_load %arg6[%swap3A_487, %swap3A_488] {strides = array<i32>} : memref<128x128xf32, #tpu.memory_space<vmem>>, vector<16xf32>,
        tpu.vector_store %arg6[%swap3A_487, %swap3A_488], %mul3A_484 {strides = array<i32>} : memref<128x128xf32, #tpu.memory_space<vmem>>, vector<16xf32>,
        %add3A_490 = arith.constant 1 : i32
        %add3A_491 = arith.addi %add3A_370, %add3A_490 : i32
        %get3A_492 = arith.index_cast %add3A_491 : i32 to index
        %get3A_493 = arith.constant 16 : index
        %get3A_494 = tpu.vector_load %arg6[%get3A_492, %get3A_493] {strides = array<i32>} : memref<128x128xf32, #tpu.memory_space<vmem>>, vector<16xf32>,
        %mul3A_495 = arith.mulf %get3A_494, %bitcast3A_382 : vector<16xf32>
        %add3A_496 = arith.constant 1 : i32
        %add3A_497 = arith.addi %add3A_370, %add3A_496 : i32
        %swap3A_498 = arith.index_cast %add3A_497 : i32 to index
        %swap3A_499 = arith.constant 16 : index
        %swap3A_500 = tpu.vector_load %arg6[%swap3A_498, %swap3A_499] {strides = array<i32>} : memref<128x128xf32, #tpu.memory_space<vmem>>, vector<16xf32>,
        tpu.vector_store %arg6[%swap3A_498, %swap3A_499], %mul3A_495 {strides = array<i32>} : memref<128x128xf32, #tpu.memory_space<vmem>>, vector<16xf32>,
        %add3A_501 = arith.constant 1 : i32
        %add3A_502 = arith.addi %add3A_370, %add3A_501 : i32
        %get3A_503 = arith.index_cast %add3A_502 : i32 to index
        %get3A_504 = arith.constant 32 : index
        %get3A_505 = tpu.vector_load %arg6[%get3A_503, %get3A_504] {strides = array<i32>} : memref<128x128xf32, #tpu.memory_space<vmem>>, vector<16xf32>,
        %mul3A_506 = arith.mulf %get3A_505, %bitcast3A_382 : vector<16xf32>
        %add3A_507 = arith.constant 1 : i32
        %add3A_508 = arith.addi %add3A_370, %add3A_507 : i32
        %swap3A_509 = arith.index_cast %add3A_508 : i32 to index
        %swap3A_510 = arith.constant 32 : index
        %swap3A_511 = tpu.vector_load %arg6[%swap3A_509, %swap3A_510] {strides = array<i32>} : memref<128x128xf32, #tpu.memory_space<vmem>>, vector<16xf32>,
        tpu.vector_store %arg6[%swap3A_509, %swap3A_510], %mul3A_506 {strides = array<i32>} : memref<128x128xf32, #tpu.memory_space<vmem>>, vector<16xf32>,
        %add3A_512 = arith.constant 1 : i32
        %add3A_513 = arith.addi %add3A_370, %add3A_512 : i32
        %get3A_514 = arith.index_cast %add3A_513 : i32 to index
        %get3A_515 = arith.constant 48 : index
        %get3A_516 = tpu.vector_load %arg6[%get3A_514, %get3A_515] {strides = array<i32>} : memref<128x128xf32, #tpu.memory_space<vmem>>, vector<16xf32>,
        %mul3A_517 = arith.mulf %get3A_516, %bitcast3A_382 : vector<16xf32>
        %add3A_518 = arith.constant 1 : i32
        %add3A_519 = arith.addi %add3A_370, %add3A_518 : i32
        %swap3A_520 = arith.index_cast %add3A_519 : i32 to index
        %swap3A_521 = arith.constant 48 : index
        %swap3A_522 = tpu.vector_load %arg6[%swap3A_520, %swap3A_521] {strides = array<i32>} : memref<128x128xf32, #tpu.memory_space<vmem>>, vector<16xf32>,
        tpu.vector_store %arg6[%swap3A_520, %swap3A_521], %mul3A_517 {strides = array<i32>} : memref<128x128xf32, #tpu.memory_space<vmem>>, vector<16xf32>,
        %add3A_523 = arith.constant 1 : i32
        %add3A_524 = arith.addi %add3A_370, %add3A_523 : i32
        %get3A_525 = arith.index_cast %add3A_524 : i32 to index
        %get3A_526 = arith.constant 64 : index
        %get3A_527 = tpu.vector_load %arg6[%get3A_525, %get3A_526] {strides = array<i32>} : memref<128x128xf32, #tpu.memory_space<vmem>>, vector<16xf32>,
        %mul3A_528 = arith.mulf %get3A_527, %bitcast3A_382 : vector<16xf32>
        %add3A_529 = arith.constant 1 : i32
        %add3A_530 = arith.addi %add3A_370, %add3A_529 : i32
        %swap3A_531 = arith.index_cast %add3A_530 : i32 to index
        %swap3A_532 = arith.constant 64 : index
        %swap3A_533 = tpu.vector_load %arg6[%swap3A_531, %swap3A_532] {strides = array<i32>} : memref<128x128xf32, #tpu.memory_space<vmem>>, vector<16xf32>,
        tpu.vector_store %arg6[%swap3A_531, %swap3A_532], %mul3A_528 {strides = array<i32>} : memref<128x128xf32, #tpu.memory_space<vmem>>, vector<16xf32>,
        %add3A_534 = arith.constant 1 : i32
        %add3A_535 = arith.addi %add3A_370, %add3A_534 : i32
        %get3A_536 = arith.index_cast %add3A_535 : i32 to index
        %get3A_537 = arith.constant 80 : index
        %get3A_538 = tpu.vector_load %arg6[%get3A_536, %get3A_537] {strides = array<i32>} : memref<128x128xf32, #tpu.memory_space<vmem>>, vector<16xf32>,
        %mul3A_539 = arith.mulf %get3A_538, %bitcast3A_382 : vector<16xf32>
        %add3A_540 = arith.constant 1 : i32
        %add3A_541 = arith.addi %add3A_370, %add3A_540 : i32
        %swap3A_542 = arith.index_cast %add3A_541 : i32 to index
        %swap3A_543 = arith.constant 80 : index
        %swap3A_544 = tpu.vector_load %arg6[%swap3A_542, %swap3A_543] {strides = array<i32>} : memref<128x128xf32, #tpu.memory_space<vmem>>, vector<16xf32>,
        tpu.vector_store %arg6[%swap3A_542, %swap3A_543], %mul3A_539 {strides = array<i32>} : memref<128x128xf32, #tpu.memory_space<vmem>>, vector<16xf32>,
        %add3A_545 = arith.constant 1 : i32
        %add3A_546 = arith.addi %add3A_370, %add3A_545 : i32
        %get3A_547 = arith.index_cast %add3A_546 : i32 to index
        %get3A_548 = arith.constant 96 : index
        %get3A_549 = tpu.vector_load %arg6[%get3A_547, %get3A_548] {strides = array<i32>} : memref<128x128xf32, #tpu.memory_space<vmem>>, vector<16xf32>,
        %mul3A_550 = arith.mulf %get3A_549, %bitcast3A_382 : vector<16xf32>
        %add3A_551 = arith.constant 1 : i32
        %add3A_552 = arith.addi %add3A_370, %add3A_551 : i32
        %swap3A_553 = arith.index_cast %add3A_552 : i32 to index
        %swap3A_554 = arith.constant 96 : index
        %swap3A_555 = tpu.vector_load %arg6[%swap3A_553, %swap3A_554] {strides = array<i32>} : memref<128x128xf32, #tpu.memory_space<vmem>>, vector<16xf32>,
        tpu.vector_store %arg6[%swap3A_553, %swap3A_554], %mul3A_550 {strides = array<i32>} : memref<128x128xf32, #tpu.memory_space<vmem>>, vector<16xf32>,
        %add3A_556 = arith.constant 1 : i32
        %add3A_557 = arith.addi %add3A_370, %add3A_556 : i32
        %get3A_558 = arith.index_cast %add3A_557 : i32 to index
        %get3A_559 = arith.constant 112 : index
        %get3A_560 = tpu.vector_load %arg6[%get3A_558, %get3A_559] {strides = array<i32>} : memref<128x128xf32, #tpu.memory_space<vmem>>, vector<16xf32>,
        %mul3A_561 = arith.mulf %get3A_560, %bitcast3A_382 : vector<16xf32>
        %add3A_562 = arith.constant 1 : i32
        %add3A_563 = arith.addi %add3A_370, %add3A_562 : i32
        %swap3A_564 = arith.index_cast %add3A_563 : i32 to index
        %swap3A_565 = arith.constant 112 : index
        %swap3A_566 = tpu.vector_load %arg6[%swap3A_564, %swap3A_565] {strides = array<i32>} : memref<128x128xf32, #tpu.memory_space<vmem>>, vector<16xf32>,
        tpu.vector_store %arg6[%swap3A_564, %swap3A_565], %mul3A_561 {strides = array<i32>} : memref<128x128xf32, #tpu.memory_space<vmem>>, vector<16xf32>,
        %add3A_567 = arith.constant 2 : i32
        %add3A_568 = arith.addi %add3A_370, %add3A_567 : i32
        %get3A_569 = arith.index_cast %add3A_568 : i32 to index
        %get3A_570 = arith.constant 0 : index
        %get3A_571 = tpu.vector_load %arg6[%get3A_569, %get3A_570] {strides = array<i32>} : memref<128x128xf32, #tpu.memory_space<vmem>>, vector<16xf32>,
        %mul3A_572 = arith.mulf %get3A_571, %bitcast3A_387 : vector<16xf32>
        %add3A_573 = arith.constant 2 : i32
        %add3A_574 = arith.addi %add3A_370, %add3A_573 : i32
        %swap3A_575 = arith.index_cast %add3A_574 : i32 to index
        %swap3A_576 = arith.constant 0 : index
        %swap3A_577 = tpu.vector_load %arg6[%swap3A_575, %swap3A_576] {strides = array<i32>} : memref<128x128xf32, #tpu.memory_space<vmem>>, vector<16xf32>,
        tpu.vector_store %arg6[%swap3A_575, %swap3A_576], %mul3A_572 {strides = array<i32>} : memref<128x128xf32, #tpu.memory_space<vmem>>, vector<16xf32>,
        %add3A_578 = arith.constant 2 : i32
        %add3A_579 = arith.addi %add3A_370, %add3A_578 : i32
        %get3A_580 = arith.index_cast %add3A_579 : i32 to index
        %get3A_581 = arith.constant 16 : index
        %get3A_582 = tpu.vector_load %arg6[%get3A_580, %get3A_581] {strides = array<i32>} : memref<128x128xf32, #tpu.memory_space<vmem>>, vector<16xf32>,
        %mul3A_583 = arith.mulf %get3A_582, %bitcast3A_387 : vector<16xf32>
        %add3A_584 = arith.constant 2 : i32
        %add3A_585 = arith.addi %add3A_370, %add3A_584 : i32
        %swap3A_586 = arith.index_cast %add3A_585 : i32 to index
        %swap3A_587 = arith.constant 16 : index
        %swap3A_588 = tpu.vector_load %arg6[%swap3A_586, %swap3A_587] {strides = array<i32>} : memref<128x128xf32, #tpu.memory_space<vmem>>, vector<16xf32>,
        tpu.vector_store %arg6[%swap3A_586, %swap3A_587], %mul3A_583 {strides = array<i32>} : memref<128x128xf32, #tpu.memory_space<vmem>>, vector<16xf32>,
        %add3A_589 = arith.constant 2 : i32
        %add3A_590 = arith.addi %add3A_370, %add3A_589 : i32
        %get3A_591 = arith.index_cast %add3A_590 : i32 to index
        %get3A_592 = arith.constant 32 : index
        %get3A_593 = tpu.vector_load %arg6[%get3A_591, %get3A_592] {strides = array<i32>} : memref<128x128xf32, #tpu.memory_space<vmem>>, vector<16xf32>,
        %mul3A_594 = arith.mulf %get3A_593, %bitcast3A_387 : vector<16xf32>
        %add3A_595 = arith.constant 2 : i32
        %add3A_596 = arith.addi %add3A_370, %add3A_595 : i32
        %swap3A_597 = arith.index_cast %add3A_596 : i32 to index
        %swap3A_598 = arith.constant 32 : index
        %swap3A_599 = tpu.vector_load %arg6[%swap3A_597, %swap3A_598] {strides = array<i32>} : memref<128x128xf32, #tpu.memory_space<vmem>>, vector<16xf32>,
        tpu.vector_store %arg6[%swap3A_597, %swap3A_598], %mul3A_594 {strides = array<i32>} : memref<128x128xf32, #tpu.memory_space<vmem>>, vector<16xf32>,
        %add3A_600 = arith.constant 2 : i32
        %add3A_601 = arith.addi %add3A_370, %add3A_600 : i32
        %get3A_602 = arith.index_cast %add3A_601 : i32 to index
        %get3A_603 = arith.constant 48 : index
        %get3A_604 = tpu.vector_load %arg6[%get3A_602, %get3A_603] {strides = array<i32>} : memref<128x128xf32, #tpu.memory_space<vmem>>, vector<16xf32>,
        %mul3A_605 = arith.mulf %get3A_604, %bitcast3A_387 : vector<16xf32>
        %add3A_606 = arith.constant 2 : i32
        %add3A_607 = arith.addi %add3A_370, %add3A_606 : i32
        %swap3A_608 = arith.index_cast %add3A_607 : i32 to index
        %swap3A_609 = arith.constant 48 : index
        %swap3A_610 = tpu.vector_load %arg6[%swap3A_608, %swap3A_609] {strides = array<i32>} : memref<128x128xf32, #tpu.memory_space<vmem>>, vector<16xf32>,
        tpu.vector_store %arg6[%swap3A_608, %swap3A_609], %mul3A_605 {strides = array<i32>} : memref<128x128xf32, #tpu.memory_space<vmem>>, vector<16xf32>,
        %add3A_611 = arith.constant 2 : i32
        %add3A_612 = arith.addi %add3A_370, %add3A_611 : i32
        %get3A_613 = arith.index_cast %add3A_612 : i32 to index
        %get3A_614 = arith.constant 64 : index
        %get3A_615 = tpu.vector_load %arg6[%get3A_613, %get3A_614] {strides = array<i32>} : memref<128x128xf32, #tpu.memory_space<vmem>>, vector<16xf32>,
        %mul3A_616 = arith.mulf %get3A_615, %bitcast3A_387 : vector<16xf32>
        %add3A_617 = arith.constant 2 : i32
        %add3A_618 = arith.addi %add3A_370, %add3A_617 : i32
        %swap3A_619 = arith.index_cast %add3A_618 : i32 to index
        %swap3A_620 = arith.constant 64 : index
        %swap3A_621 = tpu.vector_load %arg6[%swap3A_619, %swap3A_620] {strides = array<i32>} : memref<128x128xf32, #tpu.memory_space<vmem>>, vector<16xf32>,
        tpu.vector_store %arg6[%swap3A_619, %swap3A_620], %mul3A_616 {strides = array<i32>} : memref<128x128xf32, #tpu.memory_space<vmem>>, vector<16xf32>,
        %add3A_622 = arith.constant 2 : i32
        %add3A_623 = arith.addi %add3A_370, %add3A_622 : i32
        %get3A_624 = arith.index_cast %add3A_623 : i32 to index
        %get3A_625 = arith.constant 80 : index
        %get3A_626 = tpu.vector_load %arg6[%get3A_624, %get3A_625] {strides = array<i32>} : memref<128x128xf32, #tpu.memory_space<vmem>>, vector<16xf32>,
        %mul3A_627 = arith.mulf %get3A_626, %bitcast3A_387 : vector<16xf32>
        %add3A_628 = arith.constant 2 : i32
        %add3A_629 = arith.addi %add3A_370, %add3A_628 : i32
        %swap3A_630 = arith.index_cast %add3A_629 : i32 to index
        %swap3A_631 = arith.constant 80 : index
        %swap3A_632 = tpu.vector_load %arg6[%swap3A_630, %swap3A_631] {strides = array<i32>} : memref<128x128xf32, #tpu.memory_space<vmem>>, vector<16xf32>,
        tpu.vector_store %arg6[%swap3A_630, %swap3A_631], %mul3A_627 {strides = array<i32>} : memref<128x128xf32, #tpu.memory_space<vmem>>, vector<16xf32>,
        %add3A_633 = arith.constant 2 : i32
        %add3A_634 = arith.addi %add3A_370, %add3A_633 : i32
        %get3A_635 = arith.index_cast %add3A_634 : i32 to index
        %get3A_636 = arith.constant 96 : index
        %get3A_637 = tpu.vector_load %arg6[%get3A_635, %get3A_636] {strides = array<i32>} : memref<128x128xf32, #tpu.memory_space<vmem>>, vector<16xf32>,
        %mul3A_638 = arith.mulf %get3A_637, %bitcast3A_387 : vector<16xf32>
        %add3A_639 = arith.constant 2 : i32
        %add3A_640 = arith.addi %add3A_370, %add3A_639 : i32
        %swap3A_641 = arith.index_cast %add3A_640 : i32 to index
        %swap3A_642 = arith.constant 96 : index
        %swap3A_643 = tpu.vector_load %arg6[%swap3A_641, %swap3A_642] {strides = array<i32>} : memref<128x128xf32, #tpu.memory_space<vmem>>, vector<16xf32>,
        tpu.vector_store %arg6[%swap3A_641, %swap3A_642], %mul3A_638 {strides = array<i32>} : memref<128x128xf32, #tpu.memory_space<vmem>>, vector<16xf32>,
        %add3A_644 = arith.constant 2 : i32
        %add3A_645 = arith.addi %add3A_370, %add3A_644 : i32
        %get3A_646 = arith.index_cast %add3A_645 : i32 to index
        %get3A_647 = arith.constant 112 : index
        %get3A_648 = tpu.vector_load %arg6[%get3A_646, %get3A_647] {strides = array<i32>} : memref<128x128xf32, #tpu.memory_space<vmem>>, vector<16xf32>,
        %mul3A_649 = arith.mulf %get3A_648, %bitcast3A_387 : vector<16xf32>
        %add3A_650 = arith.constant 2 : i32
        %add3A_651 = arith.addi %add3A_370, %add3A_650 : i32
        %swap3A_652 = arith.index_cast %add3A_651 : i32 to index
        %swap3A_653 = arith.constant 112 : index
        %swap3A_654 = tpu.vector_load %arg6[%swap3A_652, %swap3A_653] {strides = array<i32>} : memref<128x128xf32, #tpu.memory_space<vmem>>, vector<16xf32>,
        tpu.vector_store %arg6[%swap3A_652, %swap3A_653], %mul3A_649 {strides = array<i32>} : memref<128x128xf32, #tpu.memory_space<vmem>>, vector<16xf32>,
        %add3A_655 = arith.constant 3 : i32
        %add3A_656 = arith.addi %add3A_370, %add3A_655 : i32
        %get3A_657 = arith.index_cast %add3A_656 : i32 to index
        %get3A_658 = arith.constant 0 : index
        %get3A_659 = tpu.vector_load %arg6[%get3A_657, %get3A_658] {strides = array<i32>} : memref<128x128xf32, #tpu.memory_space<vmem>>, vector<16xf32>,
        %mul3A_660 = arith.mulf %get3A_659, %bitcast3A_392 : vector<16xf32>
        %add3A_661 = arith.constant 3 : i32
        %add3A_662 = arith.addi %add3A_370, %add3A_661 : i32
        %swap3A_663 = arith.index_cast %add3A_662 : i32 to index
        %swap3A_664 = arith.constant 0 : index
        %swap3A_665 = tpu.vector_load %arg6[%swap3A_663, %swap3A_664] {strides = array<i32>} : memref<128x128xf32, #tpu.memory_space<vmem>>, vector<16xf32>,
        tpu.vector_store %arg6[%swap3A_663, %swap3A_664], %mul3A_660 {strides = array<i32>} : memref<128x128xf32, #tpu.memory_space<vmem>>, vector<16xf32>,
        %add3A_666 = arith.constant 3 : i32
        %add3A_667 = arith.addi %add3A_370, %add3A_666 : i32
        %get3A_668 = arith.index_cast %add3A_667 : i32 to index
        %get3A_669 = arith.constant 16 : index
        %get3A_670 = tpu.vector_load %arg6[%get3A_668, %get3A_669] {strides = array<i32>} : memref<128x128xf32, #tpu.memory_space<vmem>>, vector<16xf32>,
        %mul3A_671 = arith.mulf %get3A_670, %bitcast3A_392 : vector<16xf32>
        %add3A_672 = arith.constant 3 : i32
        %add3A_673 = arith.addi %add3A_370, %add3A_672 : i32
        %swap3A_674 = arith.index_cast %add3A_673 : i32 to index
        %swap3A_675 = arith.constant 16 : index
        %swap3A_676 = tpu.vector_load %arg6[%swap3A_674, %swap3A_675] {strides = array<i32>} : memref<128x128xf32, #tpu.memory_space<vmem>>, vector<16xf32>,
        tpu.vector_store %arg6[%swap3A_674, %swap3A_675], %mul3A_671 {strides = array<i32>} : memref<128x128xf32, #tpu.memory_space<vmem>>, vector<16xf32>,
        %add3A_677 = arith.constant 3 : i32
        %add3A_678 = arith.addi %add3A_370, %add3A_677 : i32
        %get3A_679 = arith.index_cast %add3A_678 : i32 to index
        %get3A_680 = arith.constant 32 : index
        %get3A_681 = tpu.vector_load %arg6[%get3A_679, %get3A_680] {strides = array<i32>} : memref<128x128xf32, #tpu.memory_space<vmem>>, vector<16xf32>,
        %mul3A_682 = arith.mulf %get3A_681, %bitcast3A_392 : vector<16xf32>
        %add3A_683 = arith.constant 3 : i32
        %add3A_684 = arith.addi %add3A_370, %add3A_683 : i32
        %swap3A_685 = arith.index_cast %add3A_684 : i32 to index
        %swap3A_686 = arith.constant 32 : index
        %swap3A_687 = tpu.vector_load %arg6[%swap3A_685, %swap3A_686] {strides = array<i32>} : memref<128x128xf32, #tpu.memory_space<vmem>>, vector<16xf32>,
        tpu.vector_store %arg6[%swap3A_685, %swap3A_686], %mul3A_682 {strides = array<i32>} : memref<128x128xf32, #tpu.memory_space<vmem>>, vector<16xf32>,
        %add3A_688 = arith.constant 3 : i32
        %add3A_689 = arith.addi %add3A_370, %add3A_688 : i32
        %get3A_690 = arith.index_cast %add3A_689 : i32 to index
        %get3A_691 = arith.constant 48 : index
        %get3A_692 = tpu.vector_load %arg6[%get3A_690, %get3A_691] {strides = array<i32>} : memref<128x128xf32, #tpu.memory_space<vmem>>, vector<16xf32>,
        %mul3A_693 = arith.mulf %get3A_692, %bitcast3A_392 : vector<16xf32>
        %add3A_694 = arith.constant 3 : i32
        %add3A_695 = arith.addi %add3A_370, %add3A_694 : i32
        %swap3A_696 = arith.index_cast %add3A_695 : i32 to index
        %swap3A_697 = arith.constant 48 : index
        %swap3A_698 = tpu.vector_load %arg6[%swap3A_696, %swap3A_697] {strides = array<i32>} : memref<128x128xf32, #tpu.memory_space<vmem>>, vector<16xf32>,
        tpu.vector_store %arg6[%swap3A_696, %swap3A_697], %mul3A_693 {strides = array<i32>} : memref<128x128xf32, #tpu.memory_space<vmem>>, vector<16xf32>,
        %add3A_699 = arith.constant 3 : i32
        %add3A_700 = arith.addi %add3A_370, %add3A_699 : i32
        %get3A_701 = arith.index_cast %add3A_700 : i32 to index
        %get3A_702 = arith.constant 64 : index
        %get3A_703 = tpu.vector_load %arg6[%get3A_701, %get3A_702] {strides = array<i32>} : memref<128x128xf32, #tpu.memory_space<vmem>>, vector<16xf32>,
        %mul3A_704 = arith.mulf %get3A_703, %bitcast3A_392 : vector<16xf32>
        %add3A_705 = arith.constant 3 : i32
        %add3A_706 = arith.addi %add3A_370, %add3A_705 : i32
        %swap3A_707 = arith.index_cast %add3A_706 : i32 to index
        %swap3A_708 = arith.constant 64 : index
        %swap3A_709 = tpu.vector_load %arg6[%swap3A_707, %swap3A_708] {strides = array<i32>} : memref<128x128xf32, #tpu.memory_space<vmem>>, vector<16xf32>,
        tpu.vector_store %arg6[%swap3A_707, %swap3A_708], %mul3A_704 {strides = array<i32>} : memref<128x128xf32, #tpu.memory_space<vmem>>, vector<16xf32>,
        %add3A_710 = arith.constant 3 : i32
        %add3A_711 = arith.addi %add3A_370, %add3A_710 : i32
        %get3A_712 = arith.index_cast %add3A_711 : i32 to index
        %get3A_713 = arith.constant 80 : index
        %get3A_714 = tpu.vector_load %arg6[%get3A_712, %get3A_713] {strides = array<i32>} : memref<128x128xf32, #tpu.memory_space<vmem>>, vector<16xf32>,
        %mul3A_715 = arith.mulf %get3A_714, %bitcast3A_392 : vector<16xf32>
        %add3A_716 = arith.constant 3 : i32
        %add3A_717 = arith.addi %add3A_370, %add3A_716 : i32
        %swap3A_718 = arith.index_cast %add3A_717 : i32 to index
        %swap3A_719 = arith.constant 80 : index
        %swap3A_720 = tpu.vector_load %arg6[%swap3A_718, %swap3A_719] {strides = array<i32>} : memref<128x128xf32, #tpu.memory_space<vmem>>, vector<16xf32>,
        tpu.vector_store %arg6[%swap3A_718, %swap3A_719], %mul3A_715 {strides = array<i32>} : memref<128x128xf32, #tpu.memory_space<vmem>>, vector<16xf32>,
        %add3A_721 = arith.constant 3 : i32
        %add3A_722 = arith.addi %add3A_370, %add3A_721 : i32
        %get3A_723 = arith.index_cast %add3A_722 : i32 to index
        %get3A_724 = arith.constant 96 : index
        %get3A_725 = tpu.vector_load %arg6[%get3A_723, %get3A_724] {strides = array<i32>} : memref<128x128xf32, #tpu.memory_space<vmem>>, vector<16xf32>,
        %mul3A_726 = arith.mulf %get3A_725, %bitcast3A_392 : vector<16xf32>
        %add3A_727 = arith.constant 3 : i32
        %add3A_728 = arith.addi %add3A_370, %add3A_727 : i32
        %swap3A_729 = arith.index_cast %add3A_728 : i32 to index
        %swap3A_730 = arith.constant 96 : index
        %swap3A_731 = tpu.vector_load %arg6[%swap3A_729, %swap3A_730] {strides = array<i32>} : memref<128x128xf32, #tpu.memory_space<vmem>>, vector<16xf32>,
        tpu.vector_store %arg6[%swap3A_729, %swap3A_730], %mul3A_726 {strides = array<i32>} : memref<128x128xf32, #tpu.memory_space<vmem>>, vector<16xf32>,
        %add3A_732 = arith.constant 3 : i32
        %add3A_733 = arith.addi %add3A_370, %add3A_732 : i32
        %get3A_734 = arith.index_cast %add3A_733 : i32 to index
        %get3A_735 = arith.constant 112 : index
        %get3A_736 = tpu.vector_load %arg6[%get3A_734, %get3A_735] {strides = array<i32>} : memref<128x128xf32, #tpu.memory_space<vmem>>, vector<16xf32>,
        %mul3A_737 = arith.mulf %get3A_736, %bitcast3A_392 : vector<16xf32>
        %add3A_738 = arith.constant 3 : i32
        %add3A_739 = arith.addi %add3A_370, %add3A_738 : i32
        %swap3A_740 = arith.index_cast %add3A_739 : i32 to index
        %swap3A_741 = arith.constant 112 : index
        %swap3A_742 = tpu.vector_load %arg6[%swap3A_740, %swap3A_741] {strides = array<i32>} : memref<128x128xf32, #tpu.memory_space<vmem>>, vector<16xf32>,
        tpu.vector_store %arg6[%swap3A_740, %swap3A_741], %mul3A_737 {strides = array<i32>} : memref<128x128xf32, #tpu.memory_space<vmem>>, vector<16xf32>,
      }
      %scan3A_203 = arith.constant 32 : i32
      %dma_start3A_204 = arith.constant 1 : i32
      %dma_start3A_205 = arith.constant 0 : i32
      %dma_start3A_206 = arith.constant 0 : i32
      %dma_start3A_207 = tpu.memref_slice %arg5[%dma_start3A_204, %dma_start3A_205, %dma_start3A_206] : memref<12x1x128xi32, #tpu.memory_space<vmem>> -> memref<1x1x128xi32, #tpu.memory_space<vmem>>
      %dma_start3A_208 = tpu.memref_squeeze %dma_start3A_207 : memref<1x1x128xi32, #tpu.memory_space<vmem>> -> memref<128xi32, #tpu.memory_space<vmem>>
      %dma_start3A_209 = arith.constant 0 : i32
      %dma_start3A_210 = arith.constant 0 : i32
      %dma_start3A_211 = tpu.memref_slice %arg8[%dma_start3A_209, %dma_start3A_210] : memref<10000x128xf32, #tpu.memory_space<vmem_shared>> -> memref<10000x128xf32, #tpu.memory_space<vmem_shared>>
      tpu.enqueue_indirect_dma source(%arg6 : memref<128x128xf32, #tpu.memory_space<vmem>>) target(%dma_start3A_211 : memref<10000x128xf32, #tpu.memory_space<vmem_shared>>) offsets(%dma_start3A_208 : memref<128xi32, #tpu.memory_space<vmem>>) semaphore(%arg15 : memref<!tpu.dma_semaphore, #tpu.memory_space<semaphore_mem>>) {add = true}
      %add3A_212 = arith.constant 3 : i32
      %add3A_213 = arith.addi %add3A_175, %add3A_212 : i32
      %lt3A_214 = arith.constant 80 : i32
      %lt3A_215 = arith.cmpi slt, %add3A_213, %lt3A_214 : i32
      %convert_element_type3A_216 = arith.extui %lt3A_215 : i1 to i32
      %cond3A_217 = arith.constant 0 : i32
      %cond3A_218 = arith.cmpi ne, %convert_element_type3A_216, %cond3A_217 : i32
      scf.if %cond3A_218 {
        %add3A_366 = arith.constant 3 : i32
        %add3A_367 = arith.addi %add3A_175, %add3A_366 : i32
        %add3A_368 = arith.addi %mul3A_2, %add3A_367 : i32
        %mul3A_369 = arith.constant 3 : i32
        %mul3A_370 = arith.muli %add3A_368, %mul3A_369 : i32
        %dma_start3A_371 = arith.constant 9 : i32
        %dma_start3A_372 = arith.constant 0 : i32
        %dma_start3A_373 = arith.constant 0 : i32
        %dma_start3A_374 = tpu.memref_slice %arg5[%dma_start3A_371, %dma_start3A_372, %dma_start3A_373] : memref<12x1x128xi32, #tpu.memory_space<vmem>> -> memref<3x1x128xi32, #tpu.memory_space<vmem>>
        %dma_start3A_375 = arith.constant 0 : i32
        %dma_start3A_376 = arith.constant 0 : i32
        %dma_start3A_377 = tpu.memref_slice %arg3[%mul3A_370, %dma_start3A_375, %dma_start3A_376] : memref<7680x1x128xi32, #tpu.memory_space<hbm>> -> memref<3x1x128xi32, #tpu.memory_space<hbm>>
        %dma_start3A_378 = arith.constant 9 : i32
        %dma_start3A_379 = arith.constant 0 : i32
        %dma_start3A_380 = arith.constant 0 : i32
        %dma_start3A_381 = tpu.memref_slice %arg5[%dma_start3A_378, %dma_start3A_379, %dma_start3A_380] : memref<12x1x128xi32, #tpu.memory_space<vmem>> -> memref<3x1x128xi32, #tpu.memory_space<vmem>>
        %dma_start3A_382 = arith.constant 0 : i32
        %dma_start3A_383 = arith.constant 0 : i32
        %dma_start3A_384 = tpu.memref_slice %arg3[%mul3A_370, %dma_start3A_382, %dma_start3A_383] : memref<7680x1x128xi32, #tpu.memory_space<hbm>> -> memref<3x1x128xi32, #tpu.memory_space<hbm>>
        tpu.enqueue_dma source(%dma_start3A_384 : memref<3x1x128xi32, #tpu.memory_space<hbm>>) target(%dma_start3A_381 : memref<3x1x128xi32, #tpu.memory_space<vmem>>) target_semaphore(%arg12 : memref<!tpu.dma_semaphore, #tpu.memory_space<semaphore_mem>>)
      } else {
      }
      %add3A_219 = arith.constant 1 : i32
      %add3A_220 = arith.addi %add3A_173, %add3A_219 : i32
      %add3A_221 = arith.constant 1 : i32
      %add3A_222 = arith.addi %add3A_220, %add3A_221 : i32
      %lt3A_223 = arith.constant 80 : i32
      %lt3A_224 = arith.cmpi slt, %add3A_222, %lt3A_223 : i32
      %convert_element_type3A_225 = arith.extui %lt3A_224 : i1 to i32
      %cond3A_226 = arith.constant 0 : i32
      %cond3A_227 = arith.cmpi ne, %convert_element_type3A_225, %cond3A_226 : i32
      scf.if %cond3A_227 {
        %add3A_366 = arith.constant 1 : i32
        %add3A_367 = arith.addi %add3A_220, %add3A_366 : i32
        %add3A_368 = arith.addi %mul3A_2, %add3A_367 : i32
        %mul3A_369 = arith.constant 3 : i32
        %mul3A_370 = arith.muli %add3A_368, %mul3A_369 : i32
        %dma_wait3A_371 = arith.constant 6 : i32
        %dma_wait3A_372 = arith.constant 0 : i32
        %dma_wait3A_373 = arith.constant 0 : i32
        %dma_wait3A_374 = tpu.memref_slice %arg5[%dma_wait3A_371, %dma_wait3A_372, %dma_wait3A_373] : memref<12x1x128xi32, #tpu.memory_space<vmem>> -> memref<3x1x128xi32, #tpu.memory_space<vmem>>
        %dma_wait3A_375 = arith.constant 0 : i32
        %dma_wait3A_376 = arith.constant 0 : i32
        %dma_wait3A_377 = tpu.memref_slice %arg3[%mul3A_370, %dma_wait3A_375, %dma_wait3A_376] : memref<7680x1x128xi32, #tpu.memory_space<hbm>> -> memref<3x1x128xi32, #tpu.memory_space<hbm>>
        %dma_wait3A_378 = arith.constant 6 : i32
        %dma_wait3A_379 = arith.constant 0 : i32
        %dma_wait3A_380 = arith.constant 0 : i32
        %dma_wait3A_381 = tpu.memref_slice %arg5[%dma_wait3A_378, %dma_wait3A_379, %dma_wait3A_380] : memref<12x1x128xi32, #tpu.memory_space<vmem>> -> memref<3x1x128xi32, #tpu.memory_space<vmem>>
        %dma_wait3A_382 = arith.constant 0 : i32
        %dma_wait3A_383 = arith.constant 0 : i32
        %dma_wait3A_384 = tpu.memref_slice %arg3[%mul3A_370, %dma_wait3A_382, %dma_wait3A_383] : memref<7680x1x128xi32, #tpu.memory_space<hbm>> -> memref<3x1x128xi32, #tpu.memory_space<hbm>>
        tpu.wait_dma2 semaphore(%arg11 : memref<!tpu.dma_semaphore, #tpu.memory_space<semaphore_mem>>) src(%dma_wait3A_384 : memref<3x1x128xi32, #tpu.memory_space<hbm>>) dst(%dma_wait3A_381 : memref<3x1x128xi32, #tpu.memory_space<vmem>>)
      } else {
      }
      %dma_wait3A_228 = arith.constant 3 : i32
      %dma_wait3A_229 = arith.constant 0 : i32
      %dma_wait3A_230 = arith.constant 0 : i32
      %dma_wait3A_231 = tpu.memref_slice %arg5[%dma_wait3A_228, %dma_wait3A_229, %dma_wait3A_230] : memref<12x1x128xi32, #tpu.memory_space<vmem>> -> memref<1x1x128xi32, #tpu.memory_space<vmem>>
      %dma_wait3A_232 = tpu.memref_squeeze %dma_wait3A_231 : memref<1x1x128xi32, #tpu.memory_space<vmem>> -> memref<128xi32, #tpu.memory_space<vmem>>
      %dma_wait3A_233 = arith.constant 0 : i32
      %dma_wait3A_234 = arith.constant 0 : i32
      %dma_wait3A_235 = tpu.memref_slice %arg2[%dma_wait3A_233, %dma_wait3A_234] : memref<10000x128xf32, #tpu.memory_space<hbm>> -> memref<10000x128xf32, #tpu.memory_space<hbm>>
      tpu.wait_indirect_dma semaphore(%arg14 : memref<!tpu.dma_semaphore, #tpu.memory_space<semaphore_mem>>) src(%dma_wait3A_235 : memref<10000x128xf32, #tpu.memory_space<hbm>>) dst(%arg7 : memref<128x128xf32, #tpu.memory_space<vmem>>)
      %gt3A_236 = arith.constant 0 : i32
      %gt3A_237 = arith.cmpi sgt, %add3A_220, %gt3A_236 : i32
      %convert_element_type3A_238 = arith.extui %gt3A_237 : i1 to i32
      %cond3A_239 = arith.constant 0 : i32
      %cond3A_240 = arith.cmpi ne, %convert_element_type3A_238, %cond3A_239 : i32
      scf.if %cond3A_240 {
        %dma_wait3A_366 = arith.constant 1 : i32
        %dma_wait3A_367 = arith.constant 0 : i32
        %dma_wait3A_368 = arith.constant 0 : i32
        %dma_wait3A_369 = tpu.memref_slice %arg5[%dma_wait3A_366, %dma_wait3A_367, %dma_wait3A_368] : memref<12x1x128xi32, #tpu.memory_space<vmem>> -> memref<1x1x128xi32, #tpu.memory_space<vmem>>
        %dma_wait3A_370 = tpu.memref_squeeze %dma_wait3A_369 : memref<1x1x128xi32, #tpu.memory_space<vmem>> -> memref<128xi32, #tpu.memory_space<vmem>>
        %dma_wait3A_371 = arith.constant 0 : i32
        %dma_wait3A_372 = arith.constant 0 : i32
        %dma_wait3A_373 = tpu.memref_slice %arg8[%dma_wait3A_371, %dma_wait3A_372] : memref<10000x128xf32, #tpu.memory_space<vmem_shared>> -> memref<10000x128xf32, #tpu.memory_space<vmem_shared>>
        tpu.wait_indirect_dma semaphore(%arg15 : memref<!tpu.dma_semaphore, #tpu.memory_space<semaphore_mem>>) src(%arg6 : memref<128x128xf32, #tpu.memory_space<vmem>>) dst(%dma_wait3A_373 : memref<10000x128xf32, #tpu.memory_space<vmem_shared>>)
      } else {
      }
      %add3A_241 = arith.constant 1 : i32
      %add3A_242 = arith.addi %add3A_220, %add3A_241 : i32
      %lt3A_243 = arith.constant 80 : i32
      %lt3A_244 = arith.cmpi slt, %add3A_242, %lt3A_243 : i32
      %convert_element_type3A_245 = arith.extui %lt3A_244 : i1 to i32
      %cond3A_246 = arith.constant 0 : i32
      %cond3A_247 = arith.cmpi ne, %convert_element_type3A_245, %cond3A_246 : i32
      scf.if %cond3A_247 {
        %dma_start3A_366 = arith.constant 6 : i32
        %dma_start3A_367 = arith.constant 0 : i32
        %dma_start3A_368 = arith.constant 0 : i32
        %dma_start3A_369 = tpu.memref_slice %arg5[%dma_start3A_366, %dma_start3A_367, %dma_start3A_368] : memref<12x1x128xi32, #tpu.memory_space<vmem>> -> memref<1x1x128xi32, #tpu.memory_space<vmem>>
        %dma_start3A_370 = tpu.memref_squeeze %dma_start3A_369 : memref<1x1x128xi32, #tpu.memory_space<vmem>> -> memref<128xi32, #tpu.memory_space<vmem>>
        %dma_start3A_371 = arith.constant 0 : i32
        %dma_start3A_372 = arith.constant 0 : i32
        %dma_start3A_373 = tpu.memref_slice %arg2[%dma_start3A_371, %dma_start3A_372] : memref<10000x128xf32, #tpu.memory_space<hbm>> -> memref<10000x128xf32, #tpu.memory_space<hbm>>
        tpu.enqueue_indirect_dma source(%dma_start3A_373 : memref<10000x128xf32, #tpu.memory_space<hbm>>) target(%arg6 : memref<128x128xf32, #tpu.memory_space<vmem>>) offsets(%dma_start3A_370 : memref<128xi32, #tpu.memory_space<vmem>>) semaphore(%arg13 : memref<!tpu.dma_semaphore, #tpu.memory_space<semaphore_mem>>)
      } else {
      }
      %scan3A_248 = arith.constant 0 : i32
      %scan3A_249 = arith.constant 32 : i32
      %scan3A_250 = arith.addi %scan3A_248, %scan3A_249 : i32
      %scan3A_251 = arith.constant 1 : i32
      scf.for %scan3A_366 = %scan3A_248 to %scan3A_250 step %scan3A_251  : i32 {
        %mul3A_367 = arith.constant 4 : i32
        %mul3A_368 = arith.muli %scan3A_366, %mul3A_367 : i32
        %add3A_369 = arith.constant 0 : i32
        %add3A_370 = arith.addi %add3A_369, %mul3A_368 : i32
        %broadcast_in_dim3A_371 = arith.constant 5 : i32
        %broadcast_in_dim3A_372 = vector.broadcast %broadcast_in_dim3A_371 : i32 to vector<16xi32>
        %broadcast_in_dim3A_373 = arith.constant 0 : i32
        %broadcast_in_dim3A_374 = vector.broadcast %broadcast_in_dim3A_373 : i32 to vector<16xi32>
        %add3A_375 = arith.constant 0 : i32
        %add3A_376 = arith.addi %add3A_370, %add3A_375 : i32
        %broadcast_in_dim3A_377 = vector.broadcast %add3A_376 : i32 to vector<16xi32>
        %gather3A = tpu.vector_load_idx %arg5[%broadcast_in_dim3A_372, %broadcast_in_dim3A_374, %broadcast_in_dim3A_377] : memref<12x1x128xi32, #tpu.memory_space<vmem>>[vector<16xi32>, vector<16xi32>, vector<16xi32>], vector<16xi32>,
        %bitcast3A = vector.bitcast %gather3A : vector<16xi32> to vector<16xf32>
        %add3A_378 = arith.constant 1 : i32
        %add3A_379 = arith.addi %add3A_370, %add3A_378 : i32
        %broadcast_in_dim3A_380 = vector.broadcast %add3A_379 : i32 to vector<16xi32>
        %gather3A_381 = tpu.vector_load_idx %arg5[%broadcast_in_dim3A_372, %broadcast_in_dim3A_374, %broadcast_in_dim3A_380] : memref<12x1x128xi32, #tpu.memory_space<vmem>>[vector<16xi32>, vector<16xi32>, vector<16xi32>], vector<16xi32>,
        %bitcast3A_382 = vector.bitcast %gather3A_381 : vector<16xi32> to vector<16xf32>
        %add3A_383 = arith.constant 2 : i32
        %add3A_384 = arith.addi %add3A_370, %add3A_383 : i32
        %broadcast_in_dim3A_385 = vector.broadcast %add3A_384 : i32 to vector<16xi32>
        %gather3A_386 = tpu.vector_load_idx %arg5[%broadcast_in_dim3A_372, %broadcast_in_dim3A_374, %broadcast_in_dim3A_385] : memref<12x1x128xi32, #tpu.memory_space<vmem>>[vector<16xi32>, vector<16xi32>, vector<16xi32>], vector<16xi32>,
        %bitcast3A_387 = vector.bitcast %gather3A_386 : vector<16xi32> to vector<16xf32>
        %add3A_388 = arith.constant 3 : i32
        %add3A_389 = arith.addi %add3A_370, %add3A_388 : i32
        %broadcast_in_dim3A_390 = vector.broadcast %add3A_389 : i32 to vector<16xi32>
        %gather3A_391 = tpu.vector_load_idx %arg5[%broadcast_in_dim3A_372, %broadcast_in_dim3A_374, %broadcast_in_dim3A_390] : memref<12x1x128xi32, #tpu.memory_space<vmem>>[vector<16xi32>, vector<16xi32>, vector<16xi32>], vector<16xi32>,
        %bitcast3A_392 = vector.bitcast %gather3A_391 : vector<16xi32> to vector<16xf32>
        %add3A_393 = arith.constant 0 : i32
        %add3A_394 = arith.addi %add3A_370, %add3A_393 : i32
        %get3A = arith.index_cast %add3A_394 : i32 to index
        %get3A_395 = arith.constant 0 : index
        %get3A_396 = tpu.vector_load %arg7[%get3A, %get3A_395] {strides = array<i32>} : memref<128x128xf32, #tpu.memory_space<vmem>>, vector<16xf32>,
        %mul3A_397 = arith.mulf %get3A_396, %bitcast3A : vector<16xf32>
        %add3A_398 = arith.constant 0 : i32
        %add3A_399 = arith.addi %add3A_370, %add3A_398 : i32
        %swap3A = arith.index_cast %add3A_399 : i32 to index
        %swap3A_400 = arith.constant 0 : index
        %swap3A_401 = tpu.vector_load %arg7[%swap3A, %swap3A_400] {strides = array<i32>} : memref<128x128xf32, #tpu.memory_space<vmem>>, vector<16xf32>,
        tpu.vector_store %arg7[%swap3A, %swap3A_400], %mul3A_397 {strides = array<i32>} : memref<128x128xf32, #tpu.memory_space<vmem>>, vector<16xf32>,
        %add3A_402 = arith.constant 0 : i32
        %add3A_403 = arith.addi %add3A_370, %add3A_402 : i32
        %get3A_404 = arith.index_cast %add3A_403 : i32 to index
        %get3A_405 = arith.constant 16 : index
        %get3A_406 = tpu.vector_load %arg7[%get3A_404, %get3A_405] {strides = array<i32>} : memref<128x128xf32, #tpu.memory_space<vmem>>, vector<16xf32>,
        %mul3A_407 = arith.mulf %get3A_406, %bitcast3A : vector<16xf32>
        %add3A_408 = arith.constant 0 : i32
        %add3A_409 = arith.addi %add3A_370, %add3A_408 : i32
        %swap3A_410 = arith.index_cast %add3A_409 : i32 to index
        %swap3A_411 = arith.constant 16 : index
        %swap3A_412 = tpu.vector_load %arg7[%swap3A_410, %swap3A_411] {strides = array<i32>} : memref<128x128xf32, #tpu.memory_space<vmem>>, vector<16xf32>,
        tpu.vector_store %arg7[%swap3A_410, %swap3A_411], %mul3A_407 {strides = array<i32>} : memref<128x128xf32, #tpu.memory_space<vmem>>, vector<16xf32>,
        %add3A_413 = arith.constant 0 : i32
        %add3A_414 = arith.addi %add3A_370, %add3A_413 : i32
        %get3A_415 = arith.index_cast %add3A_414 : i32 to index
        %get3A_416 = arith.constant 32 : index
        %get3A_417 = tpu.vector_load %arg7[%get3A_415, %get3A_416] {strides = array<i32>} : memref<128x128xf32, #tpu.memory_space<vmem>>, vector<16xf32>,
        %mul3A_418 = arith.mulf %get3A_417, %bitcast3A : vector<16xf32>
        %add3A_419 = arith.constant 0 : i32
        %add3A_420 = arith.addi %add3A_370, %add3A_419 : i32
        %swap3A_421 = arith.index_cast %add3A_420 : i32 to index
        %swap3A_422 = arith.constant 32 : index
        %swap3A_423 = tpu.vector_load %arg7[%swap3A_421, %swap3A_422] {strides = array<i32>} : memref<128x128xf32, #tpu.memory_space<vmem>>, vector<16xf32>,
        tpu.vector_store %arg7[%swap3A_421, %swap3A_422], %mul3A_418 {strides = array<i32>} : memref<128x128xf32, #tpu.memory_space<vmem>>, vector<16xf32>,
        %add3A_424 = arith.constant 0 : i32
        %add3A_425 = arith.addi %add3A_370, %add3A_424 : i32
        %get3A_426 = arith.index_cast %add3A_425 : i32 to index
        %get3A_427 = arith.constant 48 : index
        %get3A_428 = tpu.vector_load %arg7[%get3A_426, %get3A_427] {strides = array<i32>} : memref<128x128xf32, #tpu.memory_space<vmem>>, vector<16xf32>,
        %mul3A_429 = arith.mulf %get3A_428, %bitcast3A : vector<16xf32>
        %add3A_430 = arith.constant 0 : i32
        %add3A_431 = arith.addi %add3A_370, %add3A_430 : i32
        %swap3A_432 = arith.index_cast %add3A_431 : i32 to index
        %swap3A_433 = arith.constant 48 : index
        %swap3A_434 = tpu.vector_load %arg7[%swap3A_432, %swap3A_433] {strides = array<i32>} : memref<128x128xf32, #tpu.memory_space<vmem>>, vector<16xf32>,
        tpu.vector_store %arg7[%swap3A_432, %swap3A_433], %mul3A_429 {strides = array<i32>} : memref<128x128xf32, #tpu.memory_space<vmem>>, vector<16xf32>,
        %add3A_435 = arith.constant 0 : i32
        %add3A_436 = arith.addi %add3A_370, %add3A_435 : i32
        %get3A_437 = arith.index_cast %add3A_436 : i32 to index
        %get3A_438 = arith.constant 64 : index
        %get3A_439 = tpu.vector_load %arg7[%get3A_437, %get3A_438] {strides = array<i32>} : memref<128x128xf32, #tpu.memory_space<vmem>>, vector<16xf32>,
        %mul3A_440 = arith.mulf %get3A_439, %bitcast3A : vector<16xf32>
        %add3A_441 = arith.constant 0 : i32
        %add3A_442 = arith.addi %add3A_370, %add3A_441 : i32
        %swap3A_443 = arith.index_cast %add3A_442 : i32 to index
        %swap3A_444 = arith.constant 64 : index
        %swap3A_445 = tpu.vector_load %arg7[%swap3A_443, %swap3A_444] {strides = array<i32>} : memref<128x128xf32, #tpu.memory_space<vmem>>, vector<16xf32>,
        tpu.vector_store %arg7[%swap3A_443, %swap3A_444], %mul3A_440 {strides = array<i32>} : memref<128x128xf32, #tpu.memory_space<vmem>>, vector<16xf32>,
        %add3A_446 = arith.constant 0 : i32
        %add3A_447 = arith.addi %add3A_370, %add3A_446 : i32
        %get3A_448 = arith.index_cast %add3A_447 : i32 to index
        %get3A_449 = arith.constant 80 : index
        %get3A_450 = tpu.vector_load %arg7[%get3A_448, %get3A_449] {strides = array<i32>} : memref<128x128xf32, #tpu.memory_space<vmem>>, vector<16xf32>,
        %mul3A_451 = arith.mulf %get3A_450, %bitcast3A : vector<16xf32>
        %add3A_452 = arith.constant 0 : i32
        %add3A_453 = arith.addi %add3A_370, %add3A_452 : i32
        %swap3A_454 = arith.index_cast %add3A_453 : i32 to index
        %swap3A_455 = arith.constant 80 : index
        %swap3A_456 = tpu.vector_load %arg7[%swap3A_454, %swap3A_455] {strides = array<i32>} : memref<128x128xf32, #tpu.memory_space<vmem>>, vector<16xf32>,
        tpu.vector_store %arg7[%swap3A_454, %swap3A_455], %mul3A_451 {strides = array<i32>} : memref<128x128xf32, #tpu.memory_space<vmem>>, vector<16xf32>,
        %add3A_457 = arith.constant 0 : i32
        %add3A_458 = arith.addi %add3A_370, %add3A_457 : i32
        %get3A_459 = arith.index_cast %add3A_458 : i32 to index
        %get3A_460 = arith.constant 96 : index
        %get3A_461 = tpu.vector_load %arg7[%get3A_459, %get3A_460] {strides = array<i32>} : memref<128x128xf32, #tpu.memory_space<vmem>>, vector<16xf32>,
        %mul3A_462 = arith.mulf %get3A_461, %bitcast3A : vector<16xf32>
        %add3A_463 = arith.constant 0 : i32
        %add3A_464 = arith.addi %add3A_370, %add3A_463 : i32
        %swap3A_465 = arith.index_cast %add3A_464 : i32 to index
        %swap3A_466 = arith.constant 96 : index
        %swap3A_467 = tpu.vector_load %arg7[%swap3A_465, %swap3A_466] {strides = array<i32>} : memref<128x128xf32, #tpu.memory_space<vmem>>, vector<16xf32>,
        tpu.vector_store %arg7[%swap3A_465, %swap3A_466], %mul3A_462 {strides = array<i32>} : memref<128x128xf32, #tpu.memory_space<vmem>>, vector<16xf32>,
        %add3A_468 = arith.constant 0 : i32
        %add3A_469 = arith.addi %add3A_370, %add3A_468 : i32
        %get3A_470 = arith.index_cast %add3A_469 : i32 to index
        %get3A_471 = arith.constant 112 : index
        %get3A_472 = tpu.vector_load %arg7[%get3A_470, %get3A_471] {strides = array<i32>} : memref<128x128xf32, #tpu.memory_space<vmem>>, vector<16xf32>,
        %mul3A_473 = arith.mulf %get3A_472, %bitcast3A : vector<16xf32>
        %add3A_474 = arith.constant 0 : i32
        %add3A_475 = arith.addi %add3A_370, %add3A_474 : i32
        %swap3A_476 = arith.index_cast %add3A_475 : i32 to index
        %swap3A_477 = arith.constant 112 : index
        %swap3A_478 = tpu.vector_load %arg7[%swap3A_476, %swap3A_477] {strides = array<i32>} : memref<128x128xf32, #tpu.memory_space<vmem>>, vector<16xf32>,
        tpu.vector_store %arg7[%swap3A_476, %swap3A_477], %mul3A_473 {strides = array<i32>} : memref<128x128xf32, #tpu.memory_space<vmem>>, vector<16xf32>,
        %add3A_479 = arith.constant 1 : i32
        %add3A_480 = arith.addi %add3A_370, %add3A_479 : i32
        %get3A_481 = arith.index_cast %add3A_480 : i32 to index
        %get3A_482 = arith.constant 0 : index
        %get3A_483 = tpu.vector_load %arg7[%get3A_481, %get3A_482] {strides = array<i32>} : memref<128x128xf32, #tpu.memory_space<vmem>>, vector<16xf32>,
        %mul3A_484 = arith.mulf %get3A_483, %bitcast3A_382 : vector<16xf32>
        %add3A_485 = arith.constant 1 : i32
        %add3A_486 = arith.addi %add3A_370, %add3A_485 : i32
        %swap3A_487 = arith.index_cast %add3A_486 : i32 to index
        %swap3A_488 = arith.constant 0 : index
        %swap3A_489 = tpu.vector_load %arg7[%swap3A_487, %swap3A_488] {strides = array<i32>} : memref<128x128xf32, #tpu.memory_space<vmem>>, vector<16xf32>,
        tpu.vector_store %arg7[%swap3A_487, %swap3A_488], %mul3A_484 {strides = array<i32>} : memref<128x128xf32, #tpu.memory_space<vmem>>, vector<16xf32>,
        %add3A_490 = arith.constant 1 : i32
        %add3A_491 = arith.addi %add3A_370, %add3A_490 : i32
        %get3A_492 = arith.index_cast %add3A_491 : i32 to index
        %get3A_493 = arith.constant 16 : index
        %get3A_494 = tpu.vector_load %arg7[%get3A_492, %get3A_493] {strides = array<i32>} : memref<128x128xf32, #tpu.memory_space<vmem>>, vector<16xf32>,
        %mul3A_495 = arith.mulf %get3A_494, %bitcast3A_382 : vector<16xf32>
        %add3A_496 = arith.constant 1 : i32
        %add3A_497 = arith.addi %add3A_370, %add3A_496 : i32
        %swap3A_498 = arith.index_cast %add3A_497 : i32 to index
        %swap3A_499 = arith.constant 16 : index
        %swap3A_500 = tpu.vector_load %arg7[%swap3A_498, %swap3A_499] {strides = array<i32>} : memref<128x128xf32, #tpu.memory_space<vmem>>, vector<16xf32>,
        tpu.vector_store %arg7[%swap3A_498, %swap3A_499], %mul3A_495 {strides = array<i32>} : memref<128x128xf32, #tpu.memory_space<vmem>>, vector<16xf32>,
        %add3A_501 = arith.constant 1 : i32
        %add3A_502 = arith.addi %add3A_370, %add3A_501 : i32
        %get3A_503 = arith.index_cast %add3A_502 : i32 to index
        %get3A_504 = arith.constant 32 : index
        %get3A_505 = tpu.vector_load %arg7[%get3A_503, %get3A_504] {strides = array<i32>} : memref<128x128xf32, #tpu.memory_space<vmem>>, vector<16xf32>,
        %mul3A_506 = arith.mulf %get3A_505, %bitcast3A_382 : vector<16xf32>
        %add3A_507 = arith.constant 1 : i32
        %add3A_508 = arith.addi %add3A_370, %add3A_507 : i32
        %swap3A_509 = arith.index_cast %add3A_508 : i32 to index
        %swap3A_510 = arith.constant 32 : index
        %swap3A_511 = tpu.vector_load %arg7[%swap3A_509, %swap3A_510] {strides = array<i32>} : memref<128x128xf32, #tpu.memory_space<vmem>>, vector<16xf32>,
        tpu.vector_store %arg7[%swap3A_509, %swap3A_510], %mul3A_506 {strides = array<i32>} : memref<128x128xf32, #tpu.memory_space<vmem>>, vector<16xf32>,
        %add3A_512 = arith.constant 1 : i32
        %add3A_513 = arith.addi %add3A_370, %add3A_512 : i32
        %get3A_514 = arith.index_cast %add3A_513 : i32 to index
        %get3A_515 = arith.constant 48 : index
        %get3A_516 = tpu.vector_load %arg7[%get3A_514, %get3A_515] {strides = array<i32>} : memref<128x128xf32, #tpu.memory_space<vmem>>, vector<16xf32>,
        %mul3A_517 = arith.mulf %get3A_516, %bitcast3A_382 : vector<16xf32>
        %add3A_518 = arith.constant 1 : i32
        %add3A_519 = arith.addi %add3A_370, %add3A_518 : i32
        %swap3A_520 = arith.index_cast %add3A_519 : i32 to index
        %swap3A_521 = arith.constant 48 : index
        %swap3A_522 = tpu.vector_load %arg7[%swap3A_520, %swap3A_521] {strides = array<i32>} : memref<128x128xf32, #tpu.memory_space<vmem>>, vector<16xf32>,
        tpu.vector_store %arg7[%swap3A_520, %swap3A_521], %mul3A_517 {strides = array<i32>} : memref<128x128xf32, #tpu.memory_space<vmem>>, vector<16xf32>,
        %add3A_523 = arith.constant 1 : i32
        %add3A_524 = arith.addi %add3A_370, %add3A_523 : i32
        %get3A_525 = arith.index_cast %add3A_524 : i32 to index
        %get3A_526 = arith.constant 64 : index
        %get3A_527 = tpu.vector_load %arg7[%get3A_525, %get3A_526] {strides = array<i32>} : memref<128x128xf32, #tpu.memory_space<vmem>>, vector<16xf32>,
        %mul3A_528 = arith.mulf %get3A_527, %bitcast3A_382 : vector<16xf32>
        %add3A_529 = arith.constant 1 : i32
        %add3A_530 = arith.addi %add3A_370, %add3A_529 : i32
        %swap3A_531 = arith.index_cast %add3A_530 : i32 to index
        %swap3A_532 = arith.constant 64 : index
        %swap3A_533 = tpu.vector_load %arg7[%swap3A_531, %swap3A_532] {strides = array<i32>} : memref<128x128xf32, #tpu.memory_space<vmem>>, vector<16xf32>,
        tpu.vector_store %arg7[%swap3A_531, %swap3A_532], %mul3A_528 {strides = array<i32>} : memref<128x128xf32, #tpu.memory_space<vmem>>, vector<16xf32>,
        %add3A_534 = arith.constant 1 : i32
        %add3A_535 = arith.addi %add3A_370, %add3A_534 : i32
        %get3A_536 = arith.index_cast %add3A_535 : i32 to index
        %get3A_537 = arith.constant 80 : index
        %get3A_538 = tpu.vector_load %arg7[%get3A_536, %get3A_537] {strides = array<i32>} : memref<128x128xf32, #tpu.memory_space<vmem>>, vector<16xf32>,
        %mul3A_539 = arith.mulf %get3A_538, %bitcast3A_382 : vector<16xf32>
        %add3A_540 = arith.constant 1 : i32
        %add3A_541 = arith.addi %add3A_370, %add3A_540 : i32
        %swap3A_542 = arith.index_cast %add3A_541 : i32 to index
        %swap3A_543 = arith.constant 80 : index
        %swap3A_544 = tpu.vector_load %arg7[%swap3A_542, %swap3A_543] {strides = array<i32>} : memref<128x128xf32, #tpu.memory_space<vmem>>, vector<16xf32>,
        tpu.vector_store %arg7[%swap3A_542, %swap3A_543], %mul3A_539 {strides = array<i32>} : memref<128x128xf32, #tpu.memory_space<vmem>>, vector<16xf32>,
        %add3A_545 = arith.constant 1 : i32
        %add3A_546 = arith.addi %add3A_370, %add3A_545 : i32
        %get3A_547 = arith.index_cast %add3A_546 : i32 to index
        %get3A_548 = arith.constant 96 : index
        %get3A_549 = tpu.vector_load %arg7[%get3A_547, %get3A_548] {strides = array<i32>} : memref<128x128xf32, #tpu.memory_space<vmem>>, vector<16xf32>,
        %mul3A_550 = arith.mulf %get3A_549, %bitcast3A_382 : vector<16xf32>
        %add3A_551 = arith.constant 1 : i32
        %add3A_552 = arith.addi %add3A_370, %add3A_551 : i32
        %swap3A_553 = arith.index_cast %add3A_552 : i32 to index
        %swap3A_554 = arith.constant 96 : index
        %swap3A_555 = tpu.vector_load %arg7[%swap3A_553, %swap3A_554] {strides = array<i32>} : memref<128x128xf32, #tpu.memory_space<vmem>>, vector<16xf32>,
        tpu.vector_store %arg7[%swap3A_553, %swap3A_554], %mul3A_550 {strides = array<i32>} : memref<128x128xf32, #tpu.memory_space<vmem>>, vector<16xf32>,
        %add3A_556 = arith.constant 1 : i32
        %add3A_557 = arith.addi %add3A_370, %add3A_556 : i32
        %get3A_558 = arith.index_cast %add3A_557 : i32 to index
        %get3A_559 = arith.constant 112 : index
        %get3A_560 = tpu.vector_load %arg7[%get3A_558, %get3A_559] {strides = array<i32>} : memref<128x128xf32, #tpu.memory_space<vmem>>, vector<16xf32>,
        %mul3A_561 = arith.mulf %get3A_560, %bitcast3A_382 : vector<16xf32>
        %add3A_562 = arith.constant 1 : i32
        %add3A_563 = arith.addi %add3A_370, %add3A_562 : i32
        %swap3A_564 = arith.index_cast %add3A_563 : i32 to index
        %swap3A_565 = arith.constant 112 : index
        %swap3A_566 = tpu.vector_load %arg7[%swap3A_564, %swap3A_565] {strides = array<i32>} : memref<128x128xf32, #tpu.memory_space<vmem>>, vector<16xf32>,
        tpu.vector_store %arg7[%swap3A_564, %swap3A_565], %mul3A_561 {strides = array<i32>} : memref<128x128xf32, #tpu.memory_space<vmem>>, vector<16xf32>,
        %add3A_567 = arith.constant 2 : i32
        %add3A_568 = arith.addi %add3A_370, %add3A_567 : i32
        %get3A_569 = arith.index_cast %add3A_568 : i32 to index
        %get3A_570 = arith.constant 0 : index
        %get3A_571 = tpu.vector_load %arg7[%get3A_569, %get3A_570] {strides = array<i32>} : memref<128x128xf32, #tpu.memory_space<vmem>>, vector<16xf32>,
        %mul3A_572 = arith.mulf %get3A_571, %bitcast3A_387 : vector<16xf32>
        %add3A_573 = arith.constant 2 : i32
        %add3A_574 = arith.addi %add3A_370, %add3A_573 : i32
        %swap3A_575 = arith.index_cast %add3A_574 : i32 to index
        %swap3A_576 = arith.constant 0 : index
        %swap3A_577 = tpu.vector_load %arg7[%swap3A_575, %swap3A_576] {strides = array<i32>} : memref<128x128xf32, #tpu.memory_space<vmem>>, vector<16xf32>,
        tpu.vector_store %arg7[%swap3A_575, %swap3A_576], %mul3A_572 {strides = array<i32>} : memref<128x128xf32, #tpu.memory_space<vmem>>, vector<16xf32>,
        %add3A_578 = arith.constant 2 : i32
        %add3A_579 = arith.addi %add3A_370, %add3A_578 : i32
        %get3A_580 = arith.index_cast %add3A_579 : i32 to index
        %get3A_581 = arith.constant 16 : index
        %get3A_582 = tpu.vector_load %arg7[%get3A_580, %get3A_581] {strides = array<i32>} : memref<128x128xf32, #tpu.memory_space<vmem>>, vector<16xf32>,
        %mul3A_583 = arith.mulf %get3A_582, %bitcast3A_387 : vector<16xf32>
        %add3A_584 = arith.constant 2 : i32
        %add3A_585 = arith.addi %add3A_370, %add3A_584 : i32
        %swap3A_586 = arith.index_cast %add3A_585 : i32 to index
        %swap3A_587 = arith.constant 16 : index
        %swap3A_588 = tpu.vector_load %arg7[%swap3A_586, %swap3A_587] {strides = array<i32>} : memref<128x128xf32, #tpu.memory_space<vmem>>, vector<16xf32>,
        tpu.vector_store %arg7[%swap3A_586, %swap3A_587], %mul3A_583 {strides = array<i32>} : memref<128x128xf32, #tpu.memory_space<vmem>>, vector<16xf32>,
        %add3A_589 = arith.constant 2 : i32
        %add3A_590 = arith.addi %add3A_370, %add3A_589 : i32
        %get3A_591 = arith.index_cast %add3A_590 : i32 to index
        %get3A_592 = arith.constant 32 : index
        %get3A_593 = tpu.vector_load %arg7[%get3A_591, %get3A_592] {strides = array<i32>} : memref<128x128xf32, #tpu.memory_space<vmem>>, vector<16xf32>,
        %mul3A_594 = arith.mulf %get3A_593, %bitcast3A_387 : vector<16xf32>
        %add3A_595 = arith.constant 2 : i32
        %add3A_596 = arith.addi %add3A_370, %add3A_595 : i32
        %swap3A_597 = arith.index_cast %add3A_596 : i32 to index
        %swap3A_598 = arith.constant 32 : index
        %swap3A_599 = tpu.vector_load %arg7[%swap3A_597, %swap3A_598] {strides = array<i32>} : memref<128x128xf32, #tpu.memory_space<vmem>>, vector<16xf32>,
        tpu.vector_store %arg7[%swap3A_597, %swap3A_598], %mul3A_594 {strides = array<i32>} : memref<128x128xf32, #tpu.memory_space<vmem>>, vector<16xf32>,
        %add3A_600 = arith.constant 2 : i32
        %add3A_601 = arith.addi %add3A_370, %add3A_600 : i32
        %get3A_602 = arith.index_cast %add3A_601 : i32 to index
        %get3A_603 = arith.constant 48 : index
        %get3A_604 = tpu.vector_load %arg7[%get3A_602, %get3A_603] {strides = array<i32>} : memref<128x128xf32, #tpu.memory_space<vmem>>, vector<16xf32>,
        %mul3A_605 = arith.mulf %get3A_604, %bitcast3A_387 : vector<16xf32>
        %add3A_606 = arith.constant 2 : i32
        %add3A_607 = arith.addi %add3A_370, %add3A_606 : i32
        %swap3A_608 = arith.index_cast %add3A_607 : i32 to index
        %swap3A_609 = arith.constant 48 : index
        %swap3A_610 = tpu.vector_load %arg7[%swap3A_608, %swap3A_609] {strides = array<i32>} : memref<128x128xf32, #tpu.memory_space<vmem>>, vector<16xf32>,
        tpu.vector_store %arg7[%swap3A_608, %swap3A_609], %mul3A_605 {strides = array<i32>} : memref<128x128xf32, #tpu.memory_space<vmem>>, vector<16xf32>,
        %add3A_611 = arith.constant 2 : i32
        %add3A_612 = arith.addi %add3A_370, %add3A_611 : i32
        %get3A_613 = arith.index_cast %add3A_612 : i32 to index
        %get3A_614 = arith.constant 64 : index
        %get3A_615 = tpu.vector_load %arg7[%get3A_613, %get3A_614] {strides = array<i32>} : memref<128x128xf32, #tpu.memory_space<vmem>>, vector<16xf32>,
        %mul3A_616 = arith.mulf %get3A_615, %bitcast3A_387 : vector<16xf32>
        %add3A_617 = arith.constant 2 : i32
        %add3A_618 = arith.addi %add3A_370, %add3A_617 : i32
        %swap3A_619 = arith.index_cast %add3A_618 : i32 to index
        %swap3A_620 = arith.constant 64 : index
        %swap3A_621 = tpu.vector_load %arg7[%swap3A_619, %swap3A_620] {strides = array<i32>} : memref<128x128xf32, #tpu.memory_space<vmem>>, vector<16xf32>,
        tpu.vector_store %arg7[%swap3A_619, %swap3A_620], %mul3A_616 {strides = array<i32>} : memref<128x128xf32, #tpu.memory_space<vmem>>, vector<16xf32>,
        %add3A_622 = arith.constant 2 : i32
        %add3A_623 = arith.addi %add3A_370, %add3A_622 : i32
        %get3A_624 = arith.index_cast %add3A_623 : i32 to index
        %get3A_625 = arith.constant 80 : index
        %get3A_626 = tpu.vector_load %arg7[%get3A_624, %get3A_625] {strides = array<i32>} : memref<128x128xf32, #tpu.memory_space<vmem>>, vector<16xf32>,
        %mul3A_627 = arith.mulf %get3A_626, %bitcast3A_387 : vector<16xf32>
        %add3A_628 = arith.constant 2 : i32
        %add3A_629 = arith.addi %add3A_370, %add3A_628 : i32
        %swap3A_630 = arith.index_cast %add3A_629 : i32 to index
        %swap3A_631 = arith.constant 80 : index
        %swap3A_632 = tpu.vector_load %arg7[%swap3A_630, %swap3A_631] {strides = array<i32>} : memref<128x128xf32, #tpu.memory_space<vmem>>, vector<16xf32>,
        tpu.vector_store %arg7[%swap3A_630, %swap3A_631], %mul3A_627 {strides = array<i32>} : memref<128x128xf32, #tpu.memory_space<vmem>>, vector<16xf32>,
        %add3A_633 = arith.constant 2 : i32
        %add3A_634 = arith.addi %add3A_370, %add3A_633 : i32
        %get3A_635 = arith.index_cast %add3A_634 : i32 to index
        %get3A_636 = arith.constant 96 : index
        %get3A_637 = tpu.vector_load %arg7[%get3A_635, %get3A_636] {strides = array<i32>} : memref<128x128xf32, #tpu.memory_space<vmem>>, vector<16xf32>,
        %mul3A_638 = arith.mulf %get3A_637, %bitcast3A_387 : vector<16xf32>
        %add3A_639 = arith.constant 2 : i32
        %add3A_640 = arith.addi %add3A_370, %add3A_639 : i32
        %swap3A_641 = arith.index_cast %add3A_640 : i32 to index
        %swap3A_642 = arith.constant 96 : index
        %swap3A_643 = tpu.vector_load %arg7[%swap3A_641, %swap3A_642] {strides = array<i32>} : memref<128x128xf32, #tpu.memory_space<vmem>>, vector<16xf32>,
        tpu.vector_store %arg7[%swap3A_641, %swap3A_642], %mul3A_638 {strides = array<i32>} : memref<128x128xf32, #tpu.memory_space<vmem>>, vector<16xf32>,
        %add3A_644 = arith.constant 2 : i32
        %add3A_645 = arith.addi %add3A_370, %add3A_644 : i32
        %get3A_646 = arith.index_cast %add3A_645 : i32 to index
        %get3A_647 = arith.constant 112 : index
        %get3A_648 = tpu.vector_load %arg7[%get3A_646, %get3A_647] {strides = array<i32>} : memref<128x128xf32, #tpu.memory_space<vmem>>, vector<16xf32>,
        %mul3A_649 = arith.mulf %get3A_648, %bitcast3A_387 : vector<16xf32>
        %add3A_650 = arith.constant 2 : i32
        %add3A_651 = arith.addi %add3A_370, %add3A_650 : i32
        %swap3A_652 = arith.index_cast %add3A_651 : i32 to index
        %swap3A_653 = arith.constant 112 : index
        %swap3A_654 = tpu.vector_load %arg7[%swap3A_652, %swap3A_653] {strides = array<i32>} : memref<128x128xf32, #tpu.memory_space<vmem>>, vector<16xf32>,
        tpu.vector_store %arg7[%swap3A_652, %swap3A_653], %mul3A_649 {strides = array<i32>} : memref<128x128xf32, #tpu.memory_space<vmem>>, vector<16xf32>,
        %add3A_655 = arith.constant 3 : i32
        %add3A_656 = arith.addi %add3A_370, %add3A_655 : i32
        %get3A_657 = arith.index_cast %add3A_656 : i32 to index
        %get3A_658 = arith.constant 0 : index
        %get3A_659 = tpu.vector_load %arg7[%get3A_657, %get3A_658] {strides = array<i32>} : memref<128x128xf32, #tpu.memory_space<vmem>>, vector<16xf32>,
        %mul3A_660 = arith.mulf %get3A_659, %bitcast3A_392 : vector<16xf32>
        %add3A_661 = arith.constant 3 : i32
        %add3A_662 = arith.addi %add3A_370, %add3A_661 : i32
        %swap3A_663 = arith.index_cast %add3A_662 : i32 to index
        %swap3A_664 = arith.constant 0 : index
        %swap3A_665 = tpu.vector_load %arg7[%swap3A_663, %swap3A_664] {strides = array<i32>} : memref<128x128xf32, #tpu.memory_space<vmem>>, vector<16xf32>,
        tpu.vector_store %arg7[%swap3A_663, %swap3A_664], %mul3A_660 {strides = array<i32>} : memref<128x128xf32, #tpu.memory_space<vmem>>, vector<16xf32>,
        %add3A_666 = arith.constant 3 : i32
        %add3A_667 = arith.addi %add3A_370, %add3A_666 : i32
        %get3A_668 = arith.index_cast %add3A_667 : i32 to index
        %get3A_669 = arith.constant 16 : index
        %get3A_670 = tpu.vector_load %arg7[%get3A_668, %get3A_669] {strides = array<i32>} : memref<128x128xf32, #tpu.memory_space<vmem>>, vector<16xf32>,
        %mul3A_671 = arith.mulf %get3A_670, %bitcast3A_392 : vector<16xf32>
        %add3A_672 = arith.constant 3 : i32
        %add3A_673 = arith.addi %add3A_370, %add3A_672 : i32
        %swap3A_674 = arith.index_cast %add3A_673 : i32 to index
        %swap3A_675 = arith.constant 16 : index
        %swap3A_676 = tpu.vector_load %arg7[%swap3A_674, %swap3A_675] {strides = array<i32>} : memref<128x128xf32, #tpu.memory_space<vmem>>, vector<16xf32>,
        tpu.vector_store %arg7[%swap3A_674, %swap3A_675], %mul3A_671 {strides = array<i32>} : memref<128x128xf32, #tpu.memory_space<vmem>>, vector<16xf32>,
        %add3A_677 = arith.constant 3 : i32
        %add3A_678 = arith.addi %add3A_370, %add3A_677 : i32
        %get3A_679 = arith.index_cast %add3A_678 : i32 to index
        %get3A_680 = arith.constant 32 : index
        %get3A_681 = tpu.vector_load %arg7[%get3A_679, %get3A_680] {strides = array<i32>} : memref<128x128xf32, #tpu.memory_space<vmem>>, vector<16xf32>,
        %mul3A_682 = arith.mulf %get3A_681, %bitcast3A_392 : vector<16xf32>
        %add3A_683 = arith.constant 3 : i32
        %add3A_684 = arith.addi %add3A_370, %add3A_683 : i32
        %swap3A_685 = arith.index_cast %add3A_684 : i32 to index
        %swap3A_686 = arith.constant 32 : index
        %swap3A_687 = tpu.vector_load %arg7[%swap3A_685, %swap3A_686] {strides = array<i32>} : memref<128x128xf32, #tpu.memory_space<vmem>>, vector<16xf32>,
        tpu.vector_store %arg7[%swap3A_685, %swap3A_686], %mul3A_682 {strides = array<i32>} : memref<128x128xf32, #tpu.memory_space<vmem>>, vector<16xf32>,
        %add3A_688 = arith.constant 3 : i32
        %add3A_689 = arith.addi %add3A_370, %add3A_688 : i32
        %get3A_690 = arith.index_cast %add3A_689 : i32 to index
        %get3A_691 = arith.constant 48 : index
        %get3A_692 = tpu.vector_load %arg7[%get3A_690, %get3A_691] {strides = array<i32>} : memref<128x128xf32, #tpu.memory_space<vmem>>, vector<16xf32>,
        %mul3A_693 = arith.mulf %get3A_692, %bitcast3A_392 : vector<16xf32>
        %add3A_694 = arith.constant 3 : i32
        %add3A_695 = arith.addi %add3A_370, %add3A_694 : i32
        %swap3A_696 = arith.index_cast %add3A_695 : i32 to index
        %swap3A_697 = arith.constant 48 : index
        %swap3A_698 = tpu.vector_load %arg7[%swap3A_696, %swap3A_697] {strides = array<i32>} : memref<128x128xf32, #tpu.memory_space<vmem>>, vector<16xf32>,
        tpu.vector_store %arg7[%swap3A_696, %swap3A_697], %mul3A_693 {strides = array<i32>} : memref<128x128xf32, #tpu.memory_space<vmem>>, vector<16xf32>,
        %add3A_699 = arith.constant 3 : i32
        %add3A_700 = arith.addi %add3A_370, %add3A_699 : i32
        %get3A_701 = arith.index_cast %add3A_700 : i32 to index
        %get3A_702 = arith.constant 64 : index
        %get3A_703 = tpu.vector_load %arg7[%get3A_701, %get3A_702] {strides = array<i32>} : memref<128x128xf32, #tpu.memory_space<vmem>>, vector<16xf32>,
        %mul3A_704 = arith.mulf %get3A_703, %bitcast3A_392 : vector<16xf32>
        %add3A_705 = arith.constant 3 : i32
        %add3A_706 = arith.addi %add3A_370, %add3A_705 : i32
        %swap3A_707 = arith.index_cast %add3A_706 : i32 to index
        %swap3A_708 = arith.constant 64 : index
        %swap3A_709 = tpu.vector_load %arg7[%swap3A_707, %swap3A_708] {strides = array<i32>} : memref<128x128xf32, #tpu.memory_space<vmem>>, vector<16xf32>,
        tpu.vector_store %arg7[%swap3A_707, %swap3A_708], %mul3A_704 {strides = array<i32>} : memref<128x128xf32, #tpu.memory_space<vmem>>, vector<16xf32>,
        %add3A_710 = arith.constant 3 : i32
        %add3A_711 = arith.addi %add3A_370, %add3A_710 : i32
        %get3A_712 = arith.index_cast %add3A_711 : i32 to index
        %get3A_713 = arith.constant 80 : index
        %get3A_714 = tpu.vector_load %arg7[%get3A_712, %get3A_713] {strides = array<i32>} : memref<128x128xf32, #tpu.memory_space<vmem>>, vector<16xf32>,
        %mul3A_715 = arith.mulf %get3A_714, %bitcast3A_392 : vector<16xf32>
        %add3A_716 = arith.constant 3 : i32
        %add3A_717 = arith.addi %add3A_370, %add3A_716 : i32
        %swap3A_718 = arith.index_cast %add3A_717 : i32 to index
        %swap3A_719 = arith.constant 80 : index
        %swap3A_720 = tpu.vector_load %arg7[%swap3A_718, %swap3A_719] {strides = array<i32>} : memref<128x128xf32, #tpu.memory_space<vmem>>, vector<16xf32>,
        tpu.vector_store %arg7[%swap3A_718, %swap3A_719], %mul3A_715 {strides = array<i32>} : memref<128x128xf32, #tpu.memory_space<vmem>>, vector<16xf32>,
        %add3A_721 = arith.constant 3 : i32
        %add3A_722 = arith.addi %add3A_370, %add3A_721 : i32
        %get3A_723 = arith.index_cast %add3A_722 : i32 to index
        %get3A_724 = arith.constant 96 : index
        %get3A_725 = tpu.vector_load %arg7[%get3A_723, %get3A_724] {strides = array<i32>} : memref<128x128xf32, #tpu.memory_space<vmem>>, vector<16xf32>,
        %mul3A_726 = arith.mulf %get3A_725, %bitcast3A_392 : vector<16xf32>
        %add3A_727 = arith.constant 3 : i32
        %add3A_728 = arith.addi %add3A_370, %add3A_727 : i32
        %swap3A_729 = arith.index_cast %add3A_728 : i32 to index
        %swap3A_730 = arith.constant 96 : index
        %swap3A_731 = tpu.vector_load %arg7[%swap3A_729, %swap3A_730] {strides = array<i32>} : memref<128x128xf32, #tpu.memory_space<vmem>>, vector<16xf32>,
        tpu.vector_store %arg7[%swap3A_729, %swap3A_730], %mul3A_726 {strides = array<i32>} : memref<128x128xf32, #tpu.memory_space<vmem>>, vector<16xf32>,
        %add3A_732 = arith.constant 3 : i32
        %add3A_733 = arith.addi %add3A_370, %add3A_732 : i32
        %get3A_734 = arith.index_cast %add3A_733 : i32 to index
        %get3A_735 = arith.constant 112 : index
        %get3A_736 = tpu.vector_load %arg7[%get3A_734, %get3A_735] {strides = array<i32>} : memref<128x128xf32, #tpu.memory_space<vmem>>, vector<16xf32>,
        %mul3A_737 = arith.mulf %get3A_736, %bitcast3A_392 : vector<16xf32>
        %add3A_738 = arith.constant 3 : i32
        %add3A_739 = arith.addi %add3A_370, %add3A_738 : i32
        %swap3A_740 = arith.index_cast %add3A_739 : i32 to index
        %swap3A_741 = arith.constant 112 : index
        %swap3A_742 = tpu.vector_load %arg7[%swap3A_740, %swap3A_741] {strides = array<i32>} : memref<128x128xf32, #tpu.memory_space<vmem>>, vector<16xf32>,
        tpu.vector_store %arg7[%swap3A_740, %swap3A_741], %mul3A_737 {strides = array<i32>} : memref<128x128xf32, #tpu.memory_space<vmem>>, vector<16xf32>,
      }
      %scan3A_252 = arith.constant 32 : i32
      %dma_start3A_253 = arith.constant 4 : i32
      %dma_start3A_254 = arith.constant 0 : i32
      %dma_start3A_255 = arith.constant 0 : i32
      %dma_start3A_256 = tpu.memref_slice %arg5[%dma_start3A_253, %dma_start3A_254, %dma_start3A_255] : memref<12x1x128xi32, #tpu.memory_space<vmem>> -> memref<1x1x128xi32, #tpu.memory_space<vmem>>
      %dma_start3A_257 = tpu.memref_squeeze %dma_start3A_256 : memref<1x1x128xi32, #tpu.memory_space<vmem>> -> memref<128xi32, #tpu.memory_space<vmem>>
      %dma_start3A_258 = arith.constant 0 : i32
      %dma_start3A_259 = arith.constant 0 : i32
      %dma_start3A_260 = tpu.memref_slice %arg8[%dma_start3A_258, %dma_start3A_259] : memref<10000x128xf32, #tpu.memory_space<vmem_shared>> -> memref<10000x128xf32, #tpu.memory_space<vmem_shared>>
      tpu.enqueue_indirect_dma source(%arg7 : memref<128x128xf32, #tpu.memory_space<vmem>>) target(%dma_start3A_260 : memref<10000x128xf32, #tpu.memory_space<vmem_shared>>) offsets(%dma_start3A_257 : memref<128xi32, #tpu.memory_space<vmem>>) semaphore(%arg16 : memref<!tpu.dma_semaphore, #tpu.memory_space<semaphore_mem>>) {add = true}
      %add3A_261 = arith.constant 3 : i32
      %add3A_262 = arith.addi %add3A_220, %add3A_261 : i32
      %lt3A_263 = arith.constant 80 : i32
      %lt3A_264 = arith.cmpi slt, %add3A_262, %lt3A_263 : i32
      %convert_element_type3A_265 = arith.extui %lt3A_264 : i1 to i32
      %cond3A_266 = arith.constant 0 : i32
      %cond3A_267 = arith.cmpi ne, %convert_element_type3A_265, %cond3A_266 : i32
      scf.if %cond3A_267 {
        %add3A_366 = arith.constant 3 : i32
        %add3A_367 = arith.addi %add3A_220, %add3A_366 : i32
        %add3A_368 = arith.addi %mul3A_2, %add3A_367 : i32
        %mul3A_369 = arith.constant 3 : i32
        %mul3A_370 = arith.muli %add3A_368, %mul3A_369 : i32
        %dma_start3A_371 = arith.constant 0 : i32
        %dma_start3A_372 = arith.constant 0 : i32
        %dma_start3A_373 = arith.constant 0 : i32
        %dma_start3A_374 = tpu.memref_slice %arg5[%dma_start3A_371, %dma_start3A_372, %dma_start3A_373] : memref<12x1x128xi32, #tpu.memory_space<vmem>> -> memref<3x1x128xi32, #tpu.memory_space<vmem>>
        %dma_start3A_375 = arith.constant 0 : i32
        %dma_start3A_376 = arith.constant 0 : i32
        %dma_start3A_377 = tpu.memref_slice %arg3[%mul3A_370, %dma_start3A_375, %dma_start3A_376] : memref<7680x1x128xi32, #tpu.memory_space<hbm>> -> memref<3x1x128xi32, #tpu.memory_space<hbm>>
        %dma_start3A_378 = arith.constant 0 : i32
        %dma_start3A_379 = arith.constant 0 : i32
        %dma_start3A_380 = arith.constant 0 : i32
        %dma_start3A_381 = tpu.memref_slice %arg5[%dma_start3A_378, %dma_start3A_379, %dma_start3A_380] : memref<12x1x128xi32, #tpu.memory_space<vmem>> -> memref<3x1x128xi32, #tpu.memory_space<vmem>>
        %dma_start3A_382 = arith.constant 0 : i32
        %dma_start3A_383 = arith.constant 0 : i32
        %dma_start3A_384 = tpu.memref_slice %arg3[%mul3A_370, %dma_start3A_382, %dma_start3A_383] : memref<7680x1x128xi32, #tpu.memory_space<hbm>> -> memref<3x1x128xi32, #tpu.memory_space<hbm>>
        tpu.enqueue_dma source(%dma_start3A_384 : memref<3x1x128xi32, #tpu.memory_space<hbm>>) target(%dma_start3A_381 : memref<3x1x128xi32, #tpu.memory_space<vmem>>) target_semaphore(%arg9 : memref<!tpu.dma_semaphore, #tpu.memory_space<semaphore_mem>>)
      } else {
      }
      %add3A_268 = arith.constant 2 : i32
      %add3A_269 = arith.addi %add3A_173, %add3A_268 : i32
      %add3A_270 = arith.constant 1 : i32
      %add3A_271 = arith.addi %add3A_269, %add3A_270 : i32
      %lt3A_272 = arith.constant 80 : i32
      %lt3A_273 = arith.cmpi slt, %add3A_271, %lt3A_272 : i32
      %convert_element_type3A_274 = arith.extui %lt3A_273 : i1 to i32
      %cond3A_275 = arith.constant 0 : i32
      %cond3A_276 = arith.cmpi ne, %convert_element_type3A_274, %cond3A_275 : i32
      scf.if %cond3A_276 {
        %add3A_366 = arith.constant 1 : i32
        %add3A_367 = arith.addi %add3A_269, %add3A_366 : i32
        %add3A_368 = arith.addi %mul3A_2, %add3A_367 : i32
        %mul3A_369 = arith.constant 3 : i32
        %mul3A_370 = arith.muli %add3A_368, %mul3A_369 : i32
        %dma_wait3A_371 = arith.constant 9 : i32
        %dma_wait3A_372 = arith.constant 0 : i32
        %dma_wait3A_373 = arith.constant 0 : i32
        %dma_wait3A_374 = tpu.memref_slice %arg5[%dma_wait3A_371, %dma_wait3A_372, %dma_wait3A_373] : memref<12x1x128xi32, #tpu.memory_space<vmem>> -> memref<3x1x128xi32, #tpu.memory_space<vmem>>
        %dma_wait3A_375 = arith.constant 0 : i32
        %dma_wait3A_376 = arith.constant 0 : i32
        %dma_wait3A_377 = tpu.memref_slice %arg3[%mul3A_370, %dma_wait3A_375, %dma_wait3A_376] : memref<7680x1x128xi32, #tpu.memory_space<hbm>> -> memref<3x1x128xi32, #tpu.memory_space<hbm>>
        %dma_wait3A_378 = arith.constant 9 : i32
        %dma_wait3A_379 = arith.constant 0 : i32
        %dma_wait3A_380 = arith.constant 0 : i32
        %dma_wait3A_381 = tpu.memref_slice %arg5[%dma_wait3A_378, %dma_wait3A_379, %dma_wait3A_380] : memref<12x1x128xi32, #tpu.memory_space<vmem>> -> memref<3x1x128xi32, #tpu.memory_space<vmem>>
        %dma_wait3A_382 = arith.constant 0 : i32
        %dma_wait3A_383 = arith.constant 0 : i32
        %dma_wait3A_384 = tpu.memref_slice %arg3[%mul3A_370, %dma_wait3A_382, %dma_wait3A_383] : memref<7680x1x128xi32, #tpu.memory_space<hbm>> -> memref<3x1x128xi32, #tpu.memory_space<hbm>>
        tpu.wait_dma2 semaphore(%arg12 : memref<!tpu.dma_semaphore, #tpu.memory_space<semaphore_mem>>) src(%dma_wait3A_384 : memref<3x1x128xi32, #tpu.memory_space<hbm>>) dst(%dma_wait3A_381 : memref<3x1x128xi32, #tpu.memory_space<vmem>>)
      } else {
      }
      %dma_wait3A_277 = arith.constant 6 : i32
      %dma_wait3A_278 = arith.constant 0 : i32
      %dma_wait3A_279 = arith.constant 0 : i32
      %dma_wait3A_280 = tpu.memref_slice %arg5[%dma_wait3A_277, %dma_wait3A_278, %dma_wait3A_279] : memref<12x1x128xi32, #tpu.memory_space<vmem>> -> memref<1x1x128xi32, #tpu.memory_space<vmem>>
      %dma_wait3A_281 = tpu.memref_squeeze %dma_wait3A_280 : memref<1x1x128xi32, #tpu.memory_space<vmem>> -> memref<128xi32, #tpu.memory_space<vmem>>
      %dma_wait3A_282 = arith.constant 0 : i32
      %dma_wait3A_283 = arith.constant 0 : i32
      %dma_wait3A_284 = tpu.memref_slice %arg2[%dma_wait3A_282, %dma_wait3A_283] : memref<10000x128xf32, #tpu.memory_space<hbm>> -> memref<10000x128xf32, #tpu.memory_space<hbm>>
      tpu.wait_indirect_dma semaphore(%arg13 : memref<!tpu.dma_semaphore, #tpu.memory_space<semaphore_mem>>) src(%dma_wait3A_284 : memref<10000x128xf32, #tpu.memory_space<hbm>>) dst(%arg6 : memref<128x128xf32, #tpu.memory_space<vmem>>)
      %gt3A_285 = arith.constant 0 : i32
      %gt3A_286 = arith.cmpi sgt, %add3A_269, %gt3A_285 : i32
      %convert_element_type3A_287 = arith.extui %gt3A_286 : i1 to i32
      %cond3A_288 = arith.constant 0 : i32
      %cond3A_289 = arith.cmpi ne, %convert_element_type3A_287, %cond3A_288 : i32
      scf.if %cond3A_289 {
        %dma_wait3A_366 = arith.constant 4 : i32
        %dma_wait3A_367 = arith.constant 0 : i32
        %dma_wait3A_368 = arith.constant 0 : i32
        %dma_wait3A_369 = tpu.memref_slice %arg5[%dma_wait3A_366, %dma_wait3A_367, %dma_wait3A_368] : memref<12x1x128xi32, #tpu.memory_space<vmem>> -> memref<1x1x128xi32, #tpu.memory_space<vmem>>
        %dma_wait3A_370 = tpu.memref_squeeze %dma_wait3A_369 : memref<1x1x128xi32, #tpu.memory_space<vmem>> -> memref<128xi32, #tpu.memory_space<vmem>>
        %dma_wait3A_371 = arith.constant 0 : i32
        %dma_wait3A_372 = arith.constant 0 : i32
        %dma_wait3A_373 = tpu.memref_slice %arg8[%dma_wait3A_371, %dma_wait3A_372] : memref<10000x128xf32, #tpu.memory_space<vmem_shared>> -> memref<10000x128xf32, #tpu.memory_space<vmem_shared>>
        tpu.wait_indirect_dma semaphore(%arg16 : memref<!tpu.dma_semaphore, #tpu.memory_space<semaphore_mem>>) src(%arg7 : memref<128x128xf32, #tpu.memory_space<vmem>>) dst(%dma_wait3A_373 : memref<10000x128xf32, #tpu.memory_space<vmem_shared>>)
      } else {
      }
      %add3A_290 = arith.constant 1 : i32
      %add3A_291 = arith.addi %add3A_269, %add3A_290 : i32
      %lt3A_292 = arith.constant 80 : i32
      %lt3A_293 = arith.cmpi slt, %add3A_291, %lt3A_292 : i32
      %convert_element_type3A_294 = arith.extui %lt3A_293 : i1 to i32
      %cond3A_295 = arith.constant 0 : i32
      %cond3A_296 = arith.cmpi ne, %convert_element_type3A_294, %cond3A_295 : i32
      scf.if %cond3A_296 {
        %dma_start3A_366 = arith.constant 9 : i32
        %dma_start3A_367 = arith.constant 0 : i32
        %dma_start3A_368 = arith.constant 0 : i32
        %dma_start3A_369 = tpu.memref_slice %arg5[%dma_start3A_366, %dma_start3A_367, %dma_start3A_368] : memref<12x1x128xi32, #tpu.memory_space<vmem>> -> memref<1x1x128xi32, #tpu.memory_space<vmem>>
        %dma_start3A_370 = tpu.memref_squeeze %dma_start3A_369 : memref<1x1x128xi32, #tpu.memory_space<vmem>> -> memref<128xi32, #tpu.memory_space<vmem>>
        %dma_start3A_371 = arith.constant 0 : i32
        %dma_start3A_372 = arith.constant 0 : i32
        %dma_start3A_373 = tpu.memref_slice %arg2[%dma_start3A_371, %dma_start3A_372] : memref<10000x128xf32, #tpu.memory_space<hbm>> -> memref<10000x128xf32, #tpu.memory_space<hbm>>
        tpu.enqueue_indirect_dma source(%dma_start3A_373 : memref<10000x128xf32, #tpu.memory_space<hbm>>) target(%arg7 : memref<128x128xf32, #tpu.memory_space<vmem>>) offsets(%dma_start3A_370 : memref<128xi32, #tpu.memory_space<vmem>>) semaphore(%arg14 : memref<!tpu.dma_semaphore, #tpu.memory_space<semaphore_mem>>)
      } else {
      }
      %scan3A_297 = arith.constant 0 : i32
      %scan3A_298 = arith.constant 32 : i32
      %scan3A_299 = arith.addi %scan3A_297, %scan3A_298 : i32
      %scan3A_300 = arith.constant 1 : i32
      scf.for %scan3A_366 = %scan3A_297 to %scan3A_299 step %scan3A_300  : i32 {
        %mul3A_367 = arith.constant 4 : i32
        %mul3A_368 = arith.muli %scan3A_366, %mul3A_367 : i32
        %add3A_369 = arith.constant 0 : i32
        %add3A_370 = arith.addi %add3A_369, %mul3A_368 : i32
        %broadcast_in_dim3A_371 = arith.constant 8 : i32
        %broadcast_in_dim3A_372 = vector.broadcast %broadcast_in_dim3A_371 : i32 to vector<16xi32>
        %broadcast_in_dim3A_373 = arith.constant 0 : i32
        %broadcast_in_dim3A_374 = vector.broadcast %broadcast_in_dim3A_373 : i32 to vector<16xi32>
        %add3A_375 = arith.constant 0 : i32
        %add3A_376 = arith.addi %add3A_370, %add3A_375 : i32
        %broadcast_in_dim3A_377 = vector.broadcast %add3A_376 : i32 to vector<16xi32>
        %gather3A = tpu.vector_load_idx %arg5[%broadcast_in_dim3A_372, %broadcast_in_dim3A_374, %broadcast_in_dim3A_377] : memref<12x1x128xi32, #tpu.memory_space<vmem>>[vector<16xi32>, vector<16xi32>, vector<16xi32>], vector<16xi32>,
        %bitcast3A = vector.bitcast %gather3A : vector<16xi32> to vector<16xf32>
        %add3A_378 = arith.constant 1 : i32
        %add3A_379 = arith.addi %add3A_370, %add3A_378 : i32
        %broadcast_in_dim3A_380 = vector.broadcast %add3A_379 : i32 to vector<16xi32>
        %gather3A_381 = tpu.vector_load_idx %arg5[%broadcast_in_dim3A_372, %broadcast_in_dim3A_374, %broadcast_in_dim3A_380] : memref<12x1x128xi32, #tpu.memory_space<vmem>>[vector<16xi32>, vector<16xi32>, vector<16xi32>], vector<16xi32>,
        %bitcast3A_382 = vector.bitcast %gather3A_381 : vector<16xi32> to vector<16xf32>
        %add3A_383 = arith.constant 2 : i32
        %add3A_384 = arith.addi %add3A_370, %add3A_383 : i32
        %broadcast_in_dim3A_385 = vector.broadcast %add3A_384 : i32 to vector<16xi32>
        %gather3A_386 = tpu.vector_load_idx %arg5[%broadcast_in_dim3A_372, %broadcast_in_dim3A_374, %broadcast_in_dim3A_385] : memref<12x1x128xi32, #tpu.memory_space<vmem>>[vector<16xi32>, vector<16xi32>, vector<16xi32>], vector<16xi32>,
        %bitcast3A_387 = vector.bitcast %gather3A_386 : vector<16xi32> to vector<16xf32>
        %add3A_388 = arith.constant 3 : i32
        %add3A_389 = arith.addi %add3A_370, %add3A_388 : i32
        %broadcast_in_dim3A_390 = vector.broadcast %add3A_389 : i32 to vector<16xi32>
        %gather3A_391 = tpu.vector_load_idx %arg5[%broadcast_in_dim3A_372, %broadcast_in_dim3A_374, %broadcast_in_dim3A_390] : memref<12x1x128xi32, #tpu.memory_space<vmem>>[vector<16xi32>, vector<16xi32>, vector<16xi32>], vector<16xi32>,
        %bitcast3A_392 = vector.bitcast %gather3A_391 : vector<16xi32> to vector<16xf32>
        %add3A_393 = arith.constant 0 : i32
        %add3A_394 = arith.addi %add3A_370, %add3A_393 : i32
        %get3A = arith.index_cast %add3A_394 : i32 to index
        %get3A_395 = arith.constant 0 : index
        %get3A_396 = tpu.vector_load %arg6[%get3A, %get3A_395] {strides = array<i32>} : memref<128x128xf32, #tpu.memory_space<vmem>>, vector<16xf32>,
        %mul3A_397 = arith.mulf %get3A_396, %bitcast3A : vector<16xf32>
        %add3A_398 = arith.constant 0 : i32
        %add3A_399 = arith.addi %add3A_370, %add3A_398 : i32
        %swap3A = arith.index_cast %add3A_399 : i32 to index
        %swap3A_400 = arith.constant 0 : index
        %swap3A_401 = tpu.vector_load %arg6[%swap3A, %swap3A_400] {strides = array<i32>} : memref<128x128xf32, #tpu.memory_space<vmem>>, vector<16xf32>,
        tpu.vector_store %arg6[%swap3A, %swap3A_400], %mul3A_397 {strides = array<i32>} : memref<128x128xf32, #tpu.memory_space<vmem>>, vector<16xf32>,
        %add3A_402 = arith.constant 0 : i32
        %add3A_403 = arith.addi %add3A_370, %add3A_402 : i32
        %get3A_404 = arith.index_cast %add3A_403 : i32 to index
        %get3A_405 = arith.constant 16 : index
        %get3A_406 = tpu.vector_load %arg6[%get3A_404, %get3A_405] {strides = array<i32>} : memref<128x128xf32, #tpu.memory_space<vmem>>, vector<16xf32>,
        %mul3A_407 = arith.mulf %get3A_406, %bitcast3A : vector<16xf32>
        %add3A_408 = arith.constant 0 : i32
        %add3A_409 = arith.addi %add3A_370, %add3A_408 : i32
        %swap3A_410 = arith.index_cast %add3A_409 : i32 to index
        %swap3A_411 = arith.constant 16 : index
        %swap3A_412 = tpu.vector_load %arg6[%swap3A_410, %swap3A_411] {strides = array<i32>} : memref<128x128xf32, #tpu.memory_space<vmem>>, vector<16xf32>,
        tpu.vector_store %arg6[%swap3A_410, %swap3A_411], %mul3A_407 {strides = array<i32>} : memref<128x128xf32, #tpu.memory_space<vmem>>, vector<16xf32>,
        %add3A_413 = arith.constant 0 : i32
        %add3A_414 = arith.addi %add3A_370, %add3A_413 : i32
        %get3A_415 = arith.index_cast %add3A_414 : i32 to index
        %get3A_416 = arith.constant 32 : index
        %get3A_417 = tpu.vector_load %arg6[%get3A_415, %get3A_416] {strides = array<i32>} : memref<128x128xf32, #tpu.memory_space<vmem>>, vector<16xf32>,
        %mul3A_418 = arith.mulf %get3A_417, %bitcast3A : vector<16xf32>
        %add3A_419 = arith.constant 0 : i32
        %add3A_420 = arith.addi %add3A_370, %add3A_419 : i32
        %swap3A_421 = arith.index_cast %add3A_420 : i32 to index
        %swap3A_422 = arith.constant 32 : index
        %swap3A_423 = tpu.vector_load %arg6[%swap3A_421, %swap3A_422] {strides = array<i32>} : memref<128x128xf32, #tpu.memory_space<vmem>>, vector<16xf32>,
        tpu.vector_store %arg6[%swap3A_421, %swap3A_422], %mul3A_418 {strides = array<i32>} : memref<128x128xf32, #tpu.memory_space<vmem>>, vector<16xf32>,
        %add3A_424 = arith.constant 0 : i32
        %add3A_425 = arith.addi %add3A_370, %add3A_424 : i32
        %get3A_426 = arith.index_cast %add3A_425 : i32 to index
        %get3A_427 = arith.constant 48 : index
        %get3A_428 = tpu.vector_load %arg6[%get3A_426, %get3A_427] {strides = array<i32>} : memref<128x128xf32, #tpu.memory_space<vmem>>, vector<16xf32>,
        %mul3A_429 = arith.mulf %get3A_428, %bitcast3A : vector<16xf32>
        %add3A_430 = arith.constant 0 : i32
        %add3A_431 = arith.addi %add3A_370, %add3A_430 : i32
        %swap3A_432 = arith.index_cast %add3A_431 : i32 to index
        %swap3A_433 = arith.constant 48 : index
        %swap3A_434 = tpu.vector_load %arg6[%swap3A_432, %swap3A_433] {strides = array<i32>} : memref<128x128xf32, #tpu.memory_space<vmem>>, vector<16xf32>,
        tpu.vector_store %arg6[%swap3A_432, %swap3A_433], %mul3A_429 {strides = array<i32>} : memref<128x128xf32, #tpu.memory_space<vmem>>, vector<16xf32>,
        %add3A_435 = arith.constant 0 : i32
        %add3A_436 = arith.addi %add3A_370, %add3A_435 : i32
        %get3A_437 = arith.index_cast %add3A_436 : i32 to index
        %get3A_438 = arith.constant 64 : index
        %get3A_439 = tpu.vector_load %arg6[%get3A_437, %get3A_438] {strides = array<i32>} : memref<128x128xf32, #tpu.memory_space<vmem>>, vector<16xf32>,
        %mul3A_440 = arith.mulf %get3A_439, %bitcast3A : vector<16xf32>
        %add3A_441 = arith.constant 0 : i32
        %add3A_442 = arith.addi %add3A_370, %add3A_441 : i32
        %swap3A_443 = arith.index_cast %add3A_442 : i32 to index
        %swap3A_444 = arith.constant 64 : index
        %swap3A_445 = tpu.vector_load %arg6[%swap3A_443, %swap3A_444] {strides = array<i32>} : memref<128x128xf32, #tpu.memory_space<vmem>>, vector<16xf32>,
        tpu.vector_store %arg6[%swap3A_443, %swap3A_444], %mul3A_440 {strides = array<i32>} : memref<128x128xf32, #tpu.memory_space<vmem>>, vector<16xf32>,
        %add3A_446 = arith.constant 0 : i32
        %add3A_447 = arith.addi %add3A_370, %add3A_446 : i32
        %get3A_448 = arith.index_cast %add3A_447 : i32 to index
        %get3A_449 = arith.constant 80 : index
        %get3A_450 = tpu.vector_load %arg6[%get3A_448, %get3A_449] {strides = array<i32>} : memref<128x128xf32, #tpu.memory_space<vmem>>, vector<16xf32>,
        %mul3A_451 = arith.mulf %get3A_450, %bitcast3A : vector<16xf32>
        %add3A_452 = arith.constant 0 : i32
        %add3A_453 = arith.addi %add3A_370, %add3A_452 : i32
        %swap3A_454 = arith.index_cast %add3A_453 : i32 to index
        %swap3A_455 = arith.constant 80 : index
        %swap3A_456 = tpu.vector_load %arg6[%swap3A_454, %swap3A_455] {strides = array<i32>} : memref<128x128xf32, #tpu.memory_space<vmem>>, vector<16xf32>,
        tpu.vector_store %arg6[%swap3A_454, %swap3A_455], %mul3A_451 {strides = array<i32>} : memref<128x128xf32, #tpu.memory_space<vmem>>, vector<16xf32>,
        %add3A_457 = arith.constant 0 : i32
        %add3A_458 = arith.addi %add3A_370, %add3A_457 : i32
        %get3A_459 = arith.index_cast %add3A_458 : i32 to index
        %get3A_460 = arith.constant 96 : index
        %get3A_461 = tpu.vector_load %arg6[%get3A_459, %get3A_460] {strides = array<i32>} : memref<128x128xf32, #tpu.memory_space<vmem>>, vector<16xf32>,
        %mul3A_462 = arith.mulf %get3A_461, %bitcast3A : vector<16xf32>
        %add3A_463 = arith.constant 0 : i32
        %add3A_464 = arith.addi %add3A_370, %add3A_463 : i32
        %swap3A_465 = arith.index_cast %add3A_464 : i32 to index
        %swap3A_466 = arith.constant 96 : index
        %swap3A_467 = tpu.vector_load %arg6[%swap3A_465, %swap3A_466] {strides = array<i32>} : memref<128x128xf32, #tpu.memory_space<vmem>>, vector<16xf32>,
        tpu.vector_store %arg6[%swap3A_465, %swap3A_466], %mul3A_462 {strides = array<i32>} : memref<128x128xf32, #tpu.memory_space<vmem>>, vector<16xf32>,
        %add3A_468 = arith.constant 0 : i32
        %add3A_469 = arith.addi %add3A_370, %add3A_468 : i32
        %get3A_470 = arith.index_cast %add3A_469 : i32 to index
        %get3A_471 = arith.constant 112 : index
        %get3A_472 = tpu.vector_load %arg6[%get3A_470, %get3A_471] {strides = array<i32>} : memref<128x128xf32, #tpu.memory_space<vmem>>, vector<16xf32>,
        %mul3A_473 = arith.mulf %get3A_472, %bitcast3A : vector<16xf32>
        %add3A_474 = arith.constant 0 : i32
        %add3A_475 = arith.addi %add3A_370, %add3A_474 : i32
        %swap3A_476 = arith.index_cast %add3A_475 : i32 to index
        %swap3A_477 = arith.constant 112 : index
        %swap3A_478 = tpu.vector_load %arg6[%swap3A_476, %swap3A_477] {strides = array<i32>} : memref<128x128xf32, #tpu.memory_space<vmem>>, vector<16xf32>,
        tpu.vector_store %arg6[%swap3A_476, %swap3A_477], %mul3A_473 {strides = array<i32>} : memref<128x128xf32, #tpu.memory_space<vmem>>, vector<16xf32>,
        %add3A_479 = arith.constant 1 : i32
        %add3A_480 = arith.addi %add3A_370, %add3A_479 : i32
        %get3A_481 = arith.index_cast %add3A_480 : i32 to index
        %get3A_482 = arith.constant 0 : index
        %get3A_483 = tpu.vector_load %arg6[%get3A_481, %get3A_482] {strides = array<i32>} : memref<128x128xf32, #tpu.memory_space<vmem>>, vector<16xf32>,
        %mul3A_484 = arith.mulf %get3A_483, %bitcast3A_382 : vector<16xf32>
        %add3A_485 = arith.constant 1 : i32
        %add3A_486 = arith.addi %add3A_370, %add3A_485 : i32
        %swap3A_487 = arith.index_cast %add3A_486 : i32 to index
        %swap3A_488 = arith.constant 0 : index
        %swap3A_489 = tpu.vector_load %arg6[%swap3A_487, %swap3A_488] {strides = array<i32>} : memref<128x128xf32, #tpu.memory_space<vmem>>, vector<16xf32>,
        tpu.vector_store %arg6[%swap3A_487, %swap3A_488], %mul3A_484 {strides = array<i32>} : memref<128x128xf32, #tpu.memory_space<vmem>>, vector<16xf32>,
        %add3A_490 = arith.constant 1 : i32
        %add3A_491 = arith.addi %add3A_370, %add3A_490 : i32
        %get3A_492 = arith.index_cast %add3A_491 : i32 to index
        %get3A_493 = arith.constant 16 : index
        %get3A_494 = tpu.vector_load %arg6[%get3A_492, %get3A_493] {strides = array<i32>} : memref<128x128xf32, #tpu.memory_space<vmem>>, vector<16xf32>,
        %mul3A_495 = arith.mulf %get3A_494, %bitcast3A_382 : vector<16xf32>
        %add3A_496 = arith.constant 1 : i32
        %add3A_497 = arith.addi %add3A_370, %add3A_496 : i32
        %swap3A_498 = arith.index_cast %add3A_497 : i32 to index
        %swap3A_499 = arith.constant 16 : index
        %swap3A_500 = tpu.vector_load %arg6[%swap3A_498, %swap3A_499] {strides = array<i32>} : memref<128x128xf32, #tpu.memory_space<vmem>>, vector<16xf32>,
        tpu.vector_store %arg6[%swap3A_498, %swap3A_499], %mul3A_495 {strides = array<i32>} : memref<128x128xf32, #tpu.memory_space<vmem>>, vector<16xf32>,
        %add3A_501 = arith.constant 1 : i32
        %add3A_502 = arith.addi %add3A_370, %add3A_501 : i32
        %get3A_503 = arith.index_cast %add3A_502 : i32 to index
        %get3A_504 = arith.constant 32 : index
        %get3A_505 = tpu.vector_load %arg6[%get3A_503, %get3A_504] {strides = array<i32>} : memref<128x128xf32, #tpu.memory_space<vmem>>, vector<16xf32>,
        %mul3A_506 = arith.mulf %get3A_505, %bitcast3A_382 : vector<16xf32>
        %add3A_507 = arith.constant 1 : i32
        %add3A_508 = arith.addi %add3A_370, %add3A_507 : i32
        %swap3A_509 = arith.index_cast %add3A_508 : i32 to index
        %swap3A_510 = arith.constant 32 : index
        %swap3A_511 = tpu.vector_load %arg6[%swap3A_509, %swap3A_510] {strides = array<i32>} : memref<128x128xf32, #tpu.memory_space<vmem>>, vector<16xf32>,
        tpu.vector_store %arg6[%swap3A_509, %swap3A_510], %mul3A_506 {strides = array<i32>} : memref<128x128xf32, #tpu.memory_space<vmem>>, vector<16xf32>,
        %add3A_512 = arith.constant 1 : i32
        %add3A_513 = arith.addi %add3A_370, %add3A_512 : i32
        %get3A_514 = arith.index_cast %add3A_513 : i32 to index
        %get3A_515 = arith.constant 48 : index
        %get3A_516 = tpu.vector_load %arg6[%get3A_514, %get3A_515] {strides = array<i32>} : memref<128x128xf32, #tpu.memory_space<vmem>>, vector<16xf32>,
        %mul3A_517 = arith.mulf %get3A_516, %bitcast3A_382 : vector<16xf32>
        %add3A_518 = arith.constant 1 : i32
        %add3A_519 = arith.addi %add3A_370, %add3A_518 : i32
        %swap3A_520 = arith.index_cast %add3A_519 : i32 to index
        %swap3A_521 = arith.constant 48 : index
        %swap3A_522 = tpu.vector_load %arg6[%swap3A_520, %swap3A_521] {strides = array<i32>} : memref<128x128xf32, #tpu.memory_space<vmem>>, vector<16xf32>,
        tpu.vector_store %arg6[%swap3A_520, %swap3A_521], %mul3A_517 {strides = array<i32>} : memref<128x128xf32, #tpu.memory_space<vmem>>, vector<16xf32>,
        %add3A_523 = arith.constant 1 : i32
        %add3A_524 = arith.addi %add3A_370, %add3A_523 : i32
        %get3A_525 = arith.index_cast %add3A_524 : i32 to index
        %get3A_526 = arith.constant 64 : index
        %get3A_527 = tpu.vector_load %arg6[%get3A_525, %get3A_526] {strides = array<i32>} : memref<128x128xf32, #tpu.memory_space<vmem>>, vector<16xf32>,
        %mul3A_528 = arith.mulf %get3A_527, %bitcast3A_382 : vector<16xf32>
        %add3A_529 = arith.constant 1 : i32
        %add3A_530 = arith.addi %add3A_370, %add3A_529 : i32
        %swap3A_531 = arith.index_cast %add3A_530 : i32 to index
        %swap3A_532 = arith.constant 64 : index
        %swap3A_533 = tpu.vector_load %arg6[%swap3A_531, %swap3A_532] {strides = array<i32>} : memref<128x128xf32, #tpu.memory_space<vmem>>, vector<16xf32>,
        tpu.vector_store %arg6[%swap3A_531, %swap3A_532], %mul3A_528 {strides = array<i32>} : memref<128x128xf32, #tpu.memory_space<vmem>>, vector<16xf32>,
        %add3A_534 = arith.constant 1 : i32
        %add3A_535 = arith.addi %add3A_370, %add3A_534 : i32
        %get3A_536 = arith.index_cast %add3A_535 : i32 to index
        %get3A_537 = arith.constant 80 : index
        %get3A_538 = tpu.vector_load %arg6[%get3A_536, %get3A_537] {strides = array<i32>} : memref<128x128xf32, #tpu.memory_space<vmem>>, vector<16xf32>,
        %mul3A_539 = arith.mulf %get3A_538, %bitcast3A_382 : vector<16xf32>
        %add3A_540 = arith.constant 1 : i32
        %add3A_541 = arith.addi %add3A_370, %add3A_540 : i32
        %swap3A_542 = arith.index_cast %add3A_541 : i32 to index
        %swap3A_543 = arith.constant 80 : index
        %swap3A_544 = tpu.vector_load %arg6[%swap3A_542, %swap3A_543] {strides = array<i32>} : memref<128x128xf32, #tpu.memory_space<vmem>>, vector<16xf32>,
        tpu.vector_store %arg6[%swap3A_542, %swap3A_543], %mul3A_539 {strides = array<i32>} : memref<128x128xf32, #tpu.memory_space<vmem>>, vector<16xf32>,
        %add3A_545 = arith.constant 1 : i32
        %add3A_546 = arith.addi %add3A_370, %add3A_545 : i32
        %get3A_547 = arith.index_cast %add3A_546 : i32 to index
        %get3A_548 = arith.constant 96 : index
        %get3A_549 = tpu.vector_load %arg6[%get3A_547, %get3A_548] {strides = array<i32>} : memref<128x128xf32, #tpu.memory_space<vmem>>, vector<16xf32>,
        %mul3A_550 = arith.mulf %get3A_549, %bitcast3A_382 : vector<16xf32>
        %add3A_551 = arith.constant 1 : i32
        %add3A_552 = arith.addi %add3A_370, %add3A_551 : i32
        %swap3A_553 = arith.index_cast %add3A_552 : i32 to index
        %swap3A_554 = arith.constant 96 : index
        %swap3A_555 = tpu.vector_load %arg6[%swap3A_553, %swap3A_554] {strides = array<i32>} : memref<128x128xf32, #tpu.memory_space<vmem>>, vector<16xf32>,
        tpu.vector_store %arg6[%swap3A_553, %swap3A_554], %mul3A_550 {strides = array<i32>} : memref<128x128xf32, #tpu.memory_space<vmem>>, vector<16xf32>,
        %add3A_556 = arith.constant 1 : i32
        %add3A_557 = arith.addi %add3A_370, %add3A_556 : i32
        %get3A_558 = arith.index_cast %add3A_557 : i32 to index
        %get3A_559 = arith.constant 112 : index
        %get3A_560 = tpu.vector_load %arg6[%get3A_558, %get3A_559] {strides = array<i32>} : memref<128x128xf32, #tpu.memory_space<vmem>>, vector<16xf32>,
        %mul3A_561 = arith.mulf %get3A_560, %bitcast3A_382 : vector<16xf32>
        %add3A_562 = arith.constant 1 : i32
        %add3A_563 = arith.addi %add3A_370, %add3A_562 : i32
        %swap3A_564 = arith.index_cast %add3A_563 : i32 to index
        %swap3A_565 = arith.constant 112 : index
        %swap3A_566 = tpu.vector_load %arg6[%swap3A_564, %swap3A_565] {strides = array<i32>} : memref<128x128xf32, #tpu.memory_space<vmem>>, vector<16xf32>,
        tpu.vector_store %arg6[%swap3A_564, %swap3A_565], %mul3A_561 {strides = array<i32>} : memref<128x128xf32, #tpu.memory_space<vmem>>, vector<16xf32>,
        %add3A_567 = arith.constant 2 : i32
        %add3A_568 = arith.addi %add3A_370, %add3A_567 : i32
        %get3A_569 = arith.index_cast %add3A_568 : i32 to index
        %get3A_570 = arith.constant 0 : index
        %get3A_571 = tpu.vector_load %arg6[%get3A_569, %get3A_570] {strides = array<i32>} : memref<128x128xf32, #tpu.memory_space<vmem>>, vector<16xf32>,
        %mul3A_572 = arith.mulf %get3A_571, %bitcast3A_387 : vector<16xf32>
        %add3A_573 = arith.constant 2 : i32
        %add3A_574 = arith.addi %add3A_370, %add3A_573 : i32
        %swap3A_575 = arith.index_cast %add3A_574 : i32 to index
        %swap3A_576 = arith.constant 0 : index
        %swap3A_577 = tpu.vector_load %arg6[%swap3A_575, %swap3A_576] {strides = array<i32>} : memref<128x128xf32, #tpu.memory_space<vmem>>, vector<16xf32>,
        tpu.vector_store %arg6[%swap3A_575, %swap3A_576], %mul3A_572 {strides = array<i32>} : memref<128x128xf32, #tpu.memory_space<vmem>>, vector<16xf32>,
        %add3A_578 = arith.constant 2 : i32
        %add3A_579 = arith.addi %add3A_370, %add3A_578 : i32
        %get3A_580 = arith.index_cast %add3A_579 : i32 to index
        %get3A_581 = arith.constant 16 : index
        %get3A_582 = tpu.vector_load %arg6[%get3A_580, %get3A_581] {strides = array<i32>} : memref<128x128xf32, #tpu.memory_space<vmem>>, vector<16xf32>,
        %mul3A_583 = arith.mulf %get3A_582, %bitcast3A_387 : vector<16xf32>
        %add3A_584 = arith.constant 2 : i32
        %add3A_585 = arith.addi %add3A_370, %add3A_584 : i32
        %swap3A_586 = arith.index_cast %add3A_585 : i32 to index
        %swap3A_587 = arith.constant 16 : index
        %swap3A_588 = tpu.vector_load %arg6[%swap3A_586, %swap3A_587] {strides = array<i32>} : memref<128x128xf32, #tpu.memory_space<vmem>>, vector<16xf32>,
        tpu.vector_store %arg6[%swap3A_586, %swap3A_587], %mul3A_583 {strides = array<i32>} : memref<128x128xf32, #tpu.memory_space<vmem>>, vector<16xf32>,
        %add3A_589 = arith.constant 2 : i32
        %add3A_590 = arith.addi %add3A_370, %add3A_589 : i32
        %get3A_591 = arith.index_cast %add3A_590 : i32 to index
        %get3A_592 = arith.constant 32 : index
        %get3A_593 = tpu.vector_load %arg6[%get3A_591, %get3A_592] {strides = array<i32>} : memref<128x128xf32, #tpu.memory_space<vmem>>, vector<16xf32>,
        %mul3A_594 = arith.mulf %get3A_593, %bitcast3A_387 : vector<16xf32>
        %add3A_595 = arith.constant 2 : i32
        %add3A_596 = arith.addi %add3A_370, %add3A_595 : i32
        %swap3A_597 = arith.index_cast %add3A_596 : i32 to index
        %swap3A_598 = arith.constant 32 : index
        %swap3A_599 = tpu.vector_load %arg6[%swap3A_597, %swap3A_598] {strides = array<i32>} : memref<128x128xf32, #tpu.memory_space<vmem>>, vector<16xf32>,
        tpu.vector_store %arg6[%swap3A_597, %swap3A_598], %mul3A_594 {strides = array<i32>} : memref<128x128xf32, #tpu.memory_space<vmem>>, vector<16xf32>,
        %add3A_600 = arith.constant 2 : i32
        %add3A_601 = arith.addi %add3A_370, %add3A_600 : i32
        %get3A_602 = arith.index_cast %add3A_601 : i32 to index
        %get3A_603 = arith.constant 48 : index
        %get3A_604 = tpu.vector_load %arg6[%get3A_602, %get3A_603] {strides = array<i32>} : memref<128x128xf32, #tpu.memory_space<vmem>>, vector<16xf32>,
        %mul3A_605 = arith.mulf %get3A_604, %bitcast3A_387 : vector<16xf32>
        %add3A_606 = arith.constant 2 : i32
        %add3A_607 = arith.addi %add3A_370, %add3A_606 : i32
        %swap3A_608 = arith.index_cast %add3A_607 : i32 to index
        %swap3A_609 = arith.constant 48 : index
        %swap3A_610 = tpu.vector_load %arg6[%swap3A_608, %swap3A_609] {strides = array<i32>} : memref<128x128xf32, #tpu.memory_space<vmem>>, vector<16xf32>,
        tpu.vector_store %arg6[%swap3A_608, %swap3A_609], %mul3A_605 {strides = array<i32>} : memref<128x128xf32, #tpu.memory_space<vmem>>, vector<16xf32>,
        %add3A_611 = arith.constant 2 : i32
        %add3A_612 = arith.addi %add3A_370, %add3A_611 : i32
        %get3A_613 = arith.index_cast %add3A_612 : i32 to index
        %get3A_614 = arith.constant 64 : index
        %get3A_615 = tpu.vector_load %arg6[%get3A_613, %get3A_614] {strides = array<i32>} : memref<128x128xf32, #tpu.memory_space<vmem>>, vector<16xf32>,
        %mul3A_616 = arith.mulf %get3A_615, %bitcast3A_387 : vector<16xf32>
        %add3A_617 = arith.constant 2 : i32
        %add3A_618 = arith.addi %add3A_370, %add3A_617 : i32
        %swap3A_619 = arith.index_cast %add3A_618 : i32 to index
        %swap3A_620 = arith.constant 64 : index
        %swap3A_621 = tpu.vector_load %arg6[%swap3A_619, %swap3A_620] {strides = array<i32>} : memref<128x128xf32, #tpu.memory_space<vmem>>, vector<16xf32>,
        tpu.vector_store %arg6[%swap3A_619, %swap3A_620], %mul3A_616 {strides = array<i32>} : memref<128x128xf32, #tpu.memory_space<vmem>>, vector<16xf32>,
        %add3A_622 = arith.constant 2 : i32
        %add3A_623 = arith.addi %add3A_370, %add3A_622 : i32
        %get3A_624 = arith.index_cast %add3A_623 : i32 to index
        %get3A_625 = arith.constant 80 : index
        %get3A_626 = tpu.vector_load %arg6[%get3A_624, %get3A_625] {strides = array<i32>} : memref<128x128xf32, #tpu.memory_space<vmem>>, vector<16xf32>,
        %mul3A_627 = arith.mulf %get3A_626, %bitcast3A_387 : vector<16xf32>
        %add3A_628 = arith.constant 2 : i32
        %add3A_629 = arith.addi %add3A_370, %add3A_628 : i32
        %swap3A_630 = arith.index_cast %add3A_629 : i32 to index
        %swap3A_631 = arith.constant 80 : index
        %swap3A_632 = tpu.vector_load %arg6[%swap3A_630, %swap3A_631] {strides = array<i32>} : memref<128x128xf32, #tpu.memory_space<vmem>>, vector<16xf32>,
        tpu.vector_store %arg6[%swap3A_630, %swap3A_631], %mul3A_627 {strides = array<i32>} : memref<128x128xf32, #tpu.memory_space<vmem>>, vector<16xf32>,
        %add3A_633 = arith.constant 2 : i32
        %add3A_634 = arith.addi %add3A_370, %add3A_633 : i32
        %get3A_635 = arith.index_cast %add3A_634 : i32 to index
        %get3A_636 = arith.constant 96 : index
        %get3A_637 = tpu.vector_load %arg6[%get3A_635, %get3A_636] {strides = array<i32>} : memref<128x128xf32, #tpu.memory_space<vmem>>, vector<16xf32>,
        %mul3A_638 = arith.mulf %get3A_637, %bitcast3A_387 : vector<16xf32>
        %add3A_639 = arith.constant 2 : i32
        %add3A_640 = arith.addi %add3A_370, %add3A_639 : i32
        %swap3A_641 = arith.index_cast %add3A_640 : i32 to index
        %swap3A_642 = arith.constant 96 : index
        %swap3A_643 = tpu.vector_load %arg6[%swap3A_641, %swap3A_642] {strides = array<i32>} : memref<128x128xf32, #tpu.memory_space<vmem>>, vector<16xf32>,
        tpu.vector_store %arg6[%swap3A_641, %swap3A_642], %mul3A_638 {strides = array<i32>} : memref<128x128xf32, #tpu.memory_space<vmem>>, vector<16xf32>,
        %add3A_644 = arith.constant 2 : i32
        %add3A_645 = arith.addi %add3A_370, %add3A_644 : i32
        %get3A_646 = arith.index_cast %add3A_645 : i32 to index
        %get3A_647 = arith.constant 112 : index
        %get3A_648 = tpu.vector_load %arg6[%get3A_646, %get3A_647] {strides = array<i32>} : memref<128x128xf32, #tpu.memory_space<vmem>>, vector<16xf32>,
        %mul3A_649 = arith.mulf %get3A_648, %bitcast3A_387 : vector<16xf32>
        %add3A_650 = arith.constant 2 : i32
        %add3A_651 = arith.addi %add3A_370, %add3A_650 : i32
        %swap3A_652 = arith.index_cast %add3A_651 : i32 to index
        %swap3A_653 = arith.constant 112 : index
        %swap3A_654 = tpu.vector_load %arg6[%swap3A_652, %swap3A_653] {strides = array<i32>} : memref<128x128xf32, #tpu.memory_space<vmem>>, vector<16xf32>,
        tpu.vector_store %arg6[%swap3A_652, %swap3A_653], %mul3A_649 {strides = array<i32>} : memref<128x128xf32, #tpu.memory_space<vmem>>, vector<16xf32>,
        %add3A_655 = arith.constant 3 : i32
        %add3A_656 = arith.addi %add3A_370, %add3A_655 : i32
        %get3A_657 = arith.index_cast %add3A_656 : i32 to index
        %get3A_658 = arith.constant 0 : index
        %get3A_659 = tpu.vector_load %arg6[%get3A_657, %get3A_658] {strides = array<i32>} : memref<128x128xf32, #tpu.memory_space<vmem>>, vector<16xf32>,
        %mul3A_660 = arith.mulf %get3A_659, %bitcast3A_392 : vector<16xf32>
        %add3A_661 = arith.constant 3 : i32
        %add3A_662 = arith.addi %add3A_370, %add3A_661 : i32
        %swap3A_663 = arith.index_cast %add3A_662 : i32 to index
        %swap3A_664 = arith.constant 0 : index
        %swap3A_665 = tpu.vector_load %arg6[%swap3A_663, %swap3A_664] {strides = array<i32>} : memref<128x128xf32, #tpu.memory_space<vmem>>, vector<16xf32>,
        tpu.vector_store %arg6[%swap3A_663, %swap3A_664], %mul3A_660 {strides = array<i32>} : memref<128x128xf32, #tpu.memory_space<vmem>>, vector<16xf32>,
        %add3A_666 = arith.constant 3 : i32
        %add3A_667 = arith.addi %add3A_370, %add3A_666 : i32
        %get3A_668 = arith.index_cast %add3A_667 : i32 to index
        %get3A_669 = arith.constant 16 : index
        %get3A_670 = tpu.vector_load %arg6[%get3A_668, %get3A_669] {strides = array<i32>} : memref<128x128xf32, #tpu.memory_space<vmem>>, vector<16xf32>,
        %mul3A_671 = arith.mulf %get3A_670, %bitcast3A_392 : vector<16xf32>
        %add3A_672 = arith.constant 3 : i32
        %add3A_673 = arith.addi %add3A_370, %add3A_672 : i32
        %swap3A_674 = arith.index_cast %add3A_673 : i32 to index
        %swap3A_675 = arith.constant 16 : index
        %swap3A_676 = tpu.vector_load %arg6[%swap3A_674, %swap3A_675] {strides = array<i32>} : memref<128x128xf32, #tpu.memory_space<vmem>>, vector<16xf32>,
        tpu.vector_store %arg6[%swap3A_674, %swap3A_675], %mul3A_671 {strides = array<i32>} : memref<128x128xf32, #tpu.memory_space<vmem>>, vector<16xf32>,
        %add3A_677 = arith.constant 3 : i32
        %add3A_678 = arith.addi %add3A_370, %add3A_677 : i32
        %get3A_679 = arith.index_cast %add3A_678 : i32 to index
        %get3A_680 = arith.constant 32 : index
        %get3A_681 = tpu.vector_load %arg6[%get3A_679, %get3A_680] {strides = array<i32>} : memref<128x128xf32, #tpu.memory_space<vmem>>, vector<16xf32>,
        %mul3A_682 = arith.mulf %get3A_681, %bitcast3A_392 : vector<16xf32>
        %add3A_683 = arith.constant 3 : i32
        %add3A_684 = arith.addi %add3A_370, %add3A_683 : i32
        %swap3A_685 = arith.index_cast %add3A_684 : i32 to index
        %swap3A_686 = arith.constant 32 : index
        %swap3A_687 = tpu.vector_load %arg6[%swap3A_685, %swap3A_686] {strides = array<i32>} : memref<128x128xf32, #tpu.memory_space<vmem>>, vector<16xf32>,
        tpu.vector_store %arg6[%swap3A_685, %swap3A_686], %mul3A_682 {strides = array<i32>} : memref<128x128xf32, #tpu.memory_space<vmem>>, vector<16xf32>,
        %add3A_688 = arith.constant 3 : i32
        %add3A_689 = arith.addi %add3A_370, %add3A_688 : i32
        %get3A_690 = arith.index_cast %add3A_689 : i32 to index
        %get3A_691 = arith.constant 48 : index
        %get3A_692 = tpu.vector_load %arg6[%get3A_690, %get3A_691] {strides = array<i32>} : memref<128x128xf32, #tpu.memory_space<vmem>>, vector<16xf32>,
        %mul3A_693 = arith.mulf %get3A_692, %bitcast3A_392 : vector<16xf32>
        %add3A_694 = arith.constant 3 : i32
        %add3A_695 = arith.addi %add3A_370, %add3A_694 : i32
        %swap3A_696 = arith.index_cast %add3A_695 : i32 to index
        %swap3A_697 = arith.constant 48 : index
        %swap3A_698 = tpu.vector_load %arg6[%swap3A_696, %swap3A_697] {strides = array<i32>} : memref<128x128xf32, #tpu.memory_space<vmem>>, vector<16xf32>,
        tpu.vector_store %arg6[%swap3A_696, %swap3A_697], %mul3A_693 {strides = array<i32>} : memref<128x128xf32, #tpu.memory_space<vmem>>, vector<16xf32>,
        %add3A_699 = arith.constant 3 : i32
        %add3A_700 = arith.addi %add3A_370, %add3A_699 : i32
        %get3A_701 = arith.index_cast %add3A_700 : i32 to index
        %get3A_702 = arith.constant 64 : index
        %get3A_703 = tpu.vector_load %arg6[%get3A_701, %get3A_702] {strides = array<i32>} : memref<128x128xf32, #tpu.memory_space<vmem>>, vector<16xf32>,
        %mul3A_704 = arith.mulf %get3A_703, %bitcast3A_392 : vector<16xf32>
        %add3A_705 = arith.constant 3 : i32
        %add3A_706 = arith.addi %add3A_370, %add3A_705 : i32
        %swap3A_707 = arith.index_cast %add3A_706 : i32 to index
        %swap3A_708 = arith.constant 64 : index
        %swap3A_709 = tpu.vector_load %arg6[%swap3A_707, %swap3A_708] {strides = array<i32>} : memref<128x128xf32, #tpu.memory_space<vmem>>, vector<16xf32>,
        tpu.vector_store %arg6[%swap3A_707, %swap3A_708], %mul3A_704 {strides = array<i32>} : memref<128x128xf32, #tpu.memory_space<vmem>>, vector<16xf32>,
        %add3A_710 = arith.constant 3 : i32
        %add3A_711 = arith.addi %add3A_370, %add3A_710 : i32
        %get3A_712 = arith.index_cast %add3A_711 : i32 to index
        %get3A_713 = arith.constant 80 : index
        %get3A_714 = tpu.vector_load %arg6[%get3A_712, %get3A_713] {strides = array<i32>} : memref<128x128xf32, #tpu.memory_space<vmem>>, vector<16xf32>,
        %mul3A_715 = arith.mulf %get3A_714, %bitcast3A_392 : vector<16xf32>
        %add3A_716 = arith.constant 3 : i32
        %add3A_717 = arith.addi %add3A_370, %add3A_716 : i32
        %swap3A_718 = arith.index_cast %add3A_717 : i32 to index
        %swap3A_719 = arith.constant 80 : index
        %swap3A_720 = tpu.vector_load %arg6[%swap3A_718, %swap3A_719] {strides = array<i32>} : memref<128x128xf32, #tpu.memory_space<vmem>>, vector<16xf32>,
        tpu.vector_store %arg6[%swap3A_718, %swap3A_719], %mul3A_715 {strides = array<i32>} : memref<128x128xf32, #tpu.memory_space<vmem>>, vector<16xf32>,
        %add3A_721 = arith.constant 3 : i32
        %add3A_722 = arith.addi %add3A_370, %add3A_721 : i32
        %get3A_723 = arith.index_cast %add3A_722 : i32 to index
        %get3A_724 = arith.constant 96 : index
        %get3A_725 = tpu.vector_load %arg6[%get3A_723, %get3A_724] {strides = array<i32>} : memref<128x128xf32, #tpu.memory_space<vmem>>, vector<16xf32>,
        %mul3A_726 = arith.mulf %get3A_725, %bitcast3A_392 : vector<16xf32>
        %add3A_727 = arith.constant 3 : i32
        %add3A_728 = arith.addi %add3A_370, %add3A_727 : i32
        %swap3A_729 = arith.index_cast %add3A_728 : i32 to index
        %swap3A_730 = arith.constant 96 : index
        %swap3A_731 = tpu.vector_load %arg6[%swap3A_729, %swap3A_730] {strides = array<i32>} : memref<128x128xf32, #tpu.memory_space<vmem>>, vector<16xf32>,
        tpu.vector_store %arg6[%swap3A_729, %swap3A_730], %mul3A_726 {strides = array<i32>} : memref<128x128xf32, #tpu.memory_space<vmem>>, vector<16xf32>,
        %add3A_732 = arith.constant 3 : i32
        %add3A_733 = arith.addi %add3A_370, %add3A_732 : i32
        %get3A_734 = arith.index_cast %add3A_733 : i32 to index
        %get3A_735 = arith.constant 112 : index
        %get3A_736 = tpu.vector_load %arg6[%get3A_734, %get3A_735] {strides = array<i32>} : memref<128x128xf32, #tpu.memory_space<vmem>>, vector<16xf32>,
        %mul3A_737 = arith.mulf %get3A_736, %bitcast3A_392 : vector<16xf32>
        %add3A_738 = arith.constant 3 : i32
        %add3A_739 = arith.addi %add3A_370, %add3A_738 : i32
        %swap3A_740 = arith.index_cast %add3A_739 : i32 to index
        %swap3A_741 = arith.constant 112 : index
        %swap3A_742 = tpu.vector_load %arg6[%swap3A_740, %swap3A_741] {strides = array<i32>} : memref<128x128xf32, #tpu.memory_space<vmem>>, vector<16xf32>,
        tpu.vector_store %arg6[%swap3A_740, %swap3A_741], %mul3A_737 {strides = array<i32>} : memref<128x128xf32, #tpu.memory_space<vmem>>, vector<16xf32>,
      }
      %scan3A_301 = arith.constant 32 : i32
      %dma_start3A_302 = arith.constant 7 : i32
      %dma_start3A_303 = arith.constant 0 : i32
      %dma_start3A_304 = arith.constant 0 : i32
      %dma_start3A_305 = tpu.memref_slice %arg5[%dma_start3A_302, %dma_start3A_303, %dma_start3A_304] : memref<12x1x128xi32, #tpu.memory_space<vmem>> -> memref<1x1x128xi32, #tpu.memory_space<vmem>>
      %dma_start3A_306 = tpu.memref_squeeze %dma_start3A_305 : memref<1x1x128xi32, #tpu.memory_space<vmem>> -> memref<128xi32, #tpu.memory_space<vmem>>
      %dma_start3A_307 = arith.constant 0 : i32
      %dma_start3A_308 = arith.constant 0 : i32
      %dma_start3A_309 = tpu.memref_slice %arg8[%dma_start3A_307, %dma_start3A_308] : memref<10000x128xf32, #tpu.memory_space<vmem_shared>> -> memref<10000x128xf32, #tpu.memory_space<vmem_shared>>
      tpu.enqueue_indirect_dma source(%arg6 : memref<128x128xf32, #tpu.memory_space<vmem>>) target(%dma_start3A_309 : memref<10000x128xf32, #tpu.memory_space<vmem_shared>>) offsets(%dma_start3A_306 : memref<128xi32, #tpu.memory_space<vmem>>) semaphore(%arg15 : memref<!tpu.dma_semaphore, #tpu.memory_space<semaphore_mem>>) {add = true}
      %add3A_310 = arith.constant 3 : i32
      %add3A_311 = arith.addi %add3A_269, %add3A_310 : i32
      %lt3A_312 = arith.constant 80 : i32
      %lt3A_313 = arith.cmpi slt, %add3A_311, %lt3A_312 : i32
      %convert_element_type3A_314 = arith.extui %lt3A_313 : i1 to i32
      %cond3A_315 = arith.constant 0 : i32
      %cond3A_316 = arith.cmpi ne, %convert_element_type3A_314, %cond3A_315 : i32
      scf.if %cond3A_316 {
        %add3A_366 = arith.constant 3 : i32
        %add3A_367 = arith.addi %add3A_269, %add3A_366 : i32
        %add3A_368 = arith.addi %mul3A_2, %add3A_367 : i32
        %mul3A_369 = arith.constant 3 : i32
        %mul3A_370 = arith.muli %add3A_368, %mul3A_369 : i32
        %dma_start3A_371 = arith.constant 3 : i32
        %dma_start3A_372 = arith.constant 0 : i32
        %dma_start3A_373 = arith.constant 0 : i32
        %dma_start3A_374 = tpu.memref_slice %arg5[%dma_start3A_371, %dma_start3A_372, %dma_start3A_373] : memref<12x1x128xi32, #tpu.memory_space<vmem>> -> memref<3x1x128xi32, #tpu.memory_space<vmem>>
        %dma_start3A_375 = arith.constant 0 : i32
        %dma_start3A_376 = arith.constant 0 : i32
        %dma_start3A_377 = tpu.memref_slice %arg3[%mul3A_370, %dma_start3A_375, %dma_start3A_376] : memref<7680x1x128xi32, #tpu.memory_space<hbm>> -> memref<3x1x128xi32, #tpu.memory_space<hbm>>
        %dma_start3A_378 = arith.constant 3 : i32
        %dma_start3A_379 = arith.constant 0 : i32
        %dma_start3A_380 = arith.constant 0 : i32
        %dma_start3A_381 = tpu.memref_slice %arg5[%dma_start3A_378, %dma_start3A_379, %dma_start3A_380] : memref<12x1x128xi32, #tpu.memory_space<vmem>> -> memref<3x1x128xi32, #tpu.memory_space<vmem>>
        %dma_start3A_382 = arith.constant 0 : i32
        %dma_start3A_383 = arith.constant 0 : i32
        %dma_start3A_384 = tpu.memref_slice %arg3[%mul3A_370, %dma_start3A_382, %dma_start3A_383] : memref<7680x1x128xi32, #tpu.memory_space<hbm>> -> memref<3x1x128xi32, #tpu.memory_space<hbm>>
        tpu.enqueue_dma source(%dma_start3A_384 : memref<3x1x128xi32, #tpu.memory_space<hbm>>) target(%dma_start3A_381 : memref<3x1x128xi32, #tpu.memory_space<vmem>>) target_semaphore(%arg10 : memref<!tpu.dma_semaphore, #tpu.memory_space<semaphore_mem>>)
      } else {
      }
      %add3A_317 = arith.constant 3 : i32
      %add3A_318 = arith.addi %add3A_173, %add3A_317 : i32
      %add3A_319 = arith.constant 1 : i32
      %add3A_320 = arith.addi %add3A_318, %add3A_319 : i32
      %lt3A_321 = arith.constant 80 : i32
      %lt3A_322 = arith.cmpi slt, %add3A_320, %lt3A_321 : i32
      %convert_element_type3A_323 = arith.extui %lt3A_322 : i1 to i32
      %cond3A_324 = arith.constant 0 : i32
      %cond3A_325 = arith.cmpi ne, %convert_element_type3A_323, %cond3A_324 : i32
      scf.if %cond3A_325 {
        %add3A_366 = arith.constant 1 : i32
        %add3A_367 = arith.addi %add3A_318, %add3A_366 : i32
        %add3A_368 = arith.addi %mul3A_2, %add3A_367 : i32
        %mul3A_369 = arith.constant 3 : i32
        %mul3A_370 = arith.muli %add3A_368, %mul3A_369 : i32
        %dma_wait3A_371 = arith.constant 0 : i32
        %dma_wait3A_372 = arith.constant 0 : i32
        %dma_wait3A_373 = arith.constant 0 : i32
        %dma_wait3A_374 = tpu.memref_slice %arg5[%dma_wait3A_371, %dma_wait3A_372, %dma_wait3A_373] : memref<12x1x128xi32, #tpu.memory_space<vmem>> -> memref<3x1x128xi32, #tpu.memory_space<vmem>>
        %dma_wait3A_375 = arith.constant 0 : i32
        %dma_wait3A_376 = arith.constant 0 : i32
        %dma_wait3A_377 = tpu.memref_slice %arg3[%mul3A_370, %dma_wait3A_375, %dma_wait3A_376] : memref<7680x1x128xi32, #tpu.memory_space<hbm>> -> memref<3x1x128xi32, #tpu.memory_space<hbm>>
        %dma_wait3A_378 = arith.constant 0 : i32
        %dma_wait3A_379 = arith.constant 0 : i32
        %dma_wait3A_380 = arith.constant 0 : i32
        %dma_wait3A_381 = tpu.memref_slice %arg5[%dma_wait3A_378, %dma_wait3A_379, %dma_wait3A_380] : memref<12x1x128xi32, #tpu.memory_space<vmem>> -> memref<3x1x128xi32, #tpu.memory_space<vmem>>
        %dma_wait3A_382 = arith.constant 0 : i32
        %dma_wait3A_383 = arith.constant 0 : i32
        %dma_wait3A_384 = tpu.memref_slice %arg3[%mul3A_370, %dma_wait3A_382, %dma_wait3A_383] : memref<7680x1x128xi32, #tpu.memory_space<hbm>> -> memref<3x1x128xi32, #tpu.memory_space<hbm>>
        tpu.wait_dma2 semaphore(%arg9 : memref<!tpu.dma_semaphore, #tpu.memory_space<semaphore_mem>>) src(%dma_wait3A_384 : memref<3x1x128xi32, #tpu.memory_space<hbm>>) dst(%dma_wait3A_381 : memref<3x1x128xi32, #tpu.memory_space<vmem>>)
      } else {
      }
      %dma_wait3A_326 = arith.constant 9 : i32
      %dma_wait3A_327 = arith.constant 0 : i32
      %dma_wait3A_328 = arith.constant 0 : i32
      %dma_wait3A_329 = tpu.memref_slice %arg5[%dma_wait3A_326, %dma_wait3A_327, %dma_wait3A_328] : memref<12x1x128xi32, #tpu.memory_space<vmem>> -> memref<1x1x128xi32, #tpu.memory_space<vmem>>
      %dma_wait3A_330 = tpu.memref_squeeze %dma_wait3A_329 : memref<1x1x128xi32, #tpu.memory_space<vmem>> -> memref<128xi32, #tpu.memory_space<vmem>>
      %dma_wait3A_331 = arith.constant 0 : i32
      %dma_wait3A_332 = arith.constant 0 : i32
      %dma_wait3A_333 = tpu.memref_slice %arg2[%dma_wait3A_331, %dma_wait3A_332] : memref<10000x128xf32, #tpu.memory_space<hbm>> -> memref<10000x128xf32, #tpu.memory_space<hbm>>
      tpu.wait_indirect_dma semaphore(%arg14 : memref<!tpu.dma_semaphore, #tpu.memory_space<semaphore_mem>>) src(%dma_wait3A_333 : memref<10000x128xf32, #tpu.memory_space<hbm>>) dst(%arg7 : memref<128x128xf32, #tpu.memory_space<vmem>>)
      %gt3A_334 = arith.constant 0 : i32
      %gt3A_335 = arith.cmpi sgt, %add3A_318, %gt3A_334 : i32
      %convert_element_type3A_336 = arith.extui %gt3A_335 : i1 to i32
      %cond3A_337 = arith.constant 0 : i32
      %cond3A_338 = arith.cmpi ne, %convert_element_type3A_336, %cond3A_337 : i32
      scf.if %cond3A_338 {
        %dma_wait3A_366 = arith.constant 7 : i32
        %dma_wait3A_367 = arith.constant 0 : i32
        %dma_wait3A_368 = arith.constant 0 : i32
        %dma_wait3A_369 = tpu.memref_slice %arg5[%dma_wait3A_366, %dma_wait3A_367, %dma_wait3A_368] : memref<12x1x128xi32, #tpu.memory_space<vmem>> -> memref<1x1x128xi32, #tpu.memory_space<vmem>>
        %dma_wait3A_370 = tpu.memref_squeeze %dma_wait3A_369 : memref<1x1x128xi32, #tpu.memory_space<vmem>> -> memref<128xi32, #tpu.memory_space<vmem>>
        %dma_wait3A_371 = arith.constant 0 : i32
        %dma_wait3A_372 = arith.constant 0 : i32
        %dma_wait3A_373 = tpu.memref_slice %arg8[%dma_wait3A_371, %dma_wait3A_372] : memref<10000x128xf32, #tpu.memory_space<vmem_shared>> -> memref<10000x128xf32, #tpu.memory_space<vmem_shared>>
        tpu.wait_indirect_dma semaphore(%arg15 : memref<!tpu.dma_semaphore, #tpu.memory_space<semaphore_mem>>) src(%arg6 : memref<128x128xf32, #tpu.memory_space<vmem>>) dst(%dma_wait3A_373 : memref<10000x128xf32, #tpu.memory_space<vmem_shared>>)
      } else {
      }
      %add3A_339 = arith.constant 1 : i32
      %add3A_340 = arith.addi %add3A_318, %add3A_339 : i32
      %lt3A_341 = arith.constant 80 : i32
      %lt3A_342 = arith.cmpi slt, %add3A_340, %lt3A_341 : i32
      %convert_element_type3A_343 = arith.extui %lt3A_342 : i1 to i32
      %cond3A_344 = arith.constant 0 : i32
      %cond3A_345 = arith.cmpi ne, %convert_element_type3A_343, %cond3A_344 : i32
      scf.if %cond3A_345 {
        %dma_start3A_366 = arith.constant 0 : i32
        %dma_start3A_367 = arith.constant 0 : i32
        %dma_start3A_368 = arith.constant 0 : i32
        %dma_start3A_369 = tpu.memref_slice %arg5[%dma_start3A_366, %dma_start3A_367, %dma_start3A_368] : memref<12x1x128xi32, #tpu.memory_space<vmem>> -> memref<1x1x128xi32, #tpu.memory_space<vmem>>
        %dma_start3A_370 = tpu.memref_squeeze %dma_start3A_369 : memref<1x1x128xi32, #tpu.memory_space<vmem>> -> memref<128xi32, #tpu.memory_space<vmem>>
        %dma_start3A_371 = arith.constant 0 : i32
        %dma_start3A_372 = arith.constant 0 : i32
        %dma_start3A_373 = tpu.memref_slice %arg2[%dma_start3A_371, %dma_start3A_372] : memref<10000x128xf32, #tpu.memory_space<hbm>> -> memref<10000x128xf32, #tpu.memory_space<hbm>>
        tpu.enqueue_indirect_dma source(%dma_start3A_373 : memref<10000x128xf32, #tpu.memory_space<hbm>>) target(%arg6 : memref<128x128xf32, #tpu.memory_space<vmem>>) offsets(%dma_start3A_370 : memref<128xi32, #tpu.memory_space<vmem>>) semaphore(%arg13 : memref<!tpu.dma_semaphore, #tpu.memory_space<semaphore_mem>>)
      } else {
      }
      %scan3A_346 = arith.constant 0 : i32
      %scan3A_347 = arith.constant 32 : i32
      %scan3A_348 = arith.addi %scan3A_346, %scan3A_347 : i32
      %scan3A_349 = arith.constant 1 : i32
      scf.for %scan3A_366 = %scan3A_346 to %scan3A_348 step %scan3A_349  : i32 {
        %mul3A_367 = arith.constant 4 : i32
        %mul3A_368 = arith.muli %scan3A_366, %mul3A_367 : i32
        %add3A_369 = arith.constant 0 : i32
        %add3A_370 = arith.addi %add3A_369, %mul3A_368 : i32
        %broadcast_in_dim3A_371 = arith.constant 11 : i32
        %broadcast_in_dim3A_372 = vector.broadcast %broadcast_in_dim3A_371 : i32 to vector<16xi32>
        %broadcast_in_dim3A_373 = arith.constant 0 : i32
        %broadcast_in_dim3A_374 = vector.broadcast %broadcast_in_dim3A_373 : i32 to vector<16xi32>
        %add3A_375 = arith.constant 0 : i32
        %add3A_376 = arith.addi %add3A_370, %add3A_375 : i32
        %broadcast_in_dim3A_377 = vector.broadcast %add3A_376 : i32 to vector<16xi32>
        %gather3A = tpu.vector_load_idx %arg5[%broadcast_in_dim3A_372, %broadcast_in_dim3A_374, %broadcast_in_dim3A_377] : memref<12x1x128xi32, #tpu.memory_space<vmem>>[vector<16xi32>, vector<16xi32>, vector<16xi32>], vector<16xi32>,
        %bitcast3A = vector.bitcast %gather3A : vector<16xi32> to vector<16xf32>
        %add3A_378 = arith.constant 1 : i32
        %add3A_379 = arith.addi %add3A_370, %add3A_378 : i32
        %broadcast_in_dim3A_380 = vector.broadcast %add3A_379 : i32 to vector<16xi32>
        %gather3A_381 = tpu.vector_load_idx %arg5[%broadcast_in_dim3A_372, %broadcast_in_dim3A_374, %broadcast_in_dim3A_380] : memref<12x1x128xi32, #tpu.memory_space<vmem>>[vector<16xi32>, vector<16xi32>, vector<16xi32>], vector<16xi32>,
        %bitcast3A_382 = vector.bitcast %gather3A_381 : vector<16xi32> to vector<16xf32>
        %add3A_383 = arith.constant 2 : i32
        %add3A_384 = arith.addi %add3A_370, %add3A_383 : i32
        %broadcast_in_dim3A_385 = vector.broadcast %add3A_384 : i32 to vector<16xi32>
        %gather3A_386 = tpu.vector_load_idx %arg5[%broadcast_in_dim3A_372, %broadcast_in_dim3A_374, %broadcast_in_dim3A_385] : memref<12x1x128xi32, #tpu.memory_space<vmem>>[vector<16xi32>, vector<16xi32>, vector<16xi32>], vector<16xi32>,
        %bitcast3A_387 = vector.bitcast %gather3A_386 : vector<16xi32> to vector<16xf32>
        %add3A_388 = arith.constant 3 : i32
        %add3A_389 = arith.addi %add3A_370, %add3A_388 : i32
        %broadcast_in_dim3A_390 = vector.broadcast %add3A_389 : i32 to vector<16xi32>
        %gather3A_391 = tpu.vector_load_idx %arg5[%broadcast_in_dim3A_372, %broadcast_in_dim3A_374, %broadcast_in_dim3A_390] : memref<12x1x128xi32, #tpu.memory_space<vmem>>[vector<16xi32>, vector<16xi32>, vector<16xi32>], vector<16xi32>,
        %bitcast3A_392 = vector.bitcast %gather3A_391 : vector<16xi32> to vector<16xf32>
        %add3A_393 = arith.constant 0 : i32
        %add3A_394 = arith.addi %add3A_370, %add3A_393 : i32
        %get3A = arith.index_cast %add3A_394 : i32 to index
        %get3A_395 = arith.constant 0 : index
        %get3A_396 = tpu.vector_load %arg7[%get3A, %get3A_395] {strides = array<i32>} : memref<128x128xf32, #tpu.memory_space<vmem>>, vector<16xf32>,
        %mul3A_397 = arith.mulf %get3A_396, %bitcast3A : vector<16xf32>
        %add3A_398 = arith.constant 0 : i32
        %add3A_399 = arith.addi %add3A_370, %add3A_398 : i32
        %swap3A = arith.index_cast %add3A_399 : i32 to index
        %swap3A_400 = arith.constant 0 : index
        %swap3A_401 = tpu.vector_load %arg7[%swap3A, %swap3A_400] {strides = array<i32>} : memref<128x128xf32, #tpu.memory_space<vmem>>, vector<16xf32>,
        tpu.vector_store %arg7[%swap3A, %swap3A_400], %mul3A_397 {strides = array<i32>} : memref<128x128xf32, #tpu.memory_space<vmem>>, vector<16xf32>,
        %add3A_402 = arith.constant 0 : i32
        %add3A_403 = arith.addi %add3A_370, %add3A_402 : i32
        %get3A_404 = arith.index_cast %add3A_403 : i32 to index
        %get3A_405 = arith.constant 16 : index
        %get3A_406 = tpu.vector_load %arg7[%get3A_404, %get3A_405] {strides = array<i32>} : memref<128x128xf32, #tpu.memory_space<vmem>>, vector<16xf32>,
        %mul3A_407 = arith.mulf %get3A_406, %bitcast3A : vector<16xf32>
        %add3A_408 = arith.constant 0 : i32
        %add3A_409 = arith.addi %add3A_370, %add3A_408 : i32
        %swap3A_410 = arith.index_cast %add3A_409 : i32 to index
        %swap3A_411 = arith.constant 16 : index
        %swap3A_412 = tpu.vector_load %arg7[%swap3A_410, %swap3A_411] {strides = array<i32>} : memref<128x128xf32, #tpu.memory_space<vmem>>, vector<16xf32>,
        tpu.vector_store %arg7[%swap3A_410, %swap3A_411], %mul3A_407 {strides = array<i32>} : memref<128x128xf32, #tpu.memory_space<vmem>>, vector<16xf32>,
        %add3A_413 = arith.constant 0 : i32
        %add3A_414 = arith.addi %add3A_370, %add3A_413 : i32
        %get3A_415 = arith.index_cast %add3A_414 : i32 to index
        %get3A_416 = arith.constant 32 : index
        %get3A_417 = tpu.vector_load %arg7[%get3A_415, %get3A_416] {strides = array<i32>} : memref<128x128xf32, #tpu.memory_space<vmem>>, vector<16xf32>,
        %mul3A_418 = arith.mulf %get3A_417, %bitcast3A : vector<16xf32>
        %add3A_419 = arith.constant 0 : i32
        %add3A_420 = arith.addi %add3A_370, %add3A_419 : i32
        %swap3A_421 = arith.index_cast %add3A_420 : i32 to index
        %swap3A_422 = arith.constant 32 : index
        %swap3A_423 = tpu.vector_load %arg7[%swap3A_421, %swap3A_422] {strides = array<i32>} : memref<128x128xf32, #tpu.memory_space<vmem>>, vector<16xf32>,
        tpu.vector_store %arg7[%swap3A_421, %swap3A_422], %mul3A_418 {strides = array<i32>} : memref<128x128xf32, #tpu.memory_space<vmem>>, vector<16xf32>,
        %add3A_424 = arith.constant 0 : i32
        %add3A_425 = arith.addi %add3A_370, %add3A_424 : i32
        %get3A_426 = arith.index_cast %add3A_425 : i32 to index
        %get3A_427 = arith.constant 48 : index
        %get3A_428 = tpu.vector_load %arg7[%get3A_426, %get3A_427] {strides = array<i32>} : memref<128x128xf32, #tpu.memory_space<vmem>>, vector<16xf32>,
        %mul3A_429 = arith.mulf %get3A_428, %bitcast3A : vector<16xf32>
        %add3A_430 = arith.constant 0 : i32
        %add3A_431 = arith.addi %add3A_370, %add3A_430 : i32
        %swap3A_432 = arith.index_cast %add3A_431 : i32 to index
        %swap3A_433 = arith.constant 48 : index
        %swap3A_434 = tpu.vector_load %arg7[%swap3A_432, %swap3A_433] {strides = array<i32>} : memref<128x128xf32, #tpu.memory_space<vmem>>, vector<16xf32>,
        tpu.vector_store %arg7[%swap3A_432, %swap3A_433], %mul3A_429 {strides = array<i32>} : memref<128x128xf32, #tpu.memory_space<vmem>>, vector<16xf32>,
        %add3A_435 = arith.constant 0 : i32
        %add3A_436 = arith.addi %add3A_370, %add3A_435 : i32
        %get3A_437 = arith.index_cast %add3A_436 : i32 to index
        %get3A_438 = arith.constant 64 : index
        %get3A_439 = tpu.vector_load %arg7[%get3A_437, %get3A_438] {strides = array<i32>} : memref<128x128xf32, #tpu.memory_space<vmem>>, vector<16xf32>,
        %mul3A_440 = arith.mulf %get3A_439, %bitcast3A : vector<16xf32>
        %add3A_441 = arith.constant 0 : i32
        %add3A_442 = arith.addi %add3A_370, %add3A_441 : i32
        %swap3A_443 = arith.index_cast %add3A_442 : i32 to index
        %swap3A_444 = arith.constant 64 : index
        %swap3A_445 = tpu.vector_load %arg7[%swap3A_443, %swap3A_444] {strides = array<i32>} : memref<128x128xf32, #tpu.memory_space<vmem>>, vector<16xf32>,
        tpu.vector_store %arg7[%swap3A_443, %swap3A_444], %mul3A_440 {strides = array<i32>} : memref<128x128xf32, #tpu.memory_space<vmem>>, vector<16xf32>,
        %add3A_446 = arith.constant 0 : i32
        %add3A_447 = arith.addi %add3A_370, %add3A_446 : i32
        %get3A_448 = arith.index_cast %add3A_447 : i32 to index
        %get3A_449 = arith.constant 80 : index
        %get3A_450 = tpu.vector_load %arg7[%get3A_448, %get3A_449] {strides = array<i32>} : memref<128x128xf32, #tpu.memory_space<vmem>>, vector<16xf32>,
        %mul3A_451 = arith.mulf %get3A_450, %bitcast3A : vector<16xf32>
        %add3A_452 = arith.constant 0 : i32
        %add3A_453 = arith.addi %add3A_370, %add3A_452 : i32
        %swap3A_454 = arith.index_cast %add3A_453 : i32 to index
        %swap3A_455 = arith.constant 80 : index
        %swap3A_456 = tpu.vector_load %arg7[%swap3A_454, %swap3A_455] {strides = array<i32>} : memref<128x128xf32, #tpu.memory_space<vmem>>, vector<16xf32>,
        tpu.vector_store %arg7[%swap3A_454, %swap3A_455], %mul3A_451 {strides = array<i32>} : memref<128x128xf32, #tpu.memory_space<vmem>>, vector<16xf32>,
        %add3A_457 = arith.constant 0 : i32
        %add3A_458 = arith.addi %add3A_370, %add3A_457 : i32
        %get3A_459 = arith.index_cast %add3A_458 : i32 to index
        %get3A_460 = arith.constant 96 : index
        %get3A_461 = tpu.vector_load %arg7[%get3A_459, %get3A_460] {strides = array<i32>} : memref<128x128xf32, #tpu.memory_space<vmem>>, vector<16xf32>,
        %mul3A_462 = arith.mulf %get3A_461, %bitcast3A : vector<16xf32>
        %add3A_463 = arith.constant 0 : i32
        %add3A_464 = arith.addi %add3A_370, %add3A_463 : i32
        %swap3A_465 = arith.index_cast %add3A_464 : i32 to index
        %swap3A_466 = arith.constant 96 : index
        %swap3A_467 = tpu.vector_load %arg7[%swap3A_465, %swap3A_466] {strides = array<i32>} : memref<128x128xf32, #tpu.memory_space<vmem>>, vector<16xf32>,
        tpu.vector_store %arg7[%swap3A_465, %swap3A_466], %mul3A_462 {strides = array<i32>} : memref<128x128xf32, #tpu.memory_space<vmem>>, vector<16xf32>,
        %add3A_468 = arith.constant 0 : i32
        %add3A_469 = arith.addi %add3A_370, %add3A_468 : i32
        %get3A_470 = arith.index_cast %add3A_469 : i32 to index
        %get3A_471 = arith.constant 112 : index
        %get3A_472 = tpu.vector_load %arg7[%get3A_470, %get3A_471] {strides = array<i32>} : memref<128x128xf32, #tpu.memory_space<vmem>>, vector<16xf32>,
        %mul3A_473 = arith.mulf %get3A_472, %bitcast3A : vector<16xf32>
        %add3A_474 = arith.constant 0 : i32
        %add3A_475 = arith.addi %add3A_370, %add3A_474 : i32
        %swap3A_476 = arith.index_cast %add3A_475 : i32 to index
        %swap3A_477 = arith.constant 112 : index
        %swap3A_478 = tpu.vector_load %arg7[%swap3A_476, %swap3A_477] {strides = array<i32>} : memref<128x128xf32, #tpu.memory_space<vmem>>, vector<16xf32>,
        tpu.vector_store %arg7[%swap3A_476, %swap3A_477], %mul3A_473 {strides = array<i32>} : memref<128x128xf32, #tpu.memory_space<vmem>>, vector<16xf32>,
        %add3A_479 = arith.constant 1 : i32
        %add3A_480 = arith.addi %add3A_370, %add3A_479 : i32
        %get3A_481 = arith.index_cast %add3A_480 : i32 to index
        %get3A_482 = arith.constant 0 : index
        %get3A_483 = tpu.vector_load %arg7[%get3A_481, %get3A_482] {strides = array<i32>} : memref<128x128xf32, #tpu.memory_space<vmem>>, vector<16xf32>,
        %mul3A_484 = arith.mulf %get3A_483, %bitcast3A_382 : vector<16xf32>
        %add3A_485 = arith.constant 1 : i32
        %add3A_486 = arith.addi %add3A_370, %add3A_485 : i32
        %swap3A_487 = arith.index_cast %add3A_486 : i32 to index
        %swap3A_488 = arith.constant 0 : index
        %swap3A_489 = tpu.vector_load %arg7[%swap3A_487, %swap3A_488] {strides = array<i32>} : memref<128x128xf32, #tpu.memory_space<vmem>>, vector<16xf32>,
        tpu.vector_store %arg7[%swap3A_487, %swap3A_488], %mul3A_484 {strides = array<i32>} : memref<128x128xf32, #tpu.memory_space<vmem>>, vector<16xf32>,
        %add3A_490 = arith.constant 1 : i32
        %add3A_491 = arith.addi %add3A_370, %add3A_490 : i32
        %get3A_492 = arith.index_cast %add3A_491 : i32 to index
        %get3A_493 = arith.constant 16 : index
        %get3A_494 = tpu.vector_load %arg7[%get3A_492, %get3A_493] {strides = array<i32>} : memref<128x128xf32, #tpu.memory_space<vmem>>, vector<16xf32>,
        %mul3A_495 = arith.mulf %get3A_494, %bitcast3A_382 : vector<16xf32>
        %add3A_496 = arith.constant 1 : i32
        %add3A_497 = arith.addi %add3A_370, %add3A_496 : i32
        %swap3A_498 = arith.index_cast %add3A_497 : i32 to index
        %swap3A_499 = arith.constant 16 : index
        %swap3A_500 = tpu.vector_load %arg7[%swap3A_498, %swap3A_499] {strides = array<i32>} : memref<128x128xf32, #tpu.memory_space<vmem>>, vector<16xf32>,
        tpu.vector_store %arg7[%swap3A_498, %swap3A_499], %mul3A_495 {strides = array<i32>} : memref<128x128xf32, #tpu.memory_space<vmem>>, vector<16xf32>,
        %add3A_501 = arith.constant 1 : i32
        %add3A_502 = arith.addi %add3A_370, %add3A_501 : i32
        %get3A_503 = arith.index_cast %add3A_502 : i32 to index
        %get3A_504 = arith.constant 32 : index
        %get3A_505 = tpu.vector_load %arg7[%get3A_503, %get3A_504] {strides = array<i32>} : memref<128x128xf32, #tpu.memory_space<vmem>>, vector<16xf32>,
        %mul3A_506 = arith.mulf %get3A_505, %bitcast3A_382 : vector<16xf32>
        %add3A_507 = arith.constant 1 : i32
        %add3A_508 = arith.addi %add3A_370, %add3A_507 : i32
        %swap3A_509 = arith.index_cast %add3A_508 : i32 to index
        %swap3A_510 = arith.constant 32 : index
        %swap3A_511 = tpu.vector_load %arg7[%swap3A_509, %swap3A_510] {strides = array<i32>} : memref<128x128xf32, #tpu.memory_space<vmem>>, vector<16xf32>,
        tpu.vector_store %arg7[%swap3A_509, %swap3A_510], %mul3A_506 {strides = array<i32>} : memref<128x128xf32, #tpu.memory_space<vmem>>, vector<16xf32>,
        %add3A_512 = arith.constant 1 : i32
        %add3A_513 = arith.addi %add3A_370, %add3A_512 : i32
        %get3A_514 = arith.index_cast %add3A_513 : i32 to index
        %get3A_515 = arith.constant 48 : index
        %get3A_516 = tpu.vector_load %arg7[%get3A_514, %get3A_515] {strides = array<i32>} : memref<128x128xf32, #tpu.memory_space<vmem>>, vector<16xf32>,
        %mul3A_517 = arith.mulf %get3A_516, %bitcast3A_382 : vector<16xf32>
        %add3A_518 = arith.constant 1 : i32
        %add3A_519 = arith.addi %add3A_370, %add3A_518 : i32
        %swap3A_520 = arith.index_cast %add3A_519 : i32 to index
        %swap3A_521 = arith.constant 48 : index
        %swap3A_522 = tpu.vector_load %arg7[%swap3A_520, %swap3A_521] {strides = array<i32>} : memref<128x128xf32, #tpu.memory_space<vmem>>, vector<16xf32>,
        tpu.vector_store %arg7[%swap3A_520, %swap3A_521], %mul3A_517 {strides = array<i32>} : memref<128x128xf32, #tpu.memory_space<vmem>>, vector<16xf32>,
        %add3A_523 = arith.constant 1 : i32
        %add3A_524 = arith.addi %add3A_370, %add3A_523 : i32
        %get3A_525 = arith.index_cast %add3A_524 : i32 to index
        %get3A_526 = arith.constant 64 : index
        %get3A_527 = tpu.vector_load %arg7[%get3A_525, %get3A_526] {strides = array<i32>} : memref<128x128xf32, #tpu.memory_space<vmem>>, vector<16xf32>,
        %mul3A_528 = arith.mulf %get3A_527, %bitcast3A_382 : vector<16xf32>
        %add3A_529 = arith.constant 1 : i32
        %add3A_530 = arith.addi %add3A_370, %add3A_529 : i32
        %swap3A_531 = arith.index_cast %add3A_530 : i32 to index
        %swap3A_532 = arith.constant 64 : index
        %swap3A_533 = tpu.vector_load %arg7[%swap3A_531, %swap3A_532] {strides = array<i32>} : memref<128x128xf32, #tpu.memory_space<vmem>>, vector<16xf32>,
        tpu.vector_store %arg7[%swap3A_531, %swap3A_532], %mul3A_528 {strides = array<i32>} : memref<128x128xf32, #tpu.memory_space<vmem>>, vector<16xf32>,
        %add3A_534 = arith.constant 1 : i32
        %add3A_535 = arith.addi %add3A_370, %add3A_534 : i32
        %get3A_536 = arith.index_cast %add3A_535 : i32 to index
        %get3A_537 = arith.constant 80 : index
        %get3A_538 = tpu.vector_load %arg7[%get3A_536, %get3A_537] {strides = array<i32>} : memref<128x128xf32, #tpu.memory_space<vmem>>, vector<16xf32>,
        %mul3A_539 = arith.mulf %get3A_538, %bitcast3A_382 : vector<16xf32>
        %add3A_540 = arith.constant 1 : i32
        %add3A_541 = arith.addi %add3A_370, %add3A_540 : i32
        %swap3A_542 = arith.index_cast %add3A_541 : i32 to index
        %swap3A_543 = arith.constant 80 : index
        %swap3A_544 = tpu.vector_load %arg7[%swap3A_542, %swap3A_543] {strides = array<i32>} : memref<128x128xf32, #tpu.memory_space<vmem>>, vector<16xf32>,
        tpu.vector_store %arg7[%swap3A_542, %swap3A_543], %mul3A_539 {strides = array<i32>} : memref<128x128xf32, #tpu.memory_space<vmem>>, vector<16xf32>,
        %add3A_545 = arith.constant 1 : i32
        %add3A_546 = arith.addi %add3A_370, %add3A_545 : i32
        %get3A_547 = arith.index_cast %add3A_546 : i32 to index
        %get3A_548 = arith.constant 96 : index
        %get3A_549 = tpu.vector_load %arg7[%get3A_547, %get3A_548] {strides = array<i32>} : memref<128x128xf32, #tpu.memory_space<vmem>>, vector<16xf32>,
        %mul3A_550 = arith.mulf %get3A_549, %bitcast3A_382 : vector<16xf32>
        %add3A_551 = arith.constant 1 : i32
        %add3A_552 = arith.addi %add3A_370, %add3A_551 : i32
        %swap3A_553 = arith.index_cast %add3A_552 : i32 to index
        %swap3A_554 = arith.constant 96 : index
        %swap3A_555 = tpu.vector_load %arg7[%swap3A_553, %swap3A_554] {strides = array<i32>} : memref<128x128xf32, #tpu.memory_space<vmem>>, vector<16xf32>,
        tpu.vector_store %arg7[%swap3A_553, %swap3A_554], %mul3A_550 {strides = array<i32>} : memref<128x128xf32, #tpu.memory_space<vmem>>, vector<16xf32>,
        %add3A_556 = arith.constant 1 : i32
        %add3A_557 = arith.addi %add3A_370, %add3A_556 : i32
        %get3A_558 = arith.index_cast %add3A_557 : i32 to index
        %get3A_559 = arith.constant 112 : index
        %get3A_560 = tpu.vector_load %arg7[%get3A_558, %get3A_559] {strides = array<i32>} : memref<128x128xf32, #tpu.memory_space<vmem>>, vector<16xf32>,
        %mul3A_561 = arith.mulf %get3A_560, %bitcast3A_382 : vector<16xf32>
        %add3A_562 = arith.constant 1 : i32
        %add3A_563 = arith.addi %add3A_370, %add3A_562 : i32
        %swap3A_564 = arith.index_cast %add3A_563 : i32 to index
        %swap3A_565 = arith.constant 112 : index
        %swap3A_566 = tpu.vector_load %arg7[%swap3A_564, %swap3A_565] {strides = array<i32>} : memref<128x128xf32, #tpu.memory_space<vmem>>, vector<16xf32>,
        tpu.vector_store %arg7[%swap3A_564, %swap3A_565], %mul3A_561 {strides = array<i32>} : memref<128x128xf32, #tpu.memory_space<vmem>>, vector<16xf32>,
        %add3A_567 = arith.constant 2 : i32
        %add3A_568 = arith.addi %add3A_370, %add3A_567 : i32
        %get3A_569 = arith.index_cast %add3A_568 : i32 to index
        %get3A_570 = arith.constant 0 : index
        %get3A_571 = tpu.vector_load %arg7[%get3A_569, %get3A_570] {strides = array<i32>} : memref<128x128xf32, #tpu.memory_space<vmem>>, vector<16xf32>,
        %mul3A_572 = arith.mulf %get3A_571, %bitcast3A_387 : vector<16xf32>
        %add3A_573 = arith.constant 2 : i32
        %add3A_574 = arith.addi %add3A_370, %add3A_573 : i32
        %swap3A_575 = arith.index_cast %add3A_574 : i32 to index
        %swap3A_576 = arith.constant 0 : index
        %swap3A_577 = tpu.vector_load %arg7[%swap3A_575, %swap3A_576] {strides = array<i32>} : memref<128x128xf32, #tpu.memory_space<vmem>>, vector<16xf32>,
        tpu.vector_store %arg7[%swap3A_575, %swap3A_576], %mul3A_572 {strides = array<i32>} : memref<128x128xf32, #tpu.memory_space<vmem>>, vector<16xf32>,
        %add3A_578 = arith.constant 2 : i32
        %add3A_579 = arith.addi %add3A_370, %add3A_578 : i32
        %get3A_580 = arith.index_cast %add3A_579 : i32 to index
        %get3A_581 = arith.constant 16 : index
        %get3A_582 = tpu.vector_load %arg7[%get3A_580, %get3A_581] {strides = array<i32>} : memref<128x128xf32, #tpu.memory_space<vmem>>, vector<16xf32>,
        %mul3A_583 = arith.mulf %get3A_582, %bitcast3A_387 : vector<16xf32>
        %add3A_584 = arith.constant 2 : i32
        %add3A_585 = arith.addi %add3A_370, %add3A_584 : i32
        %swap3A_586 = arith.index_cast %add3A_585 : i32 to index
        %swap3A_587 = arith.constant 16 : index
        %swap3A_588 = tpu.vector_load %arg7[%swap3A_586, %swap3A_587] {strides = array<i32>} : memref<128x128xf32, #tpu.memory_space<vmem>>, vector<16xf32>,
        tpu.vector_store %arg7[%swap3A_586, %swap3A_587], %mul3A_583 {strides = array<i32>} : memref<128x128xf32, #tpu.memory_space<vmem>>, vector<16xf32>,
        %add3A_589 = arith.constant 2 : i32
        %add3A_590 = arith.addi %add3A_370, %add3A_589 : i32
        %get3A_591 = arith.index_cast %add3A_590 : i32 to index
        %get3A_592 = arith.constant 32 : index
        %get3A_593 = tpu.vector_load %arg7[%get3A_591, %get3A_592] {strides = array<i32>} : memref<128x128xf32, #tpu.memory_space<vmem>>, vector<16xf32>,
        %mul3A_594 = arith.mulf %get3A_593, %bitcast3A_387 : vector<16xf32>
        %add3A_595 = arith.constant 2 : i32
        %add3A_596 = arith.addi %add3A_370, %add3A_595 : i32
        %swap3A_597 = arith.index_cast %add3A_596 : i32 to index
        %swap3A_598 = arith.constant 32 : index
        %swap3A_599 = tpu.vector_load %arg7[%swap3A_597, %swap3A_598] {strides = array<i32>} : memref<128x128xf32, #tpu.memory_space<vmem>>, vector<16xf32>,
        tpu.vector_store %arg7[%swap3A_597, %swap3A_598], %mul3A_594 {strides = array<i32>} : memref<128x128xf32, #tpu.memory_space<vmem>>, vector<16xf32>,
        %add3A_600 = arith.constant 2 : i32
        %add3A_601 = arith.addi %add3A_370, %add3A_600 : i32
        %get3A_602 = arith.index_cast %add3A_601 : i32 to index
        %get3A_603 = arith.constant 48 : index
        %get3A_604 = tpu.vector_load %arg7[%get3A_602, %get3A_603] {strides = array<i32>} : memref<128x128xf32, #tpu.memory_space<vmem>>, vector<16xf32>,
        %mul3A_605 = arith.mulf %get3A_604, %bitcast3A_387 : vector<16xf32>
        %add3A_606 = arith.constant 2 : i32
        %add3A_607 = arith.addi %add3A_370, %add3A_606 : i32
        %swap3A_608 = arith.index_cast %add3A_607 : i32 to index
        %swap3A_609 = arith.constant 48 : index
        %swap3A_610 = tpu.vector_load %arg7[%swap3A_608, %swap3A_609] {strides = array<i32>} : memref<128x128xf32, #tpu.memory_space<vmem>>, vector<16xf32>,
        tpu.vector_store %arg7[%swap3A_608, %swap3A_609], %mul3A_605 {strides = array<i32>} : memref<128x128xf32, #tpu.memory_space<vmem>>, vector<16xf32>,
        %add3A_611 = arith.constant 2 : i32
        %add3A_612 = arith.addi %add3A_370, %add3A_611 : i32
        %get3A_613 = arith.index_cast %add3A_612 : i32 to index
        %get3A_614 = arith.constant 64 : index
        %get3A_615 = tpu.vector_load %arg7[%get3A_613, %get3A_614] {strides = array<i32>} : memref<128x128xf32, #tpu.memory_space<vmem>>, vector<16xf32>,
        %mul3A_616 = arith.mulf %get3A_615, %bitcast3A_387 : vector<16xf32>
        %add3A_617 = arith.constant 2 : i32
        %add3A_618 = arith.addi %add3A_370, %add3A_617 : i32
        %swap3A_619 = arith.index_cast %add3A_618 : i32 to index
        %swap3A_620 = arith.constant 64 : index
        %swap3A_621 = tpu.vector_load %arg7[%swap3A_619, %swap3A_620] {strides = array<i32>} : memref<128x128xf32, #tpu.memory_space<vmem>>, vector<16xf32>,
        tpu.vector_store %arg7[%swap3A_619, %swap3A_620], %mul3A_616 {strides = array<i32>} : memref<128x128xf32, #tpu.memory_space<vmem>>, vector<16xf32>,
        %add3A_622 = arith.constant 2 : i32
        %add3A_623 = arith.addi %add3A_370, %add3A_622 : i32
        %get3A_624 = arith.index_cast %add3A_623 : i32 to index
        %get3A_625 = arith.constant 80 : index
        %get3A_626 = tpu.vector_load %arg7[%get3A_624, %get3A_625] {strides = array<i32>} : memref<128x128xf32, #tpu.memory_space<vmem>>, vector<16xf32>,
        %mul3A_627 = arith.mulf %get3A_626, %bitcast3A_387 : vector<16xf32>
        %add3A_628 = arith.constant 2 : i32
        %add3A_629 = arith.addi %add3A_370, %add3A_628 : i32
        %swap3A_630 = arith.index_cast %add3A_629 : i32 to index
        %swap3A_631 = arith.constant 80 : index
        %swap3A_632 = tpu.vector_load %arg7[%swap3A_630, %swap3A_631] {strides = array<i32>} : memref<128x128xf32, #tpu.memory_space<vmem>>, vector<16xf32>,
        tpu.vector_store %arg7[%swap3A_630, %swap3A_631], %mul3A_627 {strides = array<i32>} : memref<128x128xf32, #tpu.memory_space<vmem>>, vector<16xf32>,
        %add3A_633 = arith.constant 2 : i32
        %add3A_634 = arith.addi %add3A_370, %add3A_633 : i32
        %get3A_635 = arith.index_cast %add3A_634 : i32 to index
        %get3A_636 = arith.constant 96 : index
        %get3A_637 = tpu.vector_load %arg7[%get3A_635, %get3A_636] {strides = array<i32>} : memref<128x128xf32, #tpu.memory_space<vmem>>, vector<16xf32>,
        %mul3A_638 = arith.mulf %get3A_637, %bitcast3A_387 : vector<16xf32>
        %add3A_639 = arith.constant 2 : i32
        %add3A_640 = arith.addi %add3A_370, %add3A_639 : i32
        %swap3A_641 = arith.index_cast %add3A_640 : i32 to index
        %swap3A_642 = arith.constant 96 : index
        %swap3A_643 = tpu.vector_load %arg7[%swap3A_641, %swap3A_642] {strides = array<i32>} : memref<128x128xf32, #tpu.memory_space<vmem>>, vector<16xf32>,
        tpu.vector_store %arg7[%swap3A_641, %swap3A_642], %mul3A_638 {strides = array<i32>} : memref<128x128xf32, #tpu.memory_space<vmem>>, vector<16xf32>,
        %add3A_644 = arith.constant 2 : i32
        %add3A_645 = arith.addi %add3A_370, %add3A_644 : i32
        %get3A_646 = arith.index_cast %add3A_645 : i32 to index
        %get3A_647 = arith.constant 112 : index
        %get3A_648 = tpu.vector_load %arg7[%get3A_646, %get3A_647] {strides = array<i32>} : memref<128x128xf32, #tpu.memory_space<vmem>>, vector<16xf32>,
        %mul3A_649 = arith.mulf %get3A_648, %bitcast3A_387 : vector<16xf32>
        %add3A_650 = arith.constant 2 : i32
        %add3A_651 = arith.addi %add3A_370, %add3A_650 : i32
        %swap3A_652 = arith.index_cast %add3A_651 : i32 to index
        %swap3A_653 = arith.constant 112 : index
        %swap3A_654 = tpu.vector_load %arg7[%swap3A_652, %swap3A_653] {strides = array<i32>} : memref<128x128xf32, #tpu.memory_space<vmem>>, vector<16xf32>,
        tpu.vector_store %arg7[%swap3A_652, %swap3A_653], %mul3A_649 {strides = array<i32>} : memref<128x128xf32, #tpu.memory_space<vmem>>, vector<16xf32>,
        %add3A_655 = arith.constant 3 : i32
        %add3A_656 = arith.addi %add3A_370, %add3A_655 : i32
        %get3A_657 = arith.index_cast %add3A_656 : i32 to index
        %get3A_658 = arith.constant 0 : index
        %get3A_659 = tpu.vector_load %arg7[%get3A_657, %get3A_658] {strides = array<i32>} : memref<128x128xf32, #tpu.memory_space<vmem>>, vector<16xf32>,
        %mul3A_660 = arith.mulf %get3A_659, %bitcast3A_392 : vector<16xf32>
        %add3A_661 = arith.constant 3 : i32
        %add3A_662 = arith.addi %add3A_370, %add3A_661 : i32
        %swap3A_663 = arith.index_cast %add3A_662 : i32 to index
        %swap3A_664 = arith.constant 0 : index
        %swap3A_665 = tpu.vector_load %arg7[%swap3A_663, %swap3A_664] {strides = array<i32>} : memref<128x128xf32, #tpu.memory_space<vmem>>, vector<16xf32>,
        tpu.vector_store %arg7[%swap3A_663, %swap3A_664], %mul3A_660 {strides = array<i32>} : memref<128x128xf32, #tpu.memory_space<vmem>>, vector<16xf32>,
        %add3A_666 = arith.constant 3 : i32
        %add3A_667 = arith.addi %add3A_370, %add3A_666 : i32
        %get3A_668 = arith.index_cast %add3A_667 : i32 to index
        %get3A_669 = arith.constant 16 : index
        %get3A_670 = tpu.vector_load %arg7[%get3A_668, %get3A_669] {strides = array<i32>} : memref<128x128xf32, #tpu.memory_space<vmem>>, vector<16xf32>,
        %mul3A_671 = arith.mulf %get3A_670, %bitcast3A_392 : vector<16xf32>
        %add3A_672 = arith.constant 3 : i32
        %add3A_673 = arith.addi %add3A_370, %add3A_672 : i32
        %swap3A_674 = arith.index_cast %add3A_673 : i32 to index
        %swap3A_675 = arith.constant 16 : index
        %swap3A_676 = tpu.vector_load %arg7[%swap3A_674, %swap3A_675] {strides = array<i32>} : memref<128x128xf32, #tpu.memory_space<vmem>>, vector<16xf32>,
        tpu.vector_store %arg7[%swap3A_674, %swap3A_675], %mul3A_671 {strides = array<i32>} : memref<128x128xf32, #tpu.memory_space<vmem>>, vector<16xf32>,
        %add3A_677 = arith.constant 3 : i32
        %add3A_678 = arith.addi %add3A_370, %add3A_677 : i32
        %get3A_679 = arith.index_cast %add3A_678 : i32 to index
        %get3A_680 = arith.constant 32 : index
        %get3A_681 = tpu.vector_load %arg7[%get3A_679, %get3A_680] {strides = array<i32>} : memref<128x128xf32, #tpu.memory_space<vmem>>, vector<16xf32>,
        %mul3A_682 = arith.mulf %get3A_681, %bitcast3A_392 : vector<16xf32>
        %add3A_683 = arith.constant 3 : i32
        %add3A_684 = arith.addi %add3A_370, %add3A_683 : i32
        %swap3A_685 = arith.index_cast %add3A_684 : i32 to index
        %swap3A_686 = arith.constant 32 : index
        %swap3A_687 = tpu.vector_load %arg7[%swap3A_685, %swap3A_686] {strides = array<i32>} : memref<128x128xf32, #tpu.memory_space<vmem>>, vector<16xf32>,
        tpu.vector_store %arg7[%swap3A_685, %swap3A_686], %mul3A_682 {strides = array<i32>} : memref<128x128xf32, #tpu.memory_space<vmem>>, vector<16xf32>,
        %add3A_688 = arith.constant 3 : i32
        %add3A_689 = arith.addi %add3A_370, %add3A_688 : i32
        %get3A_690 = arith.index_cast %add3A_689 : i32 to index
        %get3A_691 = arith.constant 48 : index
        %get3A_692 = tpu.vector_load %arg7[%get3A_690, %get3A_691] {strides = array<i32>} : memref<128x128xf32, #tpu.memory_space<vmem>>, vector<16xf32>,
        %mul3A_693 = arith.mulf %get3A_692, %bitcast3A_392 : vector<16xf32>
        %add3A_694 = arith.constant 3 : i32
        %add3A_695 = arith.addi %add3A_370, %add3A_694 : i32
        %swap3A_696 = arith.index_cast %add3A_695 : i32 to index
        %swap3A_697 = arith.constant 48 : index
        %swap3A_698 = tpu.vector_load %arg7[%swap3A_696, %swap3A_697] {strides = array<i32>} : memref<128x128xf32, #tpu.memory_space<vmem>>, vector<16xf32>,
        tpu.vector_store %arg7[%swap3A_696, %swap3A_697], %mul3A_693 {strides = array<i32>} : memref<128x128xf32, #tpu.memory_space<vmem>>, vector<16xf32>,
        %add3A_699 = arith.constant 3 : i32
        %add3A_700 = arith.addi %add3A_370, %add3A_699 : i32
        %get3A_701 = arith.index_cast %add3A_700 : i32 to index
        %get3A_702 = arith.constant 64 : index
        %get3A_703 = tpu.vector_load %arg7[%get3A_701, %get3A_702] {strides = array<i32>} : memref<128x128xf32, #tpu.memory_space<vmem>>, vector<16xf32>,
        %mul3A_704 = arith.mulf %get3A_703, %bitcast3A_392 : vector<16xf32>
        %add3A_705 = arith.constant 3 : i32
        %add3A_706 = arith.addi %add3A_370, %add3A_705 : i32
        %swap3A_707 = arith.index_cast %add3A_706 : i32 to index
        %swap3A_708 = arith.constant 64 : index
        %swap3A_709 = tpu.vector_load %arg7[%swap3A_707, %swap3A_708] {strides = array<i32>} : memref<128x128xf32, #tpu.memory_space<vmem>>, vector<16xf32>,
        tpu.vector_store %arg7[%swap3A_707, %swap3A_708], %mul3A_704 {strides = array<i32>} : memref<128x128xf32, #tpu.memory_space<vmem>>, vector<16xf32>,
        %add3A_710 = arith.constant 3 : i32
        %add3A_711 = arith.addi %add3A_370, %add3A_710 : i32
        %get3A_712 = arith.index_cast %add3A_711 : i32 to index
        %get3A_713 = arith.constant 80 : index
        %get3A_714 = tpu.vector_load %arg7[%get3A_712, %get3A_713] {strides = array<i32>} : memref<128x128xf32, #tpu.memory_space<vmem>>, vector<16xf32>,
        %mul3A_715 = arith.mulf %get3A_714, %bitcast3A_392 : vector<16xf32>
        %add3A_716 = arith.constant 3 : i32
        %add3A_717 = arith.addi %add3A_370, %add3A_716 : i32
        %swap3A_718 = arith.index_cast %add3A_717 : i32 to index
        %swap3A_719 = arith.constant 80 : index
        %swap3A_720 = tpu.vector_load %arg7[%swap3A_718, %swap3A_719] {strides = array<i32>} : memref<128x128xf32, #tpu.memory_space<vmem>>, vector<16xf32>,
        tpu.vector_store %arg7[%swap3A_718, %swap3A_719], %mul3A_715 {strides = array<i32>} : memref<128x128xf32, #tpu.memory_space<vmem>>, vector<16xf32>,
        %add3A_721 = arith.constant 3 : i32
        %add3A_722 = arith.addi %add3A_370, %add3A_721 : i32
        %get3A_723 = arith.index_cast %add3A_722 : i32 to index
        %get3A_724 = arith.constant 96 : index
        %get3A_725 = tpu.vector_load %arg7[%get3A_723, %get3A_724] {strides = array<i32>} : memref<128x128xf32, #tpu.memory_space<vmem>>, vector<16xf32>,
        %mul3A_726 = arith.mulf %get3A_725, %bitcast3A_392 : vector<16xf32>
        %add3A_727 = arith.constant 3 : i32
        %add3A_728 = arith.addi %add3A_370, %add3A_727 : i32
        %swap3A_729 = arith.index_cast %add3A_728 : i32 to index
        %swap3A_730 = arith.constant 96 : index
        %swap3A_731 = tpu.vector_load %arg7[%swap3A_729, %swap3A_730] {strides = array<i32>} : memref<128x128xf32, #tpu.memory_space<vmem>>, vector<16xf32>,
        tpu.vector_store %arg7[%swap3A_729, %swap3A_730], %mul3A_726 {strides = array<i32>} : memref<128x128xf32, #tpu.memory_space<vmem>>, vector<16xf32>,
        %add3A_732 = arith.constant 3 : i32
        %add3A_733 = arith.addi %add3A_370, %add3A_732 : i32
        %get3A_734 = arith.index_cast %add3A_733 : i32 to index
        %get3A_735 = arith.constant 112 : index
        %get3A_736 = tpu.vector_load %arg7[%get3A_734, %get3A_735] {strides = array<i32>} : memref<128x128xf32, #tpu.memory_space<vmem>>, vector<16xf32>,
        %mul3A_737 = arith.mulf %get3A_736, %bitcast3A_392 : vector<16xf32>
        %add3A_738 = arith.constant 3 : i32
        %add3A_739 = arith.addi %add3A_370, %add3A_738 : i32
        %swap3A_740 = arith.index_cast %add3A_739 : i32 to index
        %swap3A_741 = arith.constant 112 : index
        %swap3A_742 = tpu.vector_load %arg7[%swap3A_740, %swap3A_741] {strides = array<i32>} : memref<128x128xf32, #tpu.memory_space<vmem>>, vector<16xf32>,
        tpu.vector_store %arg7[%swap3A_740, %swap3A_741], %mul3A_737 {strides = array<i32>} : memref<128x128xf32, #tpu.memory_space<vmem>>, vector<16xf32>,
      }
      %scan3A_350 = arith.constant 32 : i32
      %dma_start3A_351 = arith.constant 10 : i32
      %dma_start3A_352 = arith.constant 0 : i32
      %dma_start3A_353 = arith.constant 0 : i32
      %dma_start3A_354 = tpu.memref_slice %arg5[%dma_start3A_351, %dma_start3A_352, %dma_start3A_353] : memref<12x1x128xi32, #tpu.memory_space<vmem>> -> memref<1x1x128xi32, #tpu.memory_space<vmem>>
      %dma_start3A_355 = tpu.memref_squeeze %dma_start3A_354 : memref<1x1x128xi32, #tpu.memory_space<vmem>> -> memref<128xi32, #tpu.memory_space<vmem>>
      %dma_start3A_356 = arith.constant 0 : i32
      %dma_start3A_357 = arith.constant 0 : i32
      %dma_start3A_358 = tpu.memref_slice %arg8[%dma_start3A_356, %dma_start3A_357] : memref<10000x128xf32, #tpu.memory_space<vmem_shared>> -> memref<10000x128xf32, #tpu.memory_space<vmem_shared>>
      tpu.enqueue_indirect_dma source(%arg7 : memref<128x128xf32, #tpu.memory_space<vmem>>) target(%dma_start3A_358 : memref<10000x128xf32, #tpu.memory_space<vmem_shared>>) offsets(%dma_start3A_355 : memref<128xi32, #tpu.memory_space<vmem>>) semaphore(%arg16 : memref<!tpu.dma_semaphore, #tpu.memory_space<semaphore_mem>>) {add = true}
      %add3A_359 = arith.constant 3 : i32
      %add3A_360 = arith.addi %add3A_318, %add3A_359 : i32
      %lt3A_361 = arith.constant 80 : i32
      %lt3A_362 = arith.cmpi slt, %add3A_360, %lt3A_361 : i32
      %convert_element_type3A_363 = arith.extui %lt3A_362 : i1 to i32
      %cond3A_364 = arith.constant 0 : i32
      %cond3A_365 = arith.cmpi ne, %convert_element_type3A_363, %cond3A_364 : i32
      scf.if %cond3A_365 {
        %add3A_366 = arith.constant 3 : i32
        %add3A_367 = arith.addi %add3A_318, %add3A_366 : i32
        %add3A_368 = arith.addi %mul3A_2, %add3A_367 : i32
        %mul3A_369 = arith.constant 3 : i32
        %mul3A_370 = arith.muli %add3A_368, %mul3A_369 : i32
        %dma_start3A_371 = arith.constant 6 : i32
        %dma_start3A_372 = arith.constant 0 : i32
        %dma_start3A_373 = arith.constant 0 : i32
        %dma_start3A_374 = tpu.memref_slice %arg5[%dma_start3A_371, %dma_start3A_372, %dma_start3A_373] : memref<12x1x128xi32, #tpu.memory_space<vmem>> -> memref<3x1x128xi32, #tpu.memory_space<vmem>>
        %dma_start3A_375 = arith.constant 0 : i32
        %dma_start3A_376 = arith.constant 0 : i32
        %dma_start3A_377 = tpu.memref_slice %arg3[%mul3A_370, %dma_start3A_375, %dma_start3A_376] : memref<7680x1x128xi32, #tpu.memory_space<hbm>> -> memref<3x1x128xi32, #tpu.memory_space<hbm>>
        %dma_start3A_378 = arith.constant 6 : i32
        %dma_start3A_379 = arith.constant 0 : i32
        %dma_start3A_380 = arith.constant 0 : i32
        %dma_start3A_381 = tpu.memref_slice %arg5[%dma_start3A_378, %dma_start3A_379, %dma_start3A_380] : memref<12x1x128xi32, #tpu.memory_space<vmem>> -> memref<3x1x128xi32, #tpu.memory_space<vmem>>
        %dma_start3A_382 = arith.constant 0 : i32
        %dma_start3A_383 = arith.constant 0 : i32
        %dma_start3A_384 = tpu.memref_slice %arg3[%mul3A_370, %dma_start3A_382, %dma_start3A_383] : memref<7680x1x128xi32, #tpu.memory_space<hbm>> -> memref<3x1x128xi32, #tpu.memory_space<hbm>>
        tpu.enqueue_dma source(%dma_start3A_384 : memref<3x1x128xi32, #tpu.memory_space<hbm>>) target(%dma_start3A_381 : memref<3x1x128xi32, #tpu.memory_space<vmem>>) target_semaphore(%arg11 : memref<!tpu.dma_semaphore, #tpu.memory_space<semaphore_mem>>)
      } else {
      }
    }
    %scan3A_123 = arith.constant 20 : i32
    %dma_wait3A_124 = arith.constant 10 : i32
    %dma_wait3A_125 = arith.constant 0 : i32
    %dma_wait3A_126 = arith.constant 0 : i32
    %dma_wait3A_127 = tpu.memref_slice %arg5[%dma_wait3A_124, %dma_wait3A_125, %dma_wait3A_126] : memref<12x1x128xi32, #tpu.memory_space<vmem>> -> memref<1x1x128xi32, #tpu.memory_space<vmem>>
    %dma_wait3A_128 = tpu.memref_squeeze %dma_wait3A_127 : memref<1x1x128xi32, #tpu.memory_space<vmem>> -> memref<128xi32, #tpu.memory_space<vmem>>
    %dma_wait3A_129 = arith.constant 0 : i32
    %dma_wait3A_130 = arith.constant 0 : i32
    %dma_wait3A_131 = tpu.memref_slice %arg8[%dma_wait3A_129, %dma_wait3A_130] : memref<10000x128xf32, #tpu.memory_space<vmem_shared>> -> memref<10000x128xf32, #tpu.memory_space<vmem_shared>>
    tpu.wait_indirect_dma semaphore(%arg16 : memref<!tpu.dma_semaphore, #tpu.memory_space<semaphore_mem>>) src(%arg7 : memref<128x128xf32, #tpu.memory_space<vmem>>) dst(%dma_wait3A_131 : memref<10000x128xf32, #tpu.memory_space<vmem_shared>>)
    %barrier3A_132 = arith.constant 0 : index
    tpu.barrier barrier_id(%barrier3A_132)
    %sub3A_133 = arith.constant 125 : i32
    %sub3A_134 = arith.subi %sub3A_133, %arg1 : i32
    %sub3A_135 = arith.constant 16 : i32
    %sub3A_136 = arith.constant 1 : i32
    %sub3A_137 = arith.subi %sub3A_135, %sub3A_136 : i32
    %add3A_138 = arith.addi %sub3A_134, %sub3A_137 : i32
    %div3A_139 = arith.constant 16 : i32
    %div3A_140 = arith.divsi %add3A_138, %div3A_139 : i32
    %while3A_141 = arith.constant 16 : i32
    %while3A_142 = arith.constant 0 : i32
    %while3A_143 = arith.subi %div3A_140, %while3A_142 : i32
    %while3A_144 = arith.addi %while3A_142, %while3A_143 : i32
    %while3A_145 = arith.constant 1 : i32
    %while3A_146 = arith.divsi %while3A_143, %while3A_145 : i32
    %while3A_147 = arith.muli %while3A_146, %while3A_145 : i32
    %while3A_148 = arith.addi %while3A_142, %while3A_147 : i32
    %while3A_149 = arith.constant 1 : i32
    scf.for %while3A_169 = %while3A_142 to %while3A_148 step %while3A_149  : i32 {
      %mul3A_170 = arith.muli %while3A_169, %while3A_141 : i32
      %add3A_171 = arith.addi %arg1, %mul3A_170 : i32
      %mul3A_172 = arith.constant 80 : i32
      %mul3A_173 = arith.muli %add3A_171, %mul3A_172 : i32
      %mul3A_174 = arith.constant 80 : i32
      %mul3A_175 = arith.muli %add3A_171, %mul3A_174 : i32
      %dma_start3A_176 = arith.constant 0 : i32
      %dma_start3A_177 = arith.constant 0 : i32
      %dma_start3A_178 = tpu.memref_slice %arg4[%arg0, %dma_start3A_176, %dma_start3A_177] : memref<2x10000x128xf32, #tpu.memory_space<hbm>> -> memref<1x10000x128xf32, #tpu.memory_space<hbm>>
      %dma_start3A_179 = tpu.memref_squeeze %dma_start3A_178 : memref<1x10000x128xf32, #tpu.memory_space<hbm>> -> memref<10000x128xf32, #tpu.memory_space<hbm>>
      %dma_start3A_180 = arith.constant 0 : i32
      %dma_start3A_181 = tpu.memref_slice %dma_start3A_179[%mul3A_175, %dma_start3A_180] : memref<10000x128xf32, #tpu.memory_space<hbm>> -> memref<80x128xf32, #tpu.memory_space<hbm>>
      %dma_start3A_182 = arith.constant 0 : i32
      %dma_start3A_183 = tpu.memref_slice %arg8[%mul3A_173, %dma_start3A_182] : memref<10000x128xf32, #tpu.memory_space<vmem_shared>> -> memref<80x128xf32, #tpu.memory_space<vmem_shared>>
      tpu.enqueue_dma source(%dma_start3A_183 : memref<80x128xf32, #tpu.memory_space<vmem_shared>>) target(%dma_start3A_181 : memref<80x128xf32, #tpu.memory_space<hbm>>) target_semaphore(%arg17 : memref<!tpu.dma_semaphore, #tpu.memory_space<semaphore_mem>>)
    }
    %while3A_150 = arith.constant 1 : i32
    scf.for %while3A_169 = %while3A_148 to %while3A_144 step %while3A_150  : i32 {
      %mul3A_170 = arith.muli %while3A_169, %while3A_141 : i32
      %add3A_171 = arith.addi %arg1, %mul3A_170 : i32
      %mul3A_172 = arith.constant 80 : i32
      %mul3A_173 = arith.muli %add3A_171, %mul3A_172 : i32
      %mul3A_174 = arith.constant 80 : i32
      %mul3A_175 = arith.muli %add3A_171, %mul3A_174 : i32
      %dma_start3A_176 = arith.constant 0 : i32
      %dma_start3A_177 = arith.constant 0 : i32
      %dma_start3A_178 = tpu.memref_slice %arg4[%arg0, %dma_start3A_176, %dma_start3A_177] : memref<2x10000x128xf32, #tpu.memory_space<hbm>> -> memref<1x10000x128xf32, #tpu.memory_space<hbm>>
      %dma_start3A_179 = tpu.memref_squeeze %dma_start3A_178 : memref<1x10000x128xf32, #tpu.memory_space<hbm>> -> memref<10000x128xf32, #tpu.memory_space<hbm>>
      %dma_start3A_180 = arith.constant 0 : i32
      %dma_start3A_181 = tpu.memref_slice %dma_start3A_179[%mul3A_175, %dma_start3A_180] : memref<10000x128xf32, #tpu.memory_space<hbm>> -> memref<80x128xf32, #tpu.memory_space<hbm>>
      %dma_start3A_182 = arith.constant 0 : i32
      %dma_start3A_183 = tpu.memref_slice %arg8[%mul3A_173, %dma_start3A_182] : memref<10000x128xf32, #tpu.memory_space<vmem_shared>> -> memref<80x128xf32, #tpu.memory_space<vmem_shared>>
      tpu.enqueue_dma source(%dma_start3A_183 : memref<80x128xf32, #tpu.memory_space<vmem_shared>>) target(%dma_start3A_181 : memref<80x128xf32, #tpu.memory_space<hbm>>) target_semaphore(%arg17 : memref<!tpu.dma_semaphore, #tpu.memory_space<semaphore_mem>>)
    }
    %sub3A_151 = arith.constant 125 : i32
    %sub3A_152 = arith.subi %sub3A_151, %arg1 : i32
    %sub3A_153 = arith.constant 16 : i32
    %sub3A_154 = arith.constant 1 : i32
    %sub3A_155 = arith.subi %sub3A_153, %sub3A_154 : i32
    %add3A_156 = arith.addi %sub3A_152, %sub3A_155 : i32
    %div3A_157 = arith.constant 16 : i32
    %div3A_158 = arith.divsi %add3A_156, %div3A_157 : i32
    %while3A_159 = arith.constant 16 : i32
    %while3A_160 = arith.constant 0 : i32
    %while3A_161 = arith.subi %div3A_158, %while3A_160 : i32
    %while3A_162 = arith.addi %while3A_160, %while3A_161 : i32
    %while3A_163 = arith.constant 1 : i32
    %while3A_164 = arith.divsi %while3A_161, %while3A_163 : i32
    %while3A_165 = arith.muli %while3A_164, %while3A_163 : i32
    %while3A_166 = arith.addi %while3A_160, %while3A_165 : i32
    %while3A_167 = arith.constant 1 : i32
    scf.for %while3A_169 = %while3A_160 to %while3A_166 step %while3A_167  : i32 {
      %mul3A_170 = arith.muli %while3A_169, %while3A_159 : i32
      %add3A_171 = arith.addi %arg1, %mul3A_170 : i32
      %mul3A_172 = arith.constant 80 : i32
      %mul3A_173 = arith.muli %add3A_171, %mul3A_172 : i32
      %mul3A_174 = arith.constant 80 : i32
      %mul3A_175 = arith.muli %add3A_171, %mul3A_174 : i32
      %dma_wait3A_176 = arith.constant 0 : i32
      %dma_wait3A_177 = arith.constant 0 : i32
      %dma_wait3A_178 = tpu.memref_slice %arg4[%arg0, %dma_wait3A_176, %dma_wait3A_177] : memref<2x10000x128xf32, #tpu.memory_space<hbm>> -> memref<1x10000x128xf32, #tpu.memory_space<hbm>>
      %dma_wait3A_179 = tpu.memref_squeeze %dma_wait3A_178 : memref<1x10000x128xf32, #tpu.memory_space<hbm>> -> memref<10000x128xf32, #tpu.memory_space<hbm>>
      %dma_wait3A_180 = arith.constant 0 : i32
      %dma_wait3A_181 = tpu.memref_slice %dma_wait3A_179[%mul3A_175, %dma_wait3A_180] : memref<10000x128xf32, #tpu.memory_space<hbm>> -> memref<80x128xf32, #tpu.memory_space<hbm>>
      %dma_wait3A_182 = arith.constant 0 : i32
      %dma_wait3A_183 = tpu.memref_slice %arg8[%mul3A_173, %dma_wait3A_182] : memref<10000x128xf32, #tpu.memory_space<vmem_shared>> -> memref<80x128xf32, #tpu.memory_space<vmem_shared>>
      tpu.wait_dma2 semaphore(%arg17 : memref<!tpu.dma_semaphore, #tpu.memory_space<semaphore_mem>>) src(%dma_wait3A_183 : memref<80x128xf32, #tpu.memory_space<vmem_shared>>) dst(%dma_wait3A_181 : memref<80x128xf32, #tpu.memory_space<hbm>>)
    }
    %while3A_168 = arith.constant 1 : i32
    scf.for %while3A_169 = %while3A_166 to %while3A_162 step %while3A_168  : i32 {
      %mul3A_170 = arith.muli %while3A_169, %while3A_159 : i32
      %add3A_171 = arith.addi %arg1, %mul3A_170 : i32
      %mul3A_172 = arith.constant 80 : i32
      %mul3A_173 = arith.muli %add3A_171, %mul3A_172 : i32
      %mul3A_174 = arith.constant 80 : i32
      %mul3A_175 = arith.muli %add3A_171, %mul3A_174 : i32
      %dma_wait3A_176 = arith.constant 0 : i32
      %dma_wait3A_177 = arith.constant 0 : i32
      %dma_wait3A_178 = tpu.memref_slice %arg4[%arg0, %dma_wait3A_176, %dma_wait3A_177] : memref<2x10000x128xf32, #tpu.memory_space<hbm>> -> memref<1x10000x128xf32, #tpu.memory_space<hbm>>
      %dma_wait3A_179 = tpu.memref_squeeze %dma_wait3A_178 : memref<1x10000x128xf32, #tpu.memory_space<hbm>> -> memref<10000x128xf32, #tpu.memory_space<hbm>>
      %dma_wait3A_180 = arith.constant 0 : i32
      %dma_wait3A_181 = tpu.memref_slice %dma_wait3A_179[%mul3A_175, %dma_wait3A_180] : memref<10000x128xf32, #tpu.memory_space<hbm>> -> memref<80x128xf32, #tpu.memory_space<hbm>>
      %dma_wait3A_182 = arith.constant 0 : i32
      %dma_wait3A_183 = tpu.memref_slice %arg8[%mul3A_173, %dma_wait3A_182] : memref<10000x128xf32, #tpu.memory_space<vmem_shared>> -> memref<80x128xf32, #tpu.memory_space<vmem_shared>>
      tpu.wait_dma2 semaphore(%arg17 : memref<!tpu.dma_semaphore, #tpu.memory_space<semaphore_mem>>) src(%dma_wait3A_183 : memref<80x128xf32, #tpu.memory_space<vmem_shared>>) dst(%dma_wait3A_181 : memref<80x128xf32, #tpu.memory_space<hbm>>)
    }
    return
  }
}

module attributes {stable_mosaic.version = 14 : i64} {
  func.func @body(%arg0: i32, %arg1: memref<2x2000x128xf32, #tpu.memory_space<vmem>>, %arg2: memref<128x128xf32, #tpu.memory_space<vmem>>, %arg3: memref<2000x128xf32, #tpu.memory_space<vmem>>) attributes {dimension_semantics = [#tpu.dimension_semantics<arbitrary>], iteration_bounds = array<i64: 5>, scalar_prefetch = 0 : i64, scratch_operands = 0 : i64, tpu.core_type = #tpu.core_type<tc>, window_params = [{transform_indices = @transform_0, window_bounds = array<i64: 2, 2000, 128>}, {pipeline_mode = #tpu.pipeline_mode<synchronous>, transform_indices = @transform_1, window_bounds = array<i64: 128, 128>}, {transform_indices = @transform_2, window_bounds = array<i64: 2000, 128>}]} {
    %get3A = arith.constant 0 : index
    %get3A_0 = arith.constant 0 : index
    %get3A_1 = arith.constant 0 : index
    %get3A_2 = vector.load %arg1[%get3A, %get3A_0, %get3A_1] : memref<2x2000x128xf32, #tpu.memory_space<vmem>>, vector<1x2000x128xf32>
    %get3A_3 = vector.shape_cast %get3A_2 : vector<1x2000x128xf32> to vector<2000x128xf32>
    %get3A_4 = arith.constant 1 : index
    %get3A_5 = arith.constant 0 : index
    %get3A_6 = arith.constant 0 : index
    %get3A_7 = vector.load %arg1[%get3A_4, %get3A_5, %get3A_6] : memref<2x2000x128xf32, #tpu.memory_space<vmem>>, vector<1x2000x128xf32>
    %get3A_8 = vector.shape_cast %get3A_7 : vector<1x2000x128xf32> to vector<2000x128xf32>
    %add3A = arith.addf %get3A_3, %get3A_8 : vector<2000x128xf32>
    %get3A_9 = arith.constant 0 : index
    %get3A_10 = arith.constant 0 : index
    %get3A_11 = vector.load %arg2[%get3A_9, %get3A_10] : memref<128x128xf32, #tpu.memory_space<vmem>>, vector<128x128xf32>
    %dot_general3A = arith.constant dense<0.000000e+00> : vector<2000x128xf32>
    %dot_general3A_12 = tpu.matmul %add3A, %get3A_11, %dot_general3A {dimension_numbers = #tpu.dot_dimension_numbers<[1], [0], [0], [1], [0, 0, 1, 1], [], []>, transpose_lhs_hint = false} : vector<2000x128xf32>, vector<128x128xf32>, vector<2000x128xf32> -> vector<2000x128xf32>
    %max3A = arith.constant 0.000000e+00 : f32
    %max3A_13 = vector.broadcast %max3A : f32 to vector<2000x128xf32>
    %max3A_14 = arith.maximumf %dot_general3A_12, %max3A_13 : vector<2000x128xf32>
    %swap3A = arith.constant 0 : index
    %swap3A_15 = arith.constant 0 : index
    %swap3A_16 = vector.load %arg3[%swap3A, %swap3A_15] : memref<2000x128xf32, #tpu.memory_space<vmem>>, vector<2000x128xf32>
    tpu.vector_store %arg3[%swap3A, %swap3A_15], %max3A_14 {strides = array<i32>} : memref<2000x128xf32, #tpu.memory_space<vmem>>, vector<2000x128xf32>,
    return
  }
  func.func @transform_0(%arg0: i32) -> (i32, i32, i32) {
    %c0_i32 = arith.constant 0 : i32
    %c0_i32_0 = arith.constant 0 : i32
    %c0_i32_1 = arith.constant 0 : i32
    return %c0_i32, %arg0, %c0_i32_0 : i32, i32, i32
  }
  func.func @transform_1(%arg0: i32) -> (i32, i32) {
    %c0_i32 = arith.constant 0 : i32
    %c0_i32_0 = arith.constant 0 : i32
    %c0_i32_1 = arith.constant 0 : i32
    return %c0_i32, %c0_i32_0 : i32, i32
  }
  func.func @transform_2(%arg0: i32) -> (i32, i32) {
    %c0_i32 = arith.constant 0 : i32
    %c0_i32_0 = arith.constant 0 : i32
    return %arg0, %c0_i32 : i32, i32
  }
}

</mosaic_0001>

<sc_bundles>
// kernel: kernel.4.cloned.1.call-start
scs
__scs_entry_jumppad:
0x0: {  	(pc) =	sbr.rel $0x88, $3  }
0x1: {  	(tag) =	ssettag $0x0;
	lr =	simm.s32 $0x1  }
0x2: {  	[smem:$0x3F9D] =	sst lr;
	_ =	strace $0xD0000000  }
0x3: {  	_ = 	snop  }
0x4: {  	_ = 	snop  }
0x5: {  	_ = 	snop  }
0x6: {  	_ = 	snop  }
0x7: {  	_ = 	snop  }
__scs_overlays_trampoline_lowered:
0x8: {  	[smem:$0x3FAC] =	sst s0  }
0x9: {  	[smem:$0x3FAD] =	sst s1  }
0xa: {  	[smem:$0x3FAE] =	sst s2  }
0xb: {  	[smem:$0x3FAF] =	sst s3  }
0xc: {  	[smem:$0x3FB0] =	sst s4  }
0xd: {  	[smem:$0x3FB1] =	sst s5  }
0xe: {  	[smem:$0x3FB2] =	sst s6  }
0xf: {  	[smem:$0x3FB3] =	sst s7  }
0x10: {  	[smem:$0x3FB4] =	sst s8  }
0x11: {  	[smem:$0x3FB5] =	sst s9;
	s0 =	simm.s32 @!p0 $0x0  }
0x12: {  	s1 =	sld [smem:$0x3F9B];
	s0 =	simm.s32 @p0 $0x1  }
0x13: {  	[smem:$0x3FB6] =	sst s0;
	s0 =	simm.s32 @!p1 $0x0  }
0x14: {  	s2 =	sld [smem:$0x3F9A];
	s0 =	simm.s32 @p1 $0x1  }
0x15: {  	[smem:$0x3FB7] =	sst s0;
	s0 =	simm.s32 @!p2 $0x0  }
0x16: {  	s3 =	sld [smem:$0x3FDB];
	s0 =	simm.s32 @p2 $0x1  }
0x17: {  	s4 =	simm.s32 $0x1BF5;
	[smem:$0x3FB9] =	sst s0  }
0x18: {  	s0 =	sld [smem:$0x3F9C];
	_ =	swait.ge [sflag:s4], $0x0  }
0x19: {  	s7 =	sld [smem:$0x3F9D]  }
0x1a: {  	s8 =	sadd.s32 $0xFFFFE003, lr  }
0x1b: {  	s9 =	sadd.s32 $0xFFFFFEF7, lr;
	s5 =	simm.s32 $0xFFFFFFFF;
	p2 =	slt.u32 s8, $0xFFFFF086  }
0x1c: {  	p1 =	slt.u32 s9, $0xF7A;
	s5 =	simm.s32 @!p2 $0x0  }
0x1d: {  	s5 =	simm.s32 @p1 $0x1;
	p0 =	seq.s32 s7, s2  }
0x1e: {  	s7 =	smul.u32 @!p0 $0xF7A, s2;
	p2 =	seq.s32 @!p0 s5, $0x0  }
0x1f: {  	s9 =	smul.u32 $0xF7A, s1;
	s8 =	simm.s32 @!p0 $0x1BF5;
	p2 =	por !p2, p0  }
0x20: {  	[sflag:s8] =	ssyncset.s32 @!p0 $0xFFFFF086;
	s6 =	sadd.s32 @!p0 s3, s7;
	s7 =	simm.s32 @!p0 $0x108  }
0x21: {  	s3 =	sadd.s32 s3, s9;
	s6 =	sadd.s32 @!p0 $0x88, s6;
	s7 =	simm.s32 @p2 $0x1082  }
0x22: {  	[simem:s7], [sflag:s8] =	dma.local @!p0 [hbm:s6], $0xF7A  }
0x23: {  	s9 =	sor.u32 $0xD0000000, s2;
	s6 =	simm.s32 $0x108;
	_ =	swait.ge @!p0 [sflag:s8], $0x0  }
0x24: {  	s3 =	sadd.s32 $0x88, s3;
	s6 =	simm.s32 @!p1 $0x1082;
	[sflag:s4] =	ssyncset.s32 $0xFFFFF086  }
0x25: {  	[simem:s6], [sflag:s4] =	dma.local [hbm:s3], $0xF7A  }
0x26: {  	[smem:$0x3F9D] =	sst s1;
	(tag) =	ssettag s2;
	_ =	strace s9  }
0x27: {  	s1 =	sld [smem:$0x3FAD]  }
0x28: {  	s2 =	sld [smem:$0x3FAE]  }
0x29: {  	s4 =	sld [smem:$0x3FB0]  }
0x2a: {  	p0 =	seq.s32 s5, $0x0;
	s5 =	sld [smem:$0x3FB1]  }
0x2b: {  	s6 =	sld [smem:$0x3FB2]  }
0x2c: {  	s7 =	sld [smem:$0x3FB3]  }
0x2d: {  	s3 =	simm.s32 $0x108;
	s8 =	sld [smem:$0x3FB4]  }
0x2e: {  	s3 =	simm.s32 @!p0 $0x1082;
	s9 =	sld [smem:$0x3FB5]  }
0x2f: {  	lr =	sadd.s32 s0, s3;
	s0 =	sld [smem:$0x3FAC]  }
0x30: {  	s3 =	sld [smem:$0x3FAF]  }
0x31: {  	[smem:$0x3FB8] =	sst s10  }
0x32: {  	s10 =	sld [smem:$0x3FB6];
	_ =	sdelay $0x3  }
0x33: {  	p0 =	seq.s32 s10, $0x1;
	s10 =	sld [smem:$0x3FB8];
	_ =	sdelay $0x3  }
0x34: {  	[smem:$0x3FB8] =	sst s10  }
0x35: {  	s10 =	sld [smem:$0x3FB7];
	_ =	sdelay $0x3  }
0x36: {  	p1 =	seq.s32 s10, $0x1;
	s10 =	sld [smem:$0x3FB8];
	_ =	sdelay $0x3  }
0x37: {  	[smem:$0x3FB8] =	sst s10  }
0x38: {  	s10 =	sld [smem:$0x3FB9]  }
0x39: {  	_ = 	snop;
	(pc) =	sbr.ind lr, $3  }
0x3a: {  	_ = 	snop  }
0x3b: {  	_ = 	snop  }
0x3c: {  	p2 =	seq.s32 s10, $0x1;
	s10 =	sld [smem:$0x3FB8]  }
0x3d: {  	_ =	shalt  }
0x3e: {  	_ =	shalt  }
0x3f: {  	_ =	shalt  }
0x40: {  	_ =	shalt  }
0x41: {  	_ =	shalt  }
0x42: {  	_ =	shalt  }
0x43: {  	_ =	shalt  }
0x44: {  	_ =	shalt  }
0x45: {  	_ =	shalt  }
0x46: {  	_ =	shalt  }
0x47: {  	_ =	shalt  }
0x48: {  	_ =	shalt  }
0x49: {  	_ =	shalt  }
0x4a: {  	_ =	shalt  }
0x4b: {  	_ =	shalt  }
0x4c: {  	_ =	shalt  }
0x4d: {  	_ =	shalt  }
0x4e: {  	_ =	shalt  }
0x4f: {  	_ =	shalt  }
0x50: {  	_ =	shalt  }
0x51: {  	_ =	shalt  }
0x52: {  	_ =	shalt  }
0x53: {  	_ =	shalt  }
0x54: {  	_ =	shalt  }
0x55: {  	_ =	shalt  }
0x56: {  	_ =	shalt  }
0x57: {  	_ =	shalt  }
0x58: {  	_ =	shalt  }
0x59: {  	_ =	shalt  }
0x5a: {  	_ =	shalt  }
0x5b: {  	_ =	shalt  }
0x5c: {  	_ =	shalt  }
0x5d: {  	_ =	shalt  }
0x5e: {  	_ =	shalt  }
0x5f: {  	_ =	shalt  }
0x60: {  	_ =	shalt  }
0x61: {  	_ =	shalt  }
0x62: {  	_ =	shalt  }
0x63: {  	_ =	shalt  }
0x64: {  	_ =	shalt  }
0x65: {  	_ =	shalt  }
0x66: {  	_ =	shalt  }
0x67: {  	_ =	shalt  }
0x68: {  	_ =	shalt  }
0x69: {  	_ =	shalt  }
0x6a: {  	_ =	shalt  }
0x6b: {  	_ =	shalt  }
0x6c: {  	_ =	shalt  }
0x6d: {  	_ =	shalt  }
0x6e: {  	_ =	shalt  }
0x6f: {  	_ =	shalt  }
0x70: {  	_ =	shalt  }
0x71: {  	_ =	shalt  }
0x72: {  	_ =	shalt  }
0x73: {  	_ =	shalt  }
0x74: {  	_ =	shalt  }
0x75: {  	_ =	shalt  }
0x76: {  	_ =	shalt  }
0x77: {  	_ =	shalt  }
0x78: {  	_ =	shalt  }
0x79: {  	_ =	shalt  }
0x7a: {  	_ =	shalt  }
0x7b: {  	_ =	shalt  }
0x7c: {  	_ =	shalt  }
0x7d: {  	_ =	shalt  }
0x7e: {  	_ =	shalt  }
0x7f: {  	_ =	shalt  }
0x80: {  	_ =	shalt  }
0x81: {  	_ =	shalt  }
0x82: {  	_ =	shalt  }
0x83: {  	_ =	shalt  }
0x84: {  	_ =	shalt  }
0x85: {  	_ =	shalt  }
0x86: {  	_ =	shalt  }
0x87: {  	_ =	shalt  }
.Lfunc_end0:
.L_simem_size_0:
called_computation_lowered:
.L_overlay_start_0:
0x88: {  	s2 =	sld [smem:$0x3FD9]  }
0x89: {  	s3 =	sld [smem:$0x3FFE];
	_ =	sdelay $0x1  }
0x8a: {  	s1 =	srdreg.scid  }
0x8b: {  	s0 =	sand.u32 $0x1, s1  }
0x8c: {  	s17 =	sshll.u32 s0, $0xA;
	s2 =	sadd.s32 s3, s2  }
0x8d: {  	s2 =	sadd.s32 s2, s17  }
0x8e: {  	[smem:$0x3FC4] =	sst s2  }
0x8f: {  	_ = 	snop  }
0x90: {  	s2 =	sld [smem:$0x3FC9]  }
0x91: {  	s18 =	sld [smem:$0x3FD0];
	(tm) =	ssettm $0x1  }
0x92: {  	s4 =	sld [smem:$0x3FFB];
	_ =	sdelay $0x3  }
0x93: {  	_ =	strace s4  }
0x94: {  	s4 =	sld [smem:$0x3FFC];
	_ =	sdelay $0x3  }
0x95: {  	_ =	strace s4  }
0x96: {  	s4 =	sld [smem:$0x3FFD];
	_ =	sdelay $0x3  }
0x97: {  	_ =	strace s4  }
0x98: {  	_ =	strace $0x8FFFFFFF  }
0x99: {  	s19 =	sld [smem:$0x3FDB];
	_ =	sdelay $0x1  }
0x9a: {  	s5 =	simm.s32 $_scs_section_size  }
0x9b: {  	s6 =	simm.s32 $_size__tile_overlayer_lowered;
	s7 =	simm.s32 $_tile_overlayer_lowered  }
0x9c: {  	s22 =	simm.s32 $0x1BFF;
	s21 =	sshll.u32 s7, $0x1;
	s4 =	sadd.s32 s5, s19  }
0x9d: {  	s8 =	simm.s32 $0x0;
	s20 =	sshll.u32 s6, $0x1;
	s6 =	sadd.s32 s21, s4  }
0x9e: {  	[timem:s8], [sflag:s22] =	dma.local [hbm:s6], s20  }
0x9f: {  	_ =	swait.ge [sflag:s22], s20  }
0xa0: {  	s5 =	ssub.s32 $0x0, s20;
	[sflag:s22] =	ssyncset.done $0x0  }
0xa1: {  	[sflag:s22] =	ssyncadd.s32 s5;
	_ =	sdelay $0x1  }
0xa2: {  	s23 =	simm.s32 $0x1B8B  }
0xa3: {  	_ =	swait.ge [sflag:s23], $0x1  }
0xa4: {  	[sflag:s23] =	ssyncset.done $0x0  }
0xa5: {  	s25 =	simm.s32 $0x1B8E;
	s24 =	sld [smem:$0x3FFE];
	[sflag:s23] =	ssyncadd.s32 $0xFFFFFFFF  }
0xa6: {  	s26 =	simm.s32 $execute0_lowered;
	[smem:$0x3FD2] =	sst s25  }
0xa7: {  	s6 =	sshll.u32 s26, $0x1;
	_ =	strace $0x80000046;
	[dreg:$0x1] =	wrdreg $0xFFFFFFFF  }
0xa8: {  	s28 =	simm.s32 $_size_execute0_lowered;
	s4 =	sadd.s32 s4, s6;
	[dreg:$0x0] =	wrdreg $0x0  }
0xa9: {  	s6 =	sshll.u32 s28, $0x1;
	[dreg:$0x2] =	wrdreg s4  }
0xaa: {  	[dreg:$0x3] =	wrdreg s6  }
0xab: {  	[dreg:$0x4] =	wrdreg $0xC0  }
0xac: {  	_ =	task [dreg:s8], $0x5FFFF  }
0xad: {  	[dreg:$0x1] =	wrdreg $0xFFFFFFFF  }
0xae: {  	[dreg:$0x0] =	wrdreg $0x60  }
0xaf: {  	[dreg:$0x2] =	wrdreg s2  }
0xb0: {  	[dreg:$0x3] =	wrdreg s18  }
0xb1: {  	[dreg:$0x4] =	wrdreg s24  }
0xb2: {  	[dreg:$0x5] =	wrdreg $0x86000  }
0xb3: {  	[dreg:$0x6] =	wrdreg $0x9  }
0xb4: {  	_ =	task.clear_ibuf [dreg:s8], $0x7FFFF;
	_ =	strace $0x90000046  }
0xb5: {  	s29 =	simm.s32 $0x9;
	_ =	strace $0x80000048  }
0xb6: {  	_ =	swait.ge [sflag:s29], $0x1  }
0xb7: {  	[sflag:s29] =	ssyncadd.s32 $0xFFFFFFFF  }
0xb8: {  	_ =	strace $0x90000048  }
0xb9: {  	_ =	sfence  }
0xba: {  	s30 =	sld [smem:$0x0];
	_ =	sdelay $0x2  }
0xbb: {  	s31 =	sshll.u32 s1, $0xD;
	s1 =	sshrl.u32 s1, $0x2  }
0xbc: {  	s3 =	sand.u32 $0x4000, s31;
	s1 =	sadd.s32 s1, s30  }
0xbd: {  	s0 =	sor.u32 s3, s0;
	s1 =	sshll.u32 s1, $0x11  }
0xbe: {  	s0 =	sor.u32 s1, s0  }
0xbf: {  	s0 =	sadd.s32 $0x8F2B, s0  }
0xc0: {  	[sflag:s0] =	ssyncadd.remote.s32 $0x1  }
0xc1: {  	_ =	sfence.sel $0xFFFF  }
0xc2: {  	[dreg:$0x0] =	wrdreg $0xFFFFFFFF;
	(pc) =	sbr.abs _section_cstart, $3  }
0xc3: {  	[dreg:$0x1] =	wrdreg $0xFFFFFFFF  }
0xc4: {  	_ =	task.clear_ibuf [dreg:s8], $0x2FFFF;
	_ =	strace $0x9FFFFFFF  }
0xc5: {  	(tm) =	ssettm $0x7FFFFFFF  }
tec
execute0_lowered:
.L_overlay_start_1:
0x0: {  	(tag) =	ssettag $0x1  }
0x1: {  	s1 =	rddreg [dreg:$0x0]  }
0x2: {  	s3 =	rddreg [dreg:$0x1]  }
0x3: {  	s0 =	rddreg [dreg:$0x2]  }
0x4: {  	s4 =	rddreg [dreg:$0x3];
	s2 =	srdreg.scid  }
0x5: {  	s9 =	stileid.u32;
	s5 =	simm.s32 $0x0;
	s17 =	simm.s32 $0x300  }
0x6: {  	s18 =	simm.s32 $0x600;
	s19 =	simm.s32 $0x9;
	s28 =	simm.s32 $0x3  }
0x7: {  	s29 =	simm.s32 $0x6;
	s30 =	simm.s32 $0x7;
	s25 =	smul.u32 $0xA000, s9  }
0x8: {  	s2 =	sand.u32 $0x1, s2;
	s6 =	sshll.u32 s9, $0x1;
	s31 =	smul.u32 $0x500, s9  }
0x9: {  	[smem:$0x7FF] =	sst s5;
	s24 =	ssub.s32 $0x8C, s9;
	s7 =	smul.u32 $0x27100, s2  }
0xa: {  	s6 =	sor.u32 s2, s6;
	_ =	strace $0x80000047;
	s2 =	ssub.s32 $0x2, s2  }
0xb: {  	s16 =	sshrl.u32 s24, $0x4;
	s8 =	smul.u32 $0xF00, s6;
	s21 =	sshrl.u32 s2, $0x1  }
0xc: {  	s6 =	smul.u32 $0x50, s6;
	s26 =	sshrl.u32 s25, $0x2;
	s25 =	simm.s32 $0x4600  }
0xd: {  	[dreg:$0x8] =	wrdreg s16;
	s0 =	sadd.s32 s7, s0;
	s2 =	ssub.s32 s2, s21  }
0xe: {  	s21 =	simm.s32 $0x80;
	s7 =	simm.s32 $0x0;
	s8 =	sadd.s32 s3, s8  }
0xf: {  	s10 =	sor.u32 $0x3, s6;
	s11 =	sor.u32 $0x4, s6;
	s12 =	sor.u32 $0x5, s6  }
0x10: {  	s13 =	sor.u32 $0x6, s6;
	s2 =	smax.u32 s2, $0x1;
	[dreg:$0x5] =	wrdreg s8  }
0x11: {  	s0 =	sadd.s32 $0x400, s0;
	s22 =	sadd.s32 $0x30, s8;
	[dreg:$0x9] =	wrdreg s2  }
0x12: {  	s23 =	sadd.s32 $0x60, s8;
	s8 =	sadd.s32 s26, s4;
	[dreg:$0x6] =	wrdreg s22  }
0x13: {  	s0 =	sadd.s32 s0, s31;
	s26 =	simm.s32 $0x480;
	[dreg:$0x7] =	wrdreg s23  }
0x14: {  	s2 =	simm.s32 $0x8;
	s22 =	simm.s32 $0x2;
	[dreg:$0xb] =	wrdreg s0  }
0x15: {  	v0 =	vimm.f32 $0.0e+00;
	s23 =	simm.s32 $0x5;
	s0 =	simm.s32 $0x4;
	[dreg:$0xa] =	wrdreg s8  }
.LBB2_1:
0x16: {  	[dreg:$0xc] =	wrdreg s7  }
0x17: {  	s6 =	rddreg [dreg:$0x5]  }
0x18: {  	[tilespmem:s5], [sflag:$0x1] =	stream.linear.gather [hbm4b:s6+s5], $0x180, $0x38;
	[tilespmem:$0x1BE80] =	vst v63  }
0x19: {  	s20 =	rddreg [dreg:$0x6];
	s24 =	simm.s32 $0x180  }
0x1a: {  	[tilespmem:s24], [sflag:$0x2] =	stream.linear.gather [hbm4b:s20+s5], $0x180, $0x38;
	[tilespmem:$0x1BE80] =	vst v63  }
0x1b: {  	s31 =	rddreg [dreg:$0x7];
	s9 =	simm.s32 $0x200;
	s6 =	simm.s32 $0x0  }
0x1c: {  	[tilespmem:s17], [sflag:$0x3] =	stream.linear.gather [hbm4b:s31+s5], $0x180, $0x38;
	[tilespmem:$0x1BE80] =	vst v63  }
.LBB2_2:
0x1d: {  	p0 =	sne.s32 s9, $0x9E00;
	[tilespmem:s6+$0x670] =	vst v0  }
0x1e: {  	[tilespmem:s6+$0x600] =	vst v0  }
0x1f: {  	[tilespmem:s6+$0x610] =	vst v0  }
.Ltmp0:
0x20: {  	[tilespmem:s6+$0x620] =	vst v0;
	(pc) =	sbr.rel @p0 .LBB2_2-.Ltmp0, $4  }
0x21: {  	[tilespmem:s6+$0x630] =	vst v0  }
0x22: {  	[tilespmem:s6+$0x640] =	vst v0  }
0x23: {  	[tilespmem:s6+$0x650] =	vst v0  }
0x24: {  	[tilespmem:s6+$0x660] =	vst v0;
	s6 =	sshra.s32 s9, $0x2;
	s9 =	sadd.s32 $0x200, s9  }
0x25: {  	[tilespmem:s6+$0x670] =	vst v0  }
0x26: {  	[tilespmem:s6+$0x600] =	vst v0  }
0x27: {  	[tilespmem:s6+$0x610] =	vst v0  }
0x28: {  	[tilespmem:s6+$0x620] =	vst v0;
	p0 =	sne.s32 s16, $0x1  }
.Ltmp1:
0x29: {  	[tilespmem:s6+$0x630] =	vst v0;
	(pc) =	sbr.rel @!p0 .LBB2_5-.Ltmp1, $4  }
0x2a: {  	[tilespmem:s6+$0x640] =	vst v0  }
0x2b: {  	[tilespmem:s6+$0x650] =	vst v0  }
0x2c: {  	[tilespmem:s6+$0x660] =	vst v0;
	s6 =	sadd.s32 $0xFFFFFFFF, s16;
	s9 =	smov.u32 s8  }
0x2d: {  	[spmem:s8] =	stream.linear.scatter [tilespmem:s18], [sflag:$0x9], $0x2800, $0x38;
	[tilespmem:$0x1BE80] =	vst v63  }
.LBB2_4:
0x2e: {  	p1 =	sne.s32 s6, $0x1  }
.Ltmp2:
0x2f: {  	_ = 	snop;
	(pc) =	sbr.rel @p1 .LBB2_4-.Ltmp2, $3  }
0x30: {  	_ = 	snop  }
0x31: {  	s6 =	sadd.s32 $0xFFFFFFFF, s6;
	s9 =	sadd.s32 $0x28000, s9;
	_ =	sdelay $0x1  }
0x32: {  	[spmem:s9] =	stream.linear.scatter [tilespmem:s18], [sflag:$0x9], $0x2800, $0x38;
	[tilespmem:$0x1BE80] =	vst v63  }
.LBB2_5:
.Ltmp3:
0x33: {  	(pc) =	sbr.rel @!p0 .LBB2_7-.Ltmp3, $3  }
0x34: {  	_ =	sdelay $0x1  }
0x35: {  	_ =	swait.ge [sflag:s19], $0x2800  }
0x36: {  	s6 =	sadd.s32 $0xFFFFFFFF, s16;
	[sflag:s19] =	ssyncset.done $0x0  }
.LBB2_6:
0x37: {  	p1 =	sne.s32 s6, $0x1;
	s6 =	sadd.s32 $0xFFFFFFFF, s6;
	[sflag:s19] =	ssyncadd.s32 $0xFFFFD800  }
.Ltmp4:
0x38: {  	(pc) =	sbr.rel @p1 .LBB2_6-.Ltmp4, $3  }
0x39: {  	_ =	sdelay $0x1  }
0x3a: {  	_ =	swait.ge [sflag:s19], $0x2800  }
0x3b: {  	[sflag:s19] =	ssyncset.done $0x0  }
.LBB2_7:
0x3c: {  	[sflag:s19] =	ssyncadd.s32 $0xFFFFD800;
	s6 =	simm.s32 $0x1  }
0x3d: {  	_ =	swait.ge [sflag:s6], $0x180  }
0x3e: {  	[sflag:s6] =	ssyncset.done $0x0  }
0x3f: {  	[sflag:s6] =	ssyncadd.s32 $0xFFFFFE80;
	s6 =	simm.s32 $0x0  }
0x40: {  	[tilespmem:s18], [sflag:$0x5] =	stream.indirect.gather [hbm4b:s1+s21], $0x80, s6, s21, $0xb8;
	[tilespmem:$0x1BE80] =	vst v63  }
0x41: {  	s20 =	simm.s32 $0x0;
	[bflag:$0x0] =	sbarrier.arrive $0xFFFF  }
.LBB2_8:
0x42: {  	_ =	swait.ge [sflag:s22], $0x180  }
0x43: {  	[sflag:s22] =	ssyncset.done $0x0  }
0x44: {  	[sflag:s22] =	ssyncadd.s32 $0xFFFFFE80  }
0x45: {  	_ =	swait.ge [sflag:s23], $0x4000  }
0x46: {  	p1 =	seq.s32 s20, $0x0;
	[sflag:s23] =	ssyncset.done $0x0  }
0x47: {  	s9 =	simm.s32 @!p1 $0x8;
	[sflag:s23] =	ssyncadd.s32 $0xFFFFC000  }
0x48: {  	_ =	swait.ge @!p1 [sflag:s9], $0x4000  }
0x49: {  	[sflag:s9] =	ssyncset.done @!p1 $0x0  }
0x4a: {  	s7 =	simm.s32 $0x180;
	s15 =	simm.s32 $0x700;
	[sflag:s9] =	ssyncadd.s32 @!p1 $0xFFFFC000  }
0x4b: {  	[tilespmem:s25], [sflag:$0x6] =	stream.indirect.gather [hbm4b:s1+s21], $0x80, s7, s21, $0xb8;
	[tilespmem:$0x1BE80] =	vst v63  }
0x4c: {  	v7 =	vld [tilespmem:s15+$0xD0]  }
0x4d: {  	v8 =	vld [tilespmem:s15+$0xF0]  }
0x4e: {  	v1 =	vld [tilespmem:s15+$0x0]  }
0x4f: {  	v2 =	vld [tilespmem:s15+$0xFFFFFFF0]  }
0x50: {  	v4 =	vld [tilespmem:s15+$0x20]  }
0x51: {  	v5 =	vld [tilespmem:s15+$0x30]  }
0x52: {  	v6 =	vld [tilespmem:s15+$0x50]  }
0x53: {  	s16 =	simm.s32 $0x1;
	v9 =	vld [tilespmem:s15+$0x60]  }
0x54: {  	v3 =	vmov s6;
	v10 =	vmov s16;
	v11 =	vld [tilespmem:s15+$0x70]  }
0x55: {  	s24 =	simm.s32 $0x2;
	s31 =	simm.s32 $0x3;
	v3 =	vand.u32 $0x7C, v3;
	v10 =	vand.u32 $0x7D, v10;
	v12 =	vld [tilespmem:s15+$0x40]  }
0x56: {  	v13 =	vmov s24;
	v15 =	vmov s31;
	v10 =	vor.u32 $0x100, v10;
	v14 =	vld [tilespmem:s15+$0x10]  }
0x57: {  	v3 =	vor.u32 $0x100, v3;
	v13 =	vand.u32 $0x7E, v13;
	v10 =	vbroadcast v10, $0x0;
	v16 =	vld [tilespmem:s15+$0x90]  }
0x58: {  	v15 =	vand.u32 $0x7F, v15;
	v13 =	vor.u32 $0x100, v13;
	v3 =	vbroadcast v3, $0x0;
	v17 =	vld [tilespmem:s15+$0xA0]  }
0x59: {  	v15 =	vor.u32 $0x100, v15;
	v13 =	vbroadcast v13, $0x0;
	v19 =	vld [tilespmem:s15+$0xB0]  }
0x5a: {  	v15 =	vbroadcast v15, $0x0;
	v20 =	vld [tilespmem:s15+$0xC0]  }
0x5b: {  	v18 =	vld [tilespmem:s15+$0xFFFFFFE0]  }
0x5c: {  	v21 =	vld [tilespmem:s15+$0xFFFFFFD0]  }
0x5d: {  	v10 =	vld.idx.msk [tilespmem:v10+s5+$0x0], $0xffff  }
0x5e: {  	v22 =	vld.idx.msk [tilespmem:v3+s5+$0x0], $0xffff  }
0x5f: {  	v23 =	vld.idx.msk [tilespmem:v13+s5+$0x0], $0xffff  }
0x60: {  	v3 =	vld.idx.msk [tilespmem:v15+s5+$0x0], $0xffff  }
0x61: {  	v24 =	vld [tilespmem:s15+$0xFFFFFFA0]  }
0x62: {  	v26 =	vld [tilespmem:s15+$0xFFFFFF80];
	v2 =	vmul.f32 v10, v2  }
0x63: {  	v13 =	vld [tilespmem:s15+$0xFFFFFFC0];
	v18 =	vmul.f32 v10, v18  }
0x64: {  	v59 =	vld [tilespmem:s15+$0xFFFFFF30];
	v21 =	vmul.f32 v10, v21;
	[tilespmem:s15+$0xFFFFFFF0] =	vst v2  }
0x65: {  	v15 =	vld [tilespmem:s15+$0xFFFFFFB0];
	v56 =	vmul.f32 v23, v4;
	[tilespmem:s15+$0xFFFFFFE0] =	vst v18  }
0x66: {  	v25 =	vld [tilespmem:s15+$0xFFFFFF90];
	v4 =	vmul.f32 v10, v24;
	v58 =	vmul.f32 v23, v6;
	[tilespmem:s15+$0xFFFFFFD0] =	vst v21  }
0x67: {  	v62 =	vld [tilespmem:s15+$0xFFFFFF00];
	v12 =	vmul.f32 v23, v12;
	v6 =	vmul.f32 v10, v26;
	[tilespmem:s15+$0x20] =	vst v56  }
0x68: {  	v27 =	vld [tilespmem:s15+$0xFFFFFF70];
	v61 =	vmul.f32 v23, v9;
	v8 =	vmul.f32 v3, v8;
	[tilespmem:s15+$0x50] =	vst v58  }
0x69: {  	v57 =	vld [tilespmem:s15+$0xFFFFFF40];
	v63 =	vmul.f32 v22, v59;
	v18 =	vmul.f32 v23, v1;
	[tilespmem:s15+$0x40] =	vst v12  }
0x6a: {  	v60 =	vld [tilespmem:s15+$0xFFFFFF10];
	v11 =	vmul.f32 v23, v11;
	v14 =	vmul.f32 v23, v14;
	[tilespmem:s15+$0xF0] =	vst v8  }
0x6b: {  	v2 =	vmul.f32 v10, v15;
	v15 =	vld [tilespmem:s15+$0xFFFFFF50];
	[tilespmem:s15+$0x0] =	vst v18;
	v18 =	vmul.f32 v23, v5  }
0x6c: {  	v1 =	vmul.f32 v10, v13;
	v13 =	vld [tilespmem:s15+$0xFFFFFF60];
	v8 =	vmul.f32 v22, v62;
	[tilespmem:s15+$0x70] =	vst v11  }
0x6d: {  	v5 =	vmul.f32 v10, v25;
	v10 =	vmul.f32 v3, v7;
	[tilespmem:s15+$0x30] =	vst v18;
	v18 =	vld [tilespmem:s15+$0xFFFFFF20]  }
0x6e: {  	v11 =	vmul.f32 v3, v19;
	[tilespmem:s15+$0x10] =	vst v14;
	v14 =	vmul.f32 v3, v20  }
0x6f: {  	v7 =	vmul.f32 v22, v27;
	[tilespmem:s15+$0xD0] =	vst v10;
	v10 =	vmul.f32 v3, v17  }
0x70: {  	[tilespmem:s15+$0x60] =	vst v61;
	v12 =	vmul.f32 v22, v15;
	v15 =	vmul.f32 v22, v57  }
0x71: {  	[tilespmem:s15+$0xFFFFFF30] =	vst v63;
	v17 =	vld [tilespmem:s15+$0xE0];
	v9 =	vmul.f32 v22, v13;
	v13 =	vmul.f32 v3, v16  }
0x72: {  	s14 =	simm.s32 $0x4;
	s24 =	sshll.u32 s20, $0x2;
	s9 =	simm.s32 $0x900;
	[tilespmem:s15+$0xFFFFFF40] =	vst v15;
	v15 =	vld [tilespmem:s15+$0x80];
	v16 =	vmul.f32 v22, v18;
	v18 =	vmul.f32 v22, v60  }
.LBB2_9:
0x73: {  	s7 =	sadd.s32 $0x1, s14  }
0x74: {  	v19 =	vmov s14;
	s8 =	sadd.s32 $0x2, s14;
	v20 =	vld [tilespmem:s9+$0xD0];
	[tilespmem:s15+$0xFFFFFF10] =	vst v18;
	s16 =	smov.u32 s14;
	s31 =	sadd.s32 $0x4, s14  }
0x75: {  	p1 =	sne.s32 s14, $0x7C;
	v18 =	vand.u32 $0x7C, v19;
	v19 =	vmov s7;
	v21 =	vmov s8;
	s7 =	sadd.s32 $0x3, s16;
	v22 =	vld [tilespmem:s9+$0xF0];
	[tilespmem:s15+$0xFFFFFF20] =	vst v16  }
0x76: {  	v16 =	vor.u32 $0x100, v18;
	v18 =	vand.u32 $0x7D, v19;
	v19 =	vmov s7;
	v23 =	vld [tilespmem:s9+$0x0];
	[tilespmem:s15+$0xFFFFFF50] =	vst v12  }
0x77: {  	v12 =	vor.u32 $0x100, v18;
	v18 =	vand.u32 $0x7E, v21;
	v21 =	vld [tilespmem:s9+$0xFFFFFFF0];
	[tilespmem:s15+$0x90] =	vst v13;
	v13 =	vmul.f32 v3, v17  }
0x78: {  	v12 =	vbroadcast v12, $0x0;
	v17 =	vor.u32 $0x100, v18;
	v18 =	vand.u32 $0x7F, v19;
	v19 =	vld [tilespmem:s9+$0x20];
	[tilespmem:s15+$0xFFFFFF60] =	vst v9  }
0x79: {  	v3 =	vmul.f32 v3, v15;
	v9 =	vbroadcast v17, $0x0;
	v17 =	vor.u32 $0x100, v18;
	v18 =	vld [tilespmem:s9+$0x30];
	[tilespmem:s15+$0xE0] =	vst v13  }
0x7a: {  	v13 =	vbroadcast v17, $0x0;
	v15 =	vld [tilespmem:s9+$0x50];
	[tilespmem:s15+$0xA0] =	vst v10  }
0x7b: {  	v10 =	vld [tilespmem:s9+$0x60];
	[tilespmem:s15+$0x80] =	vst v3  }
0x7c: {  	v17 =	vld [tilespmem:s9+$0x70];
	[tilespmem:s15+$0xFFFFFF70] =	vst v7  }
0x7d: {  	v3 =	vbroadcast v16, $0x0;
	v7 =	vld [tilespmem:s9+$0x40];
	[tilespmem:s15+$0xFFFFFF80] =	vst v6  }
0x7e: {  	v24 =	vld [tilespmem:s9+$0x10];
	[tilespmem:s15+$0xC0] =	vst v14  }
0x7f: {  	v14 =	vld [tilespmem:s9+$0x90];
	[tilespmem:s15+$0xFFFFFF90] =	vst v5  }
0x80: {  	v16 =	vld [tilespmem:s9+$0xA0];
	[tilespmem:s15+$0xB0] =	vst v11  }
0x81: {  	v11 =	vld [tilespmem:s9+$0xB0];
	[tilespmem:s15+$0xFFFFFFA0] =	vst v4  }
0x82: {  	v25 =	vld [tilespmem:s9+$0xC0];
	[tilespmem:s15+$0xFFFFFFB0] =	vst v2  }
0x83: {  	v2 =	vld [tilespmem:s9+$0xFFFFFFE0];
	[tilespmem:s15+$0xFFFFFFC0] =	vst v1  }
0x84: {  	v1 =	vld [tilespmem:s9+$0xFFFFFFD0];
	[tilespmem:s15+$0xFFFFFF00] =	vst v8;
	s15 =	smov.u32 s9  }
0x85: {  	v6 =	vld.idx.msk [tilespmem:v12+s5+$0x0], $0xffff  }
0x86: {  	v8 =	vld.idx.msk [tilespmem:v3+s5+$0x0], $0xffff  }
0x87: {  	v26 =	vld.idx.msk [tilespmem:v9+s5+$0x0], $0xffff  }
0x88: {  	v3 =	vld.idx.msk [tilespmem:v13+s5+$0x0], $0xffff  }
0x89: {  	v4 =	vld [tilespmem:s9+$0xFFFFFFC0]  }
0x8a: {  	v5 =	vld [tilespmem:s9+$0xFFFFFFB0]  }
0x8b: {  	v12 =	vmul.f32 v6, v21;
	v9 =	vld [tilespmem:s9+$0xFFFFFFA0]  }
0x8c: {  	v2 =	vmul.f32 v6, v2;
	v13 =	vld [tilespmem:s9+$0xFFFFFF90]  }
0x8d: {  	v27 =	vmul.f32 v6, v1;
	v21 =	vld [tilespmem:s9+$0xFFFFFF80];
	[tilespmem:s9+$0xFFFFFFF0] =	vst v12  }
0x8e: {  	v23 =	vmul.f32 v26, v23;
	v12 =	vld [tilespmem:s9+$0xFFFFFF70];
	v1 =	vmul.f32 v6, v4;
	[tilespmem:s9+$0xFFFFFFE0] =	vst v2  }
0x8f: {  	v19 =	vmul.f32 v26, v19;
	v28 =	vld [tilespmem:s9+$0xFFFFFF60];
	v2 =	vmul.f32 v6, v5;
	[tilespmem:s9+$0xFFFFFFD0] =	vst v27  }
0x90: {  	v27 =	vld [tilespmem:s9+$0xFFFFFF50];
	v4 =	vmul.f32 v6, v9;
	[tilespmem:s9+$0x0] =	vst v23;
	v9 =	vmul.f32 v26, v18  }
0x91: {  	v18 =	vld [tilespmem:s9+$0xFFFFFF40];
	v5 =	vmul.f32 v6, v13;
	[tilespmem:s9+$0x20] =	vst v19;
	v13 =	vmul.f32 v26, v15  }
0x92: {  	v19 =	vmul.f32 v26, v7;
	v15 =	vld [tilespmem:s9+$0xFFFFFF30];
	v6 =	vmul.f32 v6, v21;
	[tilespmem:s9+$0x30] =	vst v9  }
0x93: {  	v21 =	vld [tilespmem:s9+$0xFFFFFF20];
	v7 =	vmul.f32 v8, v12;
	[tilespmem:s9+$0x50] =	vst v13;
	v13 =	vmul.f32 v3, v20  }
0x94: {  	v10 =	vmul.f32 v26, v10;
	v20 =	vld [tilespmem:s9+$0xFFFFFF10];
	v9 =	vmul.f32 v8, v28;
	[tilespmem:s9+$0x40] =	vst v19  }
0x95: {  	v22 =	vmul.f32 v3, v22;
	v19 =	vld [tilespmem:s9+$0xFFFFFF00];
	v12 =	vmul.f32 v8, v27;
	[tilespmem:s9+$0xD0] =	vst v13  }
0x96: {  	v13 =	vmul.f32 v3, v14;
	v18 =	vmul.f32 v8, v18;
	[tilespmem:s9+$0x60] =	vst v10  }
.Ltmp5:
0x97: {  	v10 =	vmul.f32 v3, v16;
	v14 =	vmul.f32 v8, v15;
	[tilespmem:s9+$0xF0] =	vst v22;
	(pc) =	sbr.rel @p1 .LBB2_9-.Ltmp5, $4  }
0x98: {  	v15 =	vmul.f32 v26, v17;
	v16 =	vmul.f32 v8, v21;
	[tilespmem:s9+$0xFFFFFF40] =	vst v18  }
0x99: {  	v18 =	vmul.f32 v8, v20;
	[tilespmem:s9+$0xFFFFFF30] =	vst v14;
	v14 =	vmul.f32 v26, v24  }
0x9a: {  	v11 =	vmul.f32 v3, v11;
	v8 =	vmul.f32 v8, v19;
	[tilespmem:s9+$0x70] =	vst v15;
	v17 =	vld [tilespmem:s9+$0xE0]  }
0x9b: {  	s14 =	smov.u32 s31;
	s9 =	sadd.s32 $0x200, s9;
	[tilespmem:s15+$0x10] =	vst v14;
	v15 =	vld [tilespmem:s15+$0x80];
	v14 =	vmul.f32 v3, v25  }
0x9c: {  	[tilespmem:s15+$0xFFFFFF10] =	vst v18  }
0x9d: {  	[tilespmem:s15+$0xFFFFFF20] =	vst v16  }
0x9e: {  	[tilespmem:s15+$0xFFFFFF50] =	vst v12  }
0x9f: {  	[tilespmem:s15+$0x90] =	vst v13  }
0xa0: {  	[tilespmem:s15+$0xFFFFFF60] =	vst v9  }
0xa1: {  	[tilespmem:s15+$0xA0] =	vst v10  }
0xa2: {  	[tilespmem:s15+$0xFFFFFF70] =	vst v7  }
0xa3: {  	[tilespmem:s15+$0xFFFFFF80] =	vst v6  }
0xa4: {  	[tilespmem:s15+$0xFFFFFF90] =	vst v5  }
0xa5: {  	[tilespmem:s15+$0xB0] =	vst v11  }
0xa6: {  	[tilespmem:s15+$0xFFFFFFA0] =	vst v4  }
0xa7: {  	[tilespmem:s15+$0xFFFFFFB0] =	vst v2  }
0xa8: {  	[tilespmem:s15+$0xFFFFFFC0] =	vst v1  }
0xa9: {  	[tilespmem:s15+$0xFFFFFF00] =	vst v8;
	v12 =	vmul.f32 v3, v17  }
0xaa: {  	[tilespmem:s15+$0xC0] =	vst v14;
	v3 =	vmul.f32 v3, v15  }
0xab: {  	s7 =	sadd.s32 s24, s10;
	[tilespmem:s15+$0xE0] =	vst v12  }
0xac: {  	s7 =	smul.u32 $0x30, s7;
	[tilespmem:s15+$0x80] =	vst v3  }
0xad: {  	[spmem:s4] =	stream.indirect.scatter.add.f32 [tilespmem:s18], [sflag:$0x7], $0x80, s21, s21, $0xb8;
	[tilespmem:$0x1BE80] =	vst v63  }
0xae: {  	s8 =	simm.s32 $0x0;
	s7 =	sadd.s32 s3, s7  }
0xaf: {  	[tilespmem:s26], [sflag:$0x4] =	stream.linear.gather [hbm4b:s7+s8], $0x180, $0x38;
	[tilespmem:$0x1BE80] =	vst v63  }
0xb0: {  	_ =	swait.ge [sflag:s28], $0x180  }
0xb1: {  	[sflag:s28] =	ssyncset.done $0x0  }
0xb2: {  	[sflag:s28] =	ssyncadd.s32 $0xFFFFFE80  }
0xb3: {  	_ =	swait.ge [sflag:s29], $0x4000  }
0xb4: {  	[sflag:s29] =	ssyncset.done $0x0  }
0xb5: {  	[sflag:s29] =	ssyncadd.s32 $0xFFFFC000  }
0xb6: {  	_ =	swait.ge [sflag:s30], $0x4000  }
0xb7: {  	[sflag:s30] =	ssyncset.done $0x0  }
0xb8: {  	s15 =	simm.s32 $0x4700;
	[sflag:s30] =	ssyncadd.s32 $0xFFFFC000  }
0xb9: {  	[tilespmem:s18], [sflag:$0x5] =	stream.indirect.gather [hbm4b:s1+s21], $0x80, s17, s21, $0xb8;
	[tilespmem:$0x1BE80] =	vst v63  }
0xba: {  	v7 =	vld [tilespmem:s15+$0xD0]  }
0xbb: {  	v8 =	vld [tilespmem:s15+$0xF0]  }
0xbc: {  	v1 =	vld [tilespmem:s15+$0x0]  }
0xbd: {  	v2 =	vld [tilespmem:s15+$0xFFFFFFF0]  }
0xbe: {  	v4 =	vld [tilespmem:s15+$0x20]  }
0xbf: {  	v5 =	vld [tilespmem:s15+$0x30]  }
0xc0: {  	v6 =	vld [tilespmem:s15+$0x50]  }
0xc1: {  	s9 =	simm.s32 $0x1;
	v9 =	vld [tilespmem:s15+$0x60]  }
0xc2: {  	s16 =	simm.s32 $0x3;
	v10 =	vmov s9;
	v13 =	vld [tilespmem:s15+$0x70]  }
0xc3: {  	s14 =	simm.s32 $0x2;
	v14 =	vmov s16;
	v10 =	vand.u32 $0x7D, v10;
	v3 =	vmov s8;
	v11 =	vld [tilespmem:s15+$0x40]  }
0xc4: {  	v10 =	vor.u32 $0x280, v10;
	v12 =	vmov s14;
	v3 =	vand.u32 $0x7C, v3;
	v15 =	vld [tilespmem:s15+$0x10]  }
0xc5: {  	v10 =	vbroadcast v10, $0x0;
	v12 =	vand.u32 $0x7E, v12;
	v3 =	vor.u32 $0x280, v3;
	v16 =	vld [tilespmem:s15+$0x90]  }
0xc6: {  	v14 =	vand.u32 $0x7F, v14;
	v12 =	vor.u32 $0x280, v12;
	v3 =	vbroadcast v3, $0x0;
	v17 =	vld [tilespmem:s15+$0xA0]  }
0xc7: {  	v14 =	vor.u32 $0x280, v14;
	v12 =	vbroadcast v12, $0x0;
	v19 =	vld [tilespmem:s15+$0xB0]  }
0xc8: {  	v14 =	vbroadcast v14, $0x0;
	v20 =	vld [tilespmem:s15+$0xC0]  }
0xc9: {  	v18 =	vld [tilespmem:s15+$0xFFFFFFE0]  }
0xca: {  	v21 =	vld [tilespmem:s15+$0xFFFFFFD0]  }
0xcb: {  	v10 =	vld.idx.msk [tilespmem:v10+s5+$0x0], $0xffff  }
0xcc: {  	v22 =	vld.idx.msk [tilespmem:v3+s5+$0x0], $0xffff  }
0xcd: {  	v23 =	vld.idx.msk [tilespmem:v12+s5+$0x0], $0xffff  }
0xce: {  	v3 =	vld.idx.msk [tilespmem:v14+s5+$0x0], $0xffff  }
0xcf: {  	v24 =	vld [tilespmem:s15+$0xFFFFFFA0]  }
0xd0: {  	v26 =	vld [tilespmem:s15+$0xFFFFFF80];
	v2 =	vmul.f32 v10, v2  }
0xd1: {  	v60 =	vld [tilespmem:s15+$0xFFFFFF30];
	v18 =	vmul.f32 v10, v18  }
0xd2: {  	v12 =	vld [tilespmem:s15+$0xFFFFFFC0];
	v21 =	vmul.f32 v10, v21;
	[tilespmem:s15+$0xFFFFFFF0] =	vst v2  }
0xd3: {  	v14 =	vld [tilespmem:s15+$0xFFFFFFB0];
	v57 =	vmul.f32 v23, v4;
	[tilespmem:s15+$0xFFFFFFE0] =	vst v18  }
0xd4: {  	v25 =	vld [tilespmem:s15+$0xFFFFFF90];
	v4 =	vmul.f32 v10, v24;
	v59 =	vmul.f32 v23, v6;
	[tilespmem:s15+$0xFFFFFFD0] =	vst v21  }
0xd5: {  	v27 =	vld [tilespmem:s15+$0xFFFFFF70];
	v11 =	vmul.f32 v23, v11;
	v6 =	vmul.f32 v10, v26;
	[tilespmem:s15+$0x20] =	vst v57  }
0xd6: {  	v62 =	vld [tilespmem:s15+$0xFFFFFF00];
	v8 =	vmul.f32 v3, v8;
	v63 =	vmul.f32 v22, v60;
	[tilespmem:s15+$0x50] =	vst v59  }
0xd7: {  	v58 =	vld [tilespmem:s15+$0xFFFFFF40];
	v13 =	vmul.f32 v23, v13;
	v15 =	vmul.f32 v23, v15;
	[tilespmem:s15+$0x40] =	vst v11  }
0xd8: {  	v18 =	vmul.f32 v23, v1;
	v1 =	vmul.f32 v10, v12;
	v12 =	vld [tilespmem:s15+$0xFFFFFF60];
	[tilespmem:s15+$0xF0] =	vst v8  }
0xd9: {  	v2 =	vmul.f32 v10, v14;
	v14 =	vld [tilespmem:s15+$0xFFFFFF50];
	v11 =	vmul.f32 v23, v9;
	[tilespmem:s15+$0x70] =	vst v13  }
0xda: {  	[tilespmem:s15+$0x0] =	vst v18;
	v18 =	vmul.f32 v23, v5;
	v5 =	vmul.f32 v10, v25;
	v10 =	vld [tilespmem:s15+$0xFFFFFF20]  }
0xdb: {  	v61 =	vld [tilespmem:s15+$0xFFFFFF10];
	v8 =	vmul.f32 v22, v62;
	v13 =	vmul.f32 v3, v20;
	[tilespmem:s15+$0x60] =	vst v11  }
0xdc: {  	v11 =	vmul.f32 v3, v17;
	[tilespmem:s15+$0x30] =	vst v18;
	v18 =	vmul.f32 v3, v7  }
0xdd: {  	[tilespmem:s15+$0xFFFFFF30] =	vst v63;
	v7 =	vmul.f32 v22, v27;
	v9 =	vmul.f32 v22, v12  }
0xde: {  	v12 =	vmul.f32 v22, v14;
	[tilespmem:s15+$0xD0] =	vst v18;
	v18 =	vmul.f32 v22, v58  }
0xdf: {  	[tilespmem:s15+$0x10] =	vst v15;
	v15 =	vld [tilespmem:s15+$0x80];
	v14 =	vmul.f32 v3, v16;
	v16 =	vmul.f32 v22, v10  }
0xe0: {  	s31 =	simm.s32 $0x4;
	s9 =	simm.s32 $0x4900;
	v17 =	vld [tilespmem:s15+$0xE0];
	v10 =	vmul.f32 v3, v19;
	[tilespmem:s15+$0xFFFFFF40] =	vst v18;
	v18 =	vmul.f32 v22, v61  }
.LBB2_11:
0xe1: {  	s7 =	sadd.s32 $0x1, s31  }
0xe2: {  	v19 =	vmov s31;
	s8 =	sadd.s32 $0x2, s31;
	v20 =	vld [tilespmem:s9+$0xD0];
	[tilespmem:s15+$0xFFFFFF10] =	vst v18;
	s16 =	smov.u32 s31;
	s14 =	sadd.s32 $0x4, s31  }
0xe3: {  	p1 =	sne.s32 s31, $0x7C;
	v18 =	vand.u32 $0x7C, v19;
	v19 =	vmov s7;
	v21 =	vmov s8;
	s7 =	sadd.s32 $0x3, s16;
	v22 =	vld [tilespmem:s9+$0xF0];
	[tilespmem:s15+$0xFFFFFF20] =	vst v16  }
0xe4: {  	v16 =	vor.u32 $0x280, v18;
	v18 =	vand.u32 $0x7D, v19;
	v19 =	vmov s7;
	v23 =	vld [tilespmem:s9+$0x0];
	[tilespmem:s15+$0xFFFFFF50] =	vst v12  }
0xe5: {  	v12 =	vor.u32 $0x280, v18;
	v18 =	vand.u32 $0x7E, v21;
	v21 =	vld [tilespmem:s9+$0xFFFFFFF0];
	[tilespmem:s15+$0x90] =	vst v14;
	v14 =	vmul.f32 v3, v17  }
0xe6: {  	v12 =	vbroadcast v12, $0x0;
	v17 =	vor.u32 $0x280, v18;
	v18 =	vand.u32 $0x7F, v19;
	v19 =	vld [tilespmem:s9+$0x20];
	[tilespmem:s15+$0xFFFFFF60] =	vst v9  }
0xe7: {  	v3 =	vmul.f32 v3, v15;
	v9 =	vbroadcast v17, $0x0;
	v17 =	vor.u32 $0x280, v18;
	v18 =	vld [tilespmem:s9+$0x30];
	[tilespmem:s15+$0xE0] =	vst v14  }
0xe8: {  	v14 =	vbroadcast v17, $0x0;
	v15 =	vld [tilespmem:s9+$0x50];
	[tilespmem:s15+$0xA0] =	vst v11  }
0xe9: {  	v11 =	vld [tilespmem:s9+$0x60];
	[tilespmem:s15+$0x80] =	vst v3  }
0xea: {  	v17 =	vld [tilespmem:s9+$0x70];
	[tilespmem:s15+$0xFFFFFF70] =	vst v7  }
0xeb: {  	v3 =	vbroadcast v16, $0x0;
	v7 =	vld [tilespmem:s9+$0x40];
	[tilespmem:s15+$0xFFFFFF80] =	vst v6  }
0xec: {  	v24 =	vld [tilespmem:s9+$0x10];
	[tilespmem:s15+$0xC0] =	vst v13  }
0xed: {  	v13 =	vld [tilespmem:s9+$0x90];
	[tilespmem:s15+$0xFFFFFF90] =	vst v5  }
0xee: {  	v16 =	vld [tilespmem:s9+$0xA0];
	[tilespmem:s15+$0xB0] =	vst v10  }
0xef: {  	v10 =	vld [tilespmem:s9+$0xB0];
	[tilespmem:s15+$0xFFFFFFA0] =	vst v4  }
0xf0: {  	v25 =	vld [tilespmem:s9+$0xC0];
	[tilespmem:s15+$0xFFFFFFB0] =	vst v2  }
0xf1: {  	v2 =	vld [tilespmem:s9+$0xFFFFFFE0];
	[tilespmem:s15+$0xFFFFFFC0] =	vst v1  }
0xf2: {  	v1 =	vld [tilespmem:s9+$0xFFFFFFD0];
	[tilespmem:s15+$0xFFFFFF00] =	vst v8;
	s15 =	smov.u32 s9  }
0xf3: {  	v6 =	vld.idx.msk [tilespmem:v12+s5+$0x0], $0xffff  }
0xf4: {  	v8 =	vld.idx.msk [tilespmem:v3+s5+$0x0], $0xffff  }
0xf5: {  	v26 =	vld.idx.msk [tilespmem:v9+s5+$0x0], $0xffff  }
0xf6: {  	v3 =	vld.idx.msk [tilespmem:v14+s5+$0x0], $0xffff  }
0xf7: {  	v4 =	vld [tilespmem:s9+$0xFFFFFFC0]  }
0xf8: {  	v5 =	vld [tilespmem:s9+$0xFFFFFFB0]  }
0xf9: {  	v12 =	vmul.f32 v6, v21;
	v9 =	vld [tilespmem:s9+$0xFFFFFFA0]  }
0xfa: {  	v2 =	vmul.f32 v6, v2;
	v14 =	vld [tilespmem:s9+$0xFFFFFF90]  }
0xfb: {  	v27 =	vmul.f32 v6, v1;
	v21 =	vld [tilespmem:s9+$0xFFFFFF80];
	[tilespmem:s9+$0xFFFFFFF0] =	vst v12  }
0xfc: {  	v23 =	vmul.f32 v26, v23;
	v12 =	vld [tilespmem:s9+$0xFFFFFF70];
	v1 =	vmul.f32 v6, v4;
	[tilespmem:s9+$0xFFFFFFE0] =	vst v2  }
0xfd: {  	v19 =	vmul.f32 v26, v19;
	v28 =	vld [tilespmem:s9+$0xFFFFFF60];
	v2 =	vmul.f32 v6, v5;
	[tilespmem:s9+$0xFFFFFFD0] =	vst v27  }
0xfe: {  	v27 =	vld [tilespmem:s9+$0xFFFFFF50];
	v4 =	vmul.f32 v6, v9;
	[tilespmem:s9+$0x0] =	vst v23;
	v9 =	vmul.f32 v26, v18  }
0xff: {  	v18 =	vld [tilespmem:s9+$0xFFFFFF40];
	v5 =	vmul.f32 v6, v14;
	[tilespmem:s9+$0x20] =	vst v19;
	v14 =	vmul.f32 v26, v15  }
0x100: {  	v19 =	vmul.f32 v26, v7;
	v15 =	vld [tilespmem:s9+$0xFFFFFF30];
	v6 =	vmul.f32 v6, v21;
	[tilespmem:s9+$0x30] =	vst v9  }
0x101: {  	v21 =	vld [tilespmem:s9+$0xFFFFFF20];
	v7 =	vmul.f32 v8, v12;
	[tilespmem:s9+$0x50] =	vst v14;
	v14 =	vmul.f32 v3, v20  }
0x102: {  	v11 =	vmul.f32 v26, v11;
	v20 =	vld [tilespmem:s9+$0xFFFFFF10];
	v9 =	vmul.f32 v8, v28;
	[tilespmem:s9+$0x40] =	vst v19  }
0x103: {  	v22 =	vmul.f32 v3, v22;
	v19 =	vld [tilespmem:s9+$0xFFFFFF00];
	v12 =	vmul.f32 v8, v27;
	[tilespmem:s9+$0xD0] =	vst v14  }
0x104: {  	v14 =	vmul.f32 v3, v13;
	v18 =	vmul.f32 v8, v18;
	[tilespmem:s9+$0x60] =	vst v11  }
.Ltmp6:
0x105: {  	v11 =	vmul.f32 v3, v16;
	v13 =	vmul.f32 v8, v15;
	[tilespmem:s9+$0xF0] =	vst v22;
	(pc) =	sbr.rel @p1 .LBB2_11-.Ltmp6, $4  }
0x106: {  	v15 =	vmul.f32 v26, v17;
	v16 =	vmul.f32 v8, v21;
	[tilespmem:s9+$0xFFFFFF40] =	vst v18  }
0x107: {  	v18 =	vmul.f32 v8, v20;
	[tilespmem:s9+$0xFFFFFF30] =	vst v13;
	v13 =	vmul.f32 v26, v24  }
0x108: {  	v10 =	vmul.f32 v3, v10;
	v8 =	vmul.f32 v8, v19;
	[tilespmem:s9+$0x70] =	vst v15;
	v17 =	vld [tilespmem:s9+$0xE0]  }
0x109: {  	s31 =	smov.u32 s14;
	s9 =	sadd.s32 $0x200, s9;
	[tilespmem:s15+$0x10] =	vst v13;
	v15 =	vld [tilespmem:s15+$0x80];
	v13 =	vmul.f32 v3, v25  }
0x10a: {  	[tilespmem:s15+$0xFFFFFF10] =	vst v18  }
0x10b: {  	[tilespmem:s15+$0xFFFFFF20] =	vst v16  }
0x10c: {  	[tilespmem:s15+$0xFFFFFF50] =	vst v12  }
0x10d: {  	[tilespmem:s15+$0x90] =	vst v14  }
0x10e: {  	[tilespmem:s15+$0xFFFFFF60] =	vst v9  }
0x10f: {  	[tilespmem:s15+$0xA0] =	vst v11  }
0x110: {  	[tilespmem:s15+$0xFFFFFF70] =	vst v7  }
0x111: {  	[tilespmem:s15+$0xFFFFFF80] =	vst v6  }
0x112: {  	[tilespmem:s15+$0xFFFFFF90] =	vst v5  }
0x113: {  	[tilespmem:s15+$0xB0] =	vst v10  }
0x114: {  	[tilespmem:s15+$0xFFFFFFA0] =	vst v4  }
0x115: {  	[tilespmem:s15+$0xFFFFFFB0] =	vst v2  }
0x116: {  	[tilespmem:s15+$0xFFFFFFC0] =	vst v1  }
0x117: {  	[tilespmem:s15+$0xFFFFFF00] =	vst v8;
	v12 =	vmul.f32 v3, v17  }
0x118: {  	p1 =	seq.s32 s20, $0x13;
	[tilespmem:s15+$0xC0] =	vst v13;
	v3 =	vmul.f32 v3, v15  }
0x119: {  	s7 =	sadd.s32 @!p1 s24, s11;
	[tilespmem:s15+$0xE0] =	vst v12  }
0x11a: {  	s8 =	simm.s32 $0x200;
	s7 =	smul.u32 @!p1 $0x30, s7;
	[tilespmem:s15+$0x80] =	vst v3  }
0x11b: {  	[spmem:s4] =	stream.indirect.scatter.add.f32 [tilespmem:s25], [sflag:$0x8], $0x80, s8, s21, $0xb8;
	[tilespmem:$0x1BE80] =	vst v63  }
0x11c: {  	s7 =	sadd.s32 @!p1 s3, s7;
	s8 =	simm.s32 @!p1 $0x0  }
0x11d: {  	[tilespmem:s8], [sflag:$0x1] =	stream.linear.gather @!p1 [hbm4b:s7+s8], $0x180, $0x38;
	[tilespmem:$0x1BE80] =	vst v63  }
0x11e: {  	_ =	swait.ge [sflag:s0], $0x180  }
0x11f: {  	[sflag:s0] =	ssyncset.done $0x0  }
0x120: {  	[sflag:s0] =	ssyncadd.s32 $0xFFFFFE80  }
0x121: {  	_ =	swait.ge [sflag:s23], $0x4000  }
0x122: {  	[sflag:s23] =	ssyncset.done $0x0  }
0x123: {  	[sflag:s23] =	ssyncadd.s32 $0xFFFFC000  }
0x124: {  	_ =	swait.ge [sflag:s2], $0x4000  }
0x125: {  	[sflag:s2] =	ssyncset.done $0x0  }
0x126: {  	s15 =	simm.s32 $0x700;
	[sflag:s2] =	ssyncadd.s32 $0xFFFFC000  }
0x127: {  	[tilespmem:s25], [sflag:$0x6] =	stream.indirect.gather [hbm4b:s1+s21], $0x80, s26, s21, $0xb8;
	[tilespmem:$0x1BE80] =	vst v63  }
0x128: {  	v7 =	vld [tilespmem:s15+$0xD0]  }
0x129: {  	v8 =	vld [tilespmem:s15+$0xF0]  }
0x12a: {  	v1 =	vld [tilespmem:s15+$0x0]  }
0x12b: {  	v2 =	vld [tilespmem:s15+$0xFFFFFFF0]  }
0x12c: {  	v4 =	vld [tilespmem:s15+$0x20]  }
0x12d: {  	v5 =	vld [tilespmem:s15+$0x30]  }
0x12e: {  	v6 =	vld [tilespmem:s15+$0x50]  }
0x12f: {  	s9 =	simm.s32 $0x1;
	v9 =	vld [tilespmem:s15+$0x60]  }
0x130: {  	s16 =	simm.s32 $0x3;
	v10 =	vmov s9;
	s8 =	simm.s32 $0x0;
	v13 =	vld [tilespmem:s15+$0x70]  }
0x131: {  	s14 =	simm.s32 $0x2;
	v14 =	vmov s16;
	v10 =	vand.u32 $0x7D, v10;
	v3 =	vmov s8;
	v11 =	vld [tilespmem:s15+$0x40]  }
0x132: {  	v10 =	vor.u32 $0x400, v10;
	v12 =	vmov s14;
	v3 =	vand.u32 $0x7C, v3;
	v15 =	vld [tilespmem:s15+$0x10]  }
0x133: {  	v10 =	vbroadcast v10, $0x0;
	v12 =	vand.u32 $0x7E, v12;
	v3 =	vor.u32 $0x400, v3;
	v16 =	vld [tilespmem:s15+$0x90]  }
0x134: {  	v14 =	vand.u32 $0x7F, v14;
	v12 =	vor.u32 $0x400, v12;
	v3 =	vbroadcast v3, $0x0;
	v17 =	vld [tilespmem:s15+$0xA0]  }
0x135: {  	v14 =	vor.u32 $0x400, v14;
	v12 =	vbroadcast v12, $0x0;
	v19 =	vld [tilespmem:s15+$0xB0]  }
0x136: {  	v14 =	vbroadcast v14, $0x0;
	v20 =	vld [tilespmem:s15+$0xC0]  }
0x137: {  	v18 =	vld [tilespmem:s15+$0xFFFFFFE0]  }
0x138: {  	v21 =	vld [tilespmem:s15+$0xFFFFFFD0]  }
0x139: {  	v10 =	vld.idx.msk [tilespmem:v10+s5+$0x0], $0xffff  }
0x13a: {  	v22 =	vld.idx.msk [tilespmem:v3+s5+$0x0], $0xffff  }
0x13b: {  	v23 =	vld.idx.msk [tilespmem:v12+s5+$0x0], $0xffff  }
0x13c: {  	v3 =	vld.idx.msk [tilespmem:v14+s5+$0x0], $0xffff  }
0x13d: {  	v24 =	vld [tilespmem:s15+$0xFFFFFFA0]  }
0x13e: {  	v26 =	vld [tilespmem:s15+$0xFFFFFF80];
	v2 =	vmul.f32 v10, v2  }
0x13f: {  	v60 =	vld [tilespmem:s15+$0xFFFFFF30];
	v18 =	vmul.f32 v10, v18  }
0x140: {  	v12 =	vld [tilespmem:s15+$0xFFFFFFC0];
	v21 =	vmul.f32 v10, v21;
	[tilespmem:s15+$0xFFFFFFF0] =	vst v2  }
0x141: {  	v14 =	vld [tilespmem:s15+$0xFFFFFFB0];
	v57 =	vmul.f32 v23, v4;
	[tilespmem:s15+$0xFFFFFFE0] =	vst v18  }
0x142: {  	v25 =	vld [tilespmem:s15+$0xFFFFFF90];
	v4 =	vmul.f32 v10, v24;
	v59 =	vmul.f32 v23, v6;
	[tilespmem:s15+$0xFFFFFFD0] =	vst v21  }
0x143: {  	v27 =	vld [tilespmem:s15+$0xFFFFFF70];
	v11 =	vmul.f32 v23, v11;
	v6 =	vmul.f32 v10, v26;
	[tilespmem:s15+$0x20] =	vst v57  }
0x144: {  	v62 =	vld [tilespmem:s15+$0xFFFFFF00];
	v8 =	vmul.f32 v3, v8;
	v63 =	vmul.f32 v22, v60;
	[tilespmem:s15+$0x50] =	vst v59  }
0x145: {  	v58 =	vld [tilespmem:s15+$0xFFFFFF40];
	v13 =	vmul.f32 v23, v13;
	v15 =	vmul.f32 v23, v15;
	[tilespmem:s15+$0x40] =	vst v11  }
0x146: {  	v18 =	vmul.f32 v23, v1;
	v1 =	vmul.f32 v10, v12;
	v12 =	vld [tilespmem:s15+$0xFFFFFF60];
	[tilespmem:s15+$0xF0] =	vst v8  }
0x147: {  	v2 =	vmul.f32 v10, v14;
	v14 =	vld [tilespmem:s15+$0xFFFFFF50];
	v11 =	vmul.f32 v23, v9;
	[tilespmem:s15+$0x70] =	vst v13  }
0x148: {  	[tilespmem:s15+$0x0] =	vst v18;
	v18 =	vmul.f32 v23, v5;
	v5 =	vmul.f32 v10, v25;
	v10 =	vld [tilespmem:s15+$0xFFFFFF20]  }
0x149: {  	v61 =	vld [tilespmem:s15+$0xFFFFFF10];
	v8 =	vmul.f32 v22, v62;
	v13 =	vmul.f32 v3, v20;
	[tilespmem:s15+$0x60] =	vst v11  }
0x14a: {  	v11 =	vmul.f32 v3, v17;
	[tilespmem:s15+$0x30] =	vst v18;
	v18 =	vmul.f32 v3, v7  }
0x14b: {  	[tilespmem:s15+$0xFFFFFF30] =	vst v63;
	v7 =	vmul.f32 v22, v27;
	v9 =	vmul.f32 v22, v12  }
0x14c: {  	v12 =	vmul.f32 v22, v14;
	[tilespmem:s15+$0xD0] =	vst v18;
	v18 =	vmul.f32 v22, v58  }
0x14d: {  	[tilespmem:s15+$0x10] =	vst v15;
	v15 =	vld [tilespmem:s15+$0x80];
	v14 =	vmul.f32 v3, v16;
	v16 =	vmul.f32 v22, v10  }
0x14e: {  	s31 =	simm.s32 $0x4;
	s9 =	simm.s32 $0x900;
	v17 =	vld [tilespmem:s15+$0xE0];
	v10 =	vmul.f32 v3, v19;
	[tilespmem:s15+$0xFFFFFF40] =	vst v18;
	v18 =	vmul.f32 v22, v61  }
.LBB2_13:
0x14f: {  	s7 =	sadd.s32 $0x1, s31  }
0x150: {  	v19 =	vmov s31;
	s8 =	sadd.s32 $0x2, s31;
	v20 =	vld [tilespmem:s9+$0xD0];
	[tilespmem:s15+$0xFFFFFF10] =	vst v18;
	s16 =	smov.u32 s31;
	s14 =	sadd.s32 $0x4, s31  }
0x151: {  	p2 =	sne.s32 s31, $0x7C;
	v18 =	vand.u32 $0x7C, v19;
	v19 =	vmov s7;
	v21 =	vmov s8;
	s7 =	sadd.s32 $0x3, s16;
	v22 =	vld [tilespmem:s9+$0xF0];
	[tilespmem:s15+$0xFFFFFF20] =	vst v16  }
0x152: {  	v16 =	vor.u32 $0x400, v18;
	v18 =	vand.u32 $0x7D, v19;
	v19 =	vmov s7;
	v23 =	vld [tilespmem:s9+$0x0];
	[tilespmem:s15+$0xFFFFFF50] =	vst v12  }
0x153: {  	v12 =	vor.u32 $0x400, v18;
	v18 =	vand.u32 $0x7E, v21;
	v21 =	vld [tilespmem:s9+$0xFFFFFFF0];
	[tilespmem:s15+$0x90] =	vst v14;
	v14 =	vmul.f32 v3, v17  }
0x154: {  	v12 =	vbroadcast v12, $0x0;
	v17 =	vor.u32 $0x400, v18;
	v18 =	vand.u32 $0x7F, v19;
	v19 =	vld [tilespmem:s9+$0x20];
	[tilespmem:s15+$0xFFFFFF60] =	vst v9  }
0x155: {  	v3 =	vmul.f32 v3, v15;
	v9 =	vbroadcast v17, $0x0;
	v17 =	vor.u32 $0x400, v18;
	v18 =	vld [tilespmem:s9+$0x30];
	[tilespmem:s15+$0xE0] =	vst v14  }
0x156: {  	v14 =	vbroadcast v17, $0x0;
	v15 =	vld [tilespmem:s9+$0x50];
	[tilespmem:s15+$0xA0] =	vst v11  }
0x157: {  	v11 =	vld [tilespmem:s9+$0x60];
	[tilespmem:s15+$0x80] =	vst v3  }
0x158: {  	v17 =	vld [tilespmem:s9+$0x70];
	[tilespmem:s15+$0xFFFFFF70] =	vst v7  }
0x159: {  	v3 =	vbroadcast v16, $0x0;
	v7 =	vld [tilespmem:s9+$0x40];
	[tilespmem:s15+$0xFFFFFF80] =	vst v6  }
0x15a: {  	v24 =	vld [tilespmem:s9+$0x10];
	[tilespmem:s15+$0xC0] =	vst v13  }
0x15b: {  	v13 =	vld [tilespmem:s9+$0x90];
	[tilespmem:s15+$0xFFFFFF90] =	vst v5  }
0x15c: {  	v16 =	vld [tilespmem:s9+$0xA0];
	[tilespmem:s15+$0xB0] =	vst v10  }
0x15d: {  	v10 =	vld [tilespmem:s9+$0xB0];
	[tilespmem:s15+$0xFFFFFFA0] =	vst v4  }
0x15e: {  	v25 =	vld [tilespmem:s9+$0xC0];
	[tilespmem:s15+$0xFFFFFFB0] =	vst v2  }
0x15f: {  	v2 =	vld [tilespmem:s9+$0xFFFFFFE0];
	[tilespmem:s15+$0xFFFFFFC0] =	vst v1  }
0x160: {  	v1 =	vld [tilespmem:s9+$0xFFFFFFD0];
	[tilespmem:s15+$0xFFFFFF00] =	vst v8;
	s15 =	smov.u32 s9  }
0x161: {  	v6 =	vld.idx.msk [tilespmem:v12+s5+$0x0], $0xffff  }
0x162: {  	v8 =	vld.idx.msk [tilespmem:v3+s5+$0x0], $0xffff  }
0x163: {  	v26 =	vld.idx.msk [tilespmem:v9+s5+$0x0], $0xffff  }
0x164: {  	v3 =	vld.idx.msk [tilespmem:v14+s5+$0x0], $0xffff  }
0x165: {  	v4 =	vld [tilespmem:s9+$0xFFFFFFC0]  }
0x166: {  	v5 =	vld [tilespmem:s9+$0xFFFFFFB0]  }
0x167: {  	v12 =	vmul.f32 v6, v21;
	v9 =	vld [tilespmem:s9+$0xFFFFFFA0]  }
0x168: {  	v2 =	vmul.f32 v6, v2;
	v14 =	vld [tilespmem:s9+$0xFFFFFF90]  }
0x169: {  	v27 =	vmul.f32 v6, v1;
	v21 =	vld [tilespmem:s9+$0xFFFFFF80];
	[tilespmem:s9+$0xFFFFFFF0] =	vst v12  }
0x16a: {  	v23 =	vmul.f32 v26, v23;
	v12 =	vld [tilespmem:s9+$0xFFFFFF70];
	v1 =	vmul.f32 v6, v4;
	[tilespmem:s9+$0xFFFFFFE0] =	vst v2  }
0x16b: {  	v19 =	vmul.f32 v26, v19;
	v28 =	vld [tilespmem:s9+$0xFFFFFF60];
	v2 =	vmul.f32 v6, v5;
	[tilespmem:s9+$0xFFFFFFD0] =	vst v27  }
0x16c: {  	v27 =	vld [tilespmem:s9+$0xFFFFFF50];
	v4 =	vmul.f32 v6, v9;
	[tilespmem:s9+$0x0] =	vst v23;
	v9 =	vmul.f32 v26, v18  }
0x16d: {  	v18 =	vld [tilespmem:s9+$0xFFFFFF40];
	v5 =	vmul.f32 v6, v14;
	[tilespmem:s9+$0x20] =	vst v19;
	v14 =	vmul.f32 v26, v15  }
0x16e: {  	v19 =	vmul.f32 v26, v7;
	v15 =	vld [tilespmem:s9+$0xFFFFFF30];
	v6 =	vmul.f32 v6, v21;
	[tilespmem:s9+$0x30] =	vst v9  }
0x16f: {  	v21 =	vld [tilespmem:s9+$0xFFFFFF20];
	v7 =	vmul.f32 v8, v12;
	[tilespmem:s9+$0x50] =	vst v14;
	v14 =	vmul.f32 v3, v20  }
0x170: {  	v11 =	vmul.f32 v26, v11;
	v20 =	vld [tilespmem:s9+$0xFFFFFF10];
	v9 =	vmul.f32 v8, v28;
	[tilespmem:s9+$0x40] =	vst v19  }
0x171: {  	v22 =	vmul.f32 v3, v22;
	v19 =	vld [tilespmem:s9+$0xFFFFFF00];
	v12 =	vmul.f32 v8, v27;
	[tilespmem:s9+$0xD0] =	vst v14  }
0x172: {  	v14 =	vmul.f32 v3, v13;
	v18 =	vmul.f32 v8, v18;
	[tilespmem:s9+$0x60] =	vst v11  }
.Ltmp7:
0x173: {  	v11 =	vmul.f32 v3, v16;
	v13 =	vmul.f32 v8, v15;
	[tilespmem:s9+$0xF0] =	vst v22;
	(pc) =	sbr.rel @p2 .LBB2_13-.Ltmp7, $4  }
0x174: {  	v15 =	vmul.f32 v26, v17;
	v16 =	vmul.f32 v8, v21;
	[tilespmem:s9+$0xFFFFFF40] =	vst v18  }
0x175: {  	v18 =	vmul.f32 v8, v20;
	[tilespmem:s9+$0xFFFFFF30] =	vst v13;
	v13 =	vmul.f32 v26, v24  }
0x176: {  	v10 =	vmul.f32 v3, v10;
	v8 =	vmul.f32 v8, v19;
	[tilespmem:s9+$0x70] =	vst v15;
	v17 =	vld [tilespmem:s9+$0xE0]  }
0x177: {  	s31 =	smov.u32 s14;
	s9 =	sadd.s32 $0x200, s9;
	[tilespmem:s15+$0x10] =	vst v13;
	v15 =	vld [tilespmem:s15+$0x80];
	v13 =	vmul.f32 v3, v25  }
0x178: {  	[tilespmem:s15+$0xFFFFFF10] =	vst v18  }
0x179: {  	[tilespmem:s15+$0xFFFFFF20] =	vst v16  }
0x17a: {  	[tilespmem:s15+$0xFFFFFF50] =	vst v12  }
0x17b: {  	[tilespmem:s15+$0x90] =	vst v14  }
0x17c: {  	[tilespmem:s15+$0xFFFFFF60] =	vst v9  }
0x17d: {  	[tilespmem:s15+$0xA0] =	vst v11  }
0x17e: {  	[tilespmem:s15+$0xFFFFFF70] =	vst v7  }
0x17f: {  	[tilespmem:s15+$0xFFFFFF80] =	vst v6  }
0x180: {  	[tilespmem:s15+$0xFFFFFF90] =	vst v5  }
0x181: {  	[tilespmem:s15+$0xB0] =	vst v10  }
0x182: {  	[tilespmem:s15+$0xFFFFFFA0] =	vst v4  }
0x183: {  	[tilespmem:s15+$0xFFFFFFB0] =	vst v2  }
0x184: {  	[tilespmem:s15+$0xFFFFFFC0] =	vst v1  }
0x185: {  	[tilespmem:s15+$0xFFFFFF00] =	vst v8;
	v12 =	vmul.f32 v3, v17  }
0x186: {  	[tilespmem:s15+$0xC0] =	vst v13;
	v3 =	vmul.f32 v3, v15  }
0x187: {  	[tilespmem:s15+$0xE0] =	vst v12  }
0x188: {  	s7 =	simm.s32 $0x380;
	[tilespmem:s15+$0x80] =	vst v3  }
0x189: {  	[spmem:s4] =	stream.indirect.scatter.add.f32 [tilespmem:s18], [sflag:$0x7], $0x80, s7, s21, $0xb8;
	[tilespmem:$0x1BE80] =	vst v63  }
0x18a: {  	s7 =	simm.s32 @p1 $0x6  }
0x18b: {  	_ =	swait.ge @p1 [sflag:s7], $0x4000  }
0x18c: {  	[sflag:s7] =	ssyncset.done @p1 $0x0  }
0x18d: {  	s8 =	sadd.s32 @!p1 s24, s12;
	[sflag:s7] =	ssyncadd.s32 @p1 $0xFFFFC000;
	s7 =	simm.s32 @p1 $0x7  }
0x18e: {  	s8 =	smul.u32 @!p1 $0x30, s8;
	_ =	swait.ge @p1 [sflag:s7], $0x4000  }
0x18f: {  	s9 =	simm.s32 @!p1 $0x180;
	[sflag:s7] =	ssyncset.done @p1 $0x0  }
0x190: {  	[sflag:s7] =	ssyncadd.s32 @p1 $0xFFFFC000;
	s7 =	sadd.s32 @!p1 s3, s8;
	s8 =	simm.s32 @!p1 $0x0  }
0x191: {  	[tilespmem:s9], [sflag:$0x2] =	stream.linear.gather @!p1 [hbm4b:s7+s8], $0x180, $0x38;
	[tilespmem:$0x1BE80] =	vst v63  }
0x192: {  	s7 =	simm.s32 @!p1 $0x1  }
0x193: {  	_ =	swait.ge @!p1 [sflag:s7], $0x180  }
0x194: {  	[sflag:s7] =	ssyncset.done @!p1 $0x0  }
0x195: {  	[sflag:s7] =	ssyncadd.s32 @!p1 $0xFFFFFE80;
	s7 =	simm.s32 @!p1 $0x6  }
0x196: {  	_ =	swait.ge @!p1 [sflag:s7], $0x4000  }
0x197: {  	[sflag:s7] =	ssyncset.done @!p1 $0x0  }
0x198: {  	[sflag:s7] =	ssyncadd.s32 @!p1 $0xFFFFC000;
	s7 =	simm.s32 @!p1 $0x7  }
0x199: {  	_ =	swait.ge @!p1 [sflag:s7], $0x4000  }
0x19a: {  	s15 =	simm.s32 $0x4700;
	[sflag:s7] =	ssyncset.done @!p1 $0x0  }
0x19b: {  	s9 =	simm.s32 @!p1 $0x600;
	[sflag:s7] =	ssyncadd.s32 @!p1 $0xFFFFC000;
	s7 =	simm.s32 @!p1 $0x80  }
0x19c: {  	[tilespmem:s9], [sflag:$0x5] =	stream.indirect.gather @!p1 [hbm4b:s1+s7], $0x80, s8, s7, $0xb8;
	[tilespmem:$0x1BE80] =	vst v63  }
0x19d: {  	v7 =	vld [tilespmem:s15+$0xD0]  }
0x19e: {  	v8 =	vld [tilespmem:s15+$0xF0]  }
0x19f: {  	v1 =	vld [tilespmem:s15+$0x0]  }
0x1a0: {  	v2 =	vld [tilespmem:s15+$0xFFFFFFF0]  }
0x1a1: {  	v4 =	vld [tilespmem:s15+$0x20]  }
0x1a2: {  	v5 =	vld [tilespmem:s15+$0x30]  }
0x1a3: {  	v6 =	vld [tilespmem:s15+$0x50]  }
0x1a4: {  	s14 =	simm.s32 $0x2;
	v9 =	vld [tilespmem:s15+$0x60]  }
0x1a5: {  	v12 =	vmov s14;
	v13 =	vld [tilespmem:s15+$0x70]  }
0x1a6: {  	v12 =	vand.u32 $0x7E, v12;
	v11 =	vld [tilespmem:s15+$0x40]  }
0x1a7: {  	v12 =	vor.u32 $0x580, v12;
	v15 =	vld [tilespmem:s15+$0x10]  }
0x1a8: {  	v12 =	vbroadcast v12, $0x0;
	v16 =	vld [tilespmem:s15+$0x90]  }
0x1a9: {  	s9 =	simm.s32 $0x1;
	v17 =	vld [tilespmem:s15+$0xA0]  }
0x1aa: {  	s8 =	simm.s32 $0x0;
	v10 =	vmov s9;
	v19 =	vld [tilespmem:s15+$0xB0]  }
0x1ab: {  	s16 =	simm.s32 $0x3;
	v3 =	vmov s8;
	v20 =	vld [tilespmem:s15+$0xC0];
	v10 =	vand.u32 $0x7D, v10  }
0x1ac: {  	v14 =	vmov s16;
	v18 =	vld [tilespmem:s15+$0xFFFFFFE0];
	v3 =	vand.u32 $0x7C, v3;
	v10 =	vor.u32 $0x580, v10  }
0x1ad: {  	v14 =	vand.u32 $0x7F, v14;
	v21 =	vld [tilespmem:s15+$0xFFFFFFD0];
	v3 =	vor.u32 $0x580, v3;
	v10 =	vbroadcast v10, $0x0  }
0x1ae: {  	v14 =	vor.u32 $0x580, v14;
	v23 =	vld.idx.msk [tilespmem:v12+s5+$0x0], $0xffff;
	v3 =	vbroadcast v3, $0x0  }
0x1af: {  	v14 =	vbroadcast v14, $0x0;
	v12 =	vld [tilespmem:s15+$0xFFFFFFC0]  }
0x1b0: {  	v24 =	vld [tilespmem:s15+$0xFFFFFFA0]  }
0x1b1: {  	v25 =	vld [tilespmem:s15+$0xFFFFFF90]  }
0x1b2: {  	v26 =	vld [tilespmem:s15+$0xFFFFFF80]  }
0x1b3: {  	v57 =	vmul.f32 v23, v4;
	v10 =	vld.idx.msk [tilespmem:v10+s5+$0x0], $0xffff  }
0x1b4: {  	v59 =	vmul.f32 v23, v6;
	v22 =	vld.idx.msk [tilespmem:v3+s5+$0x0], $0xffff  }
0x1b5: {  	v11 =	vmul.f32 v23, v11;
	v3 =	vld.idx.msk [tilespmem:v14+s5+$0x0], $0xffff;
	[tilespmem:s15+$0x20] =	vst v57  }
0x1b6: {  	v60 =	vld [tilespmem:s15+$0xFFFFFF30];
	v13 =	vmul.f32 v23, v13;
	[tilespmem:s15+$0x50] =	vst v59  }
0x1b7: {  	v15 =	vmul.f32 v23, v15;
	v14 =	vld [tilespmem:s15+$0xFFFFFFB0];
	[tilespmem:s15+$0x40] =	vst v11;
	v11 =	vmul.f32 v23, v9  }
0x1b8: {  	v27 =	vld [tilespmem:s15+$0xFFFFFF70];
	[tilespmem:s15+$0x70] =	vst v13;
	v2 =	vmul.f32 v10, v2;
	v18 =	vmul.f32 v10, v18  }
0x1b9: {  	v58 =	vld [tilespmem:s15+$0xFFFFFF40];
	[tilespmem:s15+$0x10] =	vst v15;
	v21 =	vmul.f32 v10, v21;
	v4 =	vmul.f32 v10, v24  }
0x1ba: {  	v62 =	vld [tilespmem:s15+$0xFFFFFF00];
	[tilespmem:s15+$0x60] =	vst v11;
	v6 =	vmul.f32 v10, v26;
	v8 =	vmul.f32 v3, v8  }
0x1bb: {  	[tilespmem:s15+$0xFFFFFFE0] =	vst v18;
	v18 =	vmul.f32 v23, v1;
	v1 =	vmul.f32 v10, v12;
	v12 =	vld [tilespmem:s15+$0xFFFFFF60]  }
0x1bc: {  	v63 =	vmul.f32 v22, v60;
	[tilespmem:s15+$0xFFFFFFF0] =	vst v2;
	v2 =	vmul.f32 v10, v14;
	v14 =	vld [tilespmem:s15+$0xFFFFFF50]  }
0x1bd: {  	[tilespmem:s15+$0x0] =	vst v18;
	v18 =	vmul.f32 v23, v5;
	v5 =	vmul.f32 v10, v25;
	v10 =	vld [tilespmem:s15+$0xFFFFFF20]  }
0x1be: {  	v61 =	vld [tilespmem:s15+$0xFFFFFF10];
	v11 =	vmul.f32 v3, v17;
	v13 =	vmul.f32 v3, v20;
	[tilespmem:s15+$0xF0] =	vst v8  }
0x1bf: {  	v8 =	vmul.f32 v22, v62;
	[tilespmem:s15+$0x30] =	vst v18;
	v18 =	vmul.f32 v3, v7  }
0x1c0: {  	[tilespmem:s15+$0xFFFFFFD0] =	vst v21;
	v7 =	vmul.f32 v22, v27;
	v9 =	vmul.f32 v22, v12  }
0x1c1: {  	v12 =	vmul.f32 v22, v14;
	[tilespmem:s15+$0xD0] =	vst v18;
	v18 =	vmul.f32 v22, v58  }
0x1c2: {  	v15 =	vld [tilespmem:s15+$0x80];
	[tilespmem:s15+$0xFFFFFF30] =	vst v63;
	v14 =	vmul.f32 v3, v16;
	v16 =	vmul.f32 v22, v10  }
0x1c3: {  	s31 =	simm.s32 $0x4;
	s9 =	simm.s32 $0x4900;
	v17 =	vld [tilespmem:s15+$0xE0];
	v10 =	vmul.f32 v3, v19;
	[tilespmem:s15+$0xFFFFFF40] =	vst v18;
	v18 =	vmul.f32 v22, v61  }
.LBB2_15:
0x1c4: {  	s7 =	sadd.s32 $0x1, s31  }
0x1c5: {  	v19 =	vmov s31;
	s8 =	sadd.s32 $0x2, s31;
	v20 =	vld [tilespmem:s9+$0xD0];
	[tilespmem:s15+$0xFFFFFF10] =	vst v18;
	s16 =	smov.u32 s31;
	s14 =	sadd.s32 $0x4, s31  }
0x1c6: {  	p2 =	sne.s32 s31, $0x7C;
	v18 =	vand.u32 $0x7C, v19;
	v19 =	vmov s7;
	v21 =	vmov s8;
	s7 =	sadd.s32 $0x3, s16;
	v22 =	vld [tilespmem:s9+$0xF0];
	[tilespmem:s15+$0xFFFFFF20] =	vst v16  }
0x1c7: {  	v16 =	vor.u32 $0x580, v18;
	v18 =	vand.u32 $0x7D, v19;
	v19 =	vmov s7;
	v23 =	vld [tilespmem:s9+$0x0];
	[tilespmem:s15+$0xFFFFFF50] =	vst v12  }
0x1c8: {  	v12 =	vor.u32 $0x580, v18;
	v18 =	vand.u32 $0x7E, v21;
	v21 =	vld [tilespmem:s9+$0xFFFFFFF0];
	[tilespmem:s15+$0x90] =	vst v14;
	v14 =	vmul.f32 v3, v17  }
0x1c9: {  	v12 =	vbroadcast v12, $0x0;
	v17 =	vor.u32 $0x580, v18;
	v18 =	vand.u32 $0x7F, v19;
	v19 =	vld [tilespmem:s9+$0x20];
	[tilespmem:s15+$0xFFFFFF60] =	vst v9  }
0x1ca: {  	v3 =	vmul.f32 v3, v15;
	v9 =	vbroadcast v17, $0x0;
	v17 =	vor.u32 $0x580, v18;
	v18 =	vld [tilespmem:s9+$0x30];
	[tilespmem:s15+$0xE0] =	vst v14  }
0x1cb: {  	v14 =	vbroadcast v17, $0x0;
	v15 =	vld [tilespmem:s9+$0x50];
	[tilespmem:s15+$0xA0] =	vst v11  }
0x1cc: {  	v11 =	vld [tilespmem:s9+$0x60];
	[tilespmem:s15+$0x80] =	vst v3  }
0x1cd: {  	v17 =	vld [tilespmem:s9+$0x70];
	[tilespmem:s15+$0xFFFFFF70] =	vst v7  }
0x1ce: {  	v3 =	vbroadcast v16, $0x0;
	v7 =	vld [tilespmem:s9+$0x40];
	[tilespmem:s15+$0xFFFFFF80] =	vst v6  }
0x1cf: {  	v24 =	vld [tilespmem:s9+$0x10];
	[tilespmem:s15+$0xC0] =	vst v13  }
0x1d0: {  	v13 =	vld [tilespmem:s9+$0x90];
	[tilespmem:s15+$0xFFFFFF90] =	vst v5  }
0x1d1: {  	v16 =	vld [tilespmem:s9+$0xA0];
	[tilespmem:s15+$0xB0] =	vst v10  }
0x1d2: {  	v10 =	vld [tilespmem:s9+$0xB0];
	[tilespmem:s15+$0xFFFFFFA0] =	vst v4  }
0x1d3: {  	v25 =	vld [tilespmem:s9+$0xC0];
	[tilespmem:s15+$0xFFFFFFB0] =	vst v2  }
0x1d4: {  	v2 =	vld [tilespmem:s9+$0xFFFFFFE0];
	[tilespmem:s15+$0xFFFFFFC0] =	vst v1  }
0x1d5: {  	v1 =	vld [tilespmem:s9+$0xFFFFFFD0];
	[tilespmem:s15+$0xFFFFFF00] =	vst v8;
	s15 =	smov.u32 s9  }
0x1d6: {  	v6 =	vld.idx.msk [tilespmem:v12+s5+$0x0], $0xffff  }
0x1d7: {  	v8 =	vld.idx.msk [tilespmem:v3+s5+$0x0], $0xffff  }
0x1d8: {  	v26 =	vld.idx.msk [tilespmem:v9+s5+$0x0], $0xffff  }
0x1d9: {  	v3 =	vld.idx.msk [tilespmem:v14+s5+$0x0], $0xffff  }
0x1da: {  	v4 =	vld [tilespmem:s9+$0xFFFFFFC0]  }
0x1db: {  	v5 =	vld [tilespmem:s9+$0xFFFFFFB0]  }
0x1dc: {  	v12 =	vmul.f32 v6, v21;
	v9 =	vld [tilespmem:s9+$0xFFFFFFA0]  }
0x1dd: {  	v2 =	vmul.f32 v6, v2;
	v14 =	vld [tilespmem:s9+$0xFFFFFF90]  }
0x1de: {  	v27 =	vmul.f32 v6, v1;
	v21 =	vld [tilespmem:s9+$0xFFFFFF80];
	[tilespmem:s9+$0xFFFFFFF0] =	vst v12  }
0x1df: {  	v23 =	vmul.f32 v26, v23;
	v12 =	vld [tilespmem:s9+$0xFFFFFF70];
	v1 =	vmul.f32 v6, v4;
	[tilespmem:s9+$0xFFFFFFE0] =	vst v2  }
0x1e0: {  	v19 =	vmul.f32 v26, v19;
	v28 =	vld [tilespmem:s9+$0xFFFFFF60];
	v2 =	vmul.f32 v6, v5;
	[tilespmem:s9+$0xFFFFFFD0] =	vst v27  }
0x1e1: {  	v27 =	vld [tilespmem:s9+$0xFFFFFF50];
	v4 =	vmul.f32 v6, v9;
	[tilespmem:s9+$0x0] =	vst v23;
	v9 =	vmul.f32 v26, v18  }
0x1e2: {  	v18 =	vld [tilespmem:s9+$0xFFFFFF40];
	v5 =	vmul.f32 v6, v14;
	[tilespmem:s9+$0x20] =	vst v19;
	v14 =	vmul.f32 v26, v15  }
0x1e3: {  	v19 =	vmul.f32 v26, v7;
	v15 =	vld [tilespmem:s9+$0xFFFFFF30];
	v6 =	vmul.f32 v6, v21;
	[tilespmem:s9+$0x30] =	vst v9  }
0x1e4: {  	v21 =	vld [tilespmem:s9+$0xFFFFFF20];
	v7 =	vmul.f32 v8, v12;
	[tilespmem:s9+$0x50] =	vst v14;
	v14 =	vmul.f32 v3, v20  }
0x1e5: {  	v11 =	vmul.f32 v26, v11;
	v20 =	vld [tilespmem:s9+$0xFFFFFF10];
	v9 =	vmul.f32 v8, v28;
	[tilespmem:s9+$0x40] =	vst v19  }
0x1e6: {  	v22 =	vmul.f32 v3, v22;
	v19 =	vld [tilespmem:s9+$0xFFFFFF00];
	v12 =	vmul.f32 v8, v27;
	[tilespmem:s9+$0xD0] =	vst v14  }
0x1e7: {  	v14 =	vmul.f32 v3, v13;
	v18 =	vmul.f32 v8, v18;
	[tilespmem:s9+$0x60] =	vst v11  }
.Ltmp8:
0x1e8: {  	v11 =	vmul.f32 v3, v16;
	v13 =	vmul.f32 v8, v15;
	[tilespmem:s9+$0xF0] =	vst v22;
	(pc) =	sbr.rel @p2 .LBB2_15-.Ltmp8, $4  }
0x1e9: {  	v15 =	vmul.f32 v26, v17;
	v16 =	vmul.f32 v8, v21;
	[tilespmem:s9+$0xFFFFFF40] =	vst v18  }
0x1ea: {  	v18 =	vmul.f32 v8, v20;
	[tilespmem:s9+$0xFFFFFF30] =	vst v13;
	v13 =	vmul.f32 v26, v24  }
0x1eb: {  	v10 =	vmul.f32 v3, v10;
	v8 =	vmul.f32 v8, v19;
	[tilespmem:s9+$0x70] =	vst v15;
	v17 =	vld [tilespmem:s9+$0xE0]  }
0x1ec: {  	s31 =	smov.u32 s14;
	s9 =	sadd.s32 $0x200, s9;
	[tilespmem:s15+$0x10] =	vst v13;
	v15 =	vld [tilespmem:s15+$0x80];
	v13 =	vmul.f32 v3, v25  }
0x1ed: {  	[tilespmem:s15+$0xFFFFFF10] =	vst v18  }
0x1ee: {  	[tilespmem:s15+$0xFFFFFF20] =	vst v16  }
0x1ef: {  	[tilespmem:s15+$0xFFFFFF50] =	vst v12  }
0x1f0: {  	[tilespmem:s15+$0x90] =	vst v14  }
0x1f1: {  	[tilespmem:s15+$0xFFFFFF60] =	vst v9  }
0x1f2: {  	[tilespmem:s15+$0xA0] =	vst v11  }
0x1f3: {  	[tilespmem:s15+$0xFFFFFF70] =	vst v7  }
0x1f4: {  	[tilespmem:s15+$0xFFFFFF80] =	vst v6  }
0x1f5: {  	[tilespmem:s15+$0xFFFFFF90] =	vst v5  }
0x1f6: {  	[tilespmem:s15+$0xB0] =	vst v10  }
0x1f7: {  	[tilespmem:s15+$0xFFFFFFA0] =	vst v4  }
0x1f8: {  	[tilespmem:s15+$0xFFFFFFB0] =	vst v2  }
0x1f9: {  	[tilespmem:s15+$0xFFFFFFC0] =	vst v1  }
.Ltmp9:
0x1fa: {  	[tilespmem:s15+$0xFFFFFF00] =	vst v8;
	v63 =	vmul.f32 v3, v17;
	(pc) =	sbr.rel @p1 .LBB2_18-.Ltmp9, $4  }
0x1fb: {  	[tilespmem:s15+$0xC0] =	vst v13;
	v3 =	vmul.f32 v3, v15  }
0x1fc: {  	[tilespmem:s15+$0xE0] =	vst v63  }
0x1fd: {  	s7 =	simm.s32 $0x500;
	[tilespmem:s15+$0x80] =	vst v3  }
0x1fe: {  	[spmem:s4] =	stream.indirect.scatter.add.f32 [tilespmem:s25], [sflag:$0x8], $0x80, s7, s21, $0xb8;
	[tilespmem:$0x1BE80] =	vst v63  }
.Ltmp10:
0x1ff: {  	s7 =	sadd.s32 s24, s13;
	(pc) =	sbr.rel .LBB2_8-.Ltmp10, $3  }
0x200: {  	s7 =	smul.u32 $0x30, s7;
	_ =	sdelay $0x1  }
0x201: {  	s20 =	sadd.s32 $0x1, s20;
	s7 =	sadd.s32 s3, s7  }
0x202: {  	[tilespmem:s17], [sflag:$0x3] =	stream.linear.gather [hbm4b:s7+s5], $0x180, $0x38;
	[tilespmem:$0x1BE80] =	vst v63  }
.LBB2_18:
0x203: {  	_ =	swait.ge [sflag:s2], $0x4000  }
0x204: {  	[sflag:s2] =	ssyncset.done $0x0  }
0x205: {  	[sflag:s2] =	ssyncadd.s32 $0xFFFFC000  }
0x206: {  	s6 =	stileid.u32;
	[bflag:$0x0] =	sbarrier.arrive $0xFFFF  }
.Ltmp11:
0x207: {  	s6 =	sshll.u32 s6, $0x6;
	s8 =	rddreg [dreg:$0xa];
	(pc) =	sbr.rel @!p0 .LBB2_20-.Ltmp11, $4  }
0x208: {  	s6 =	sor.u32 $0x1C09, s6;
	s15 =	rddreg [dreg:$0xb];
	s7 =	sshrl.u32 s8, $0x3  }
0x209: {  	[hbm:s15], [sflag:s6] =	dma.local [spmem:s7], $0x500  }
0x20a: {  	s16 =	rddreg [dreg:$0x8]  }
0x20b: {  	s14 =	sadd.s32 $0x28000, s8;
	s9 =	sadd.s32 $0xFFFFFFFF, s16  }
.LBB2_19:
0x20c: {  	p1 =	sne.s32 s9, $0x1;
	s9 =	sadd.s32 $0xFFFFFFFF, s9  }
.Ltmp12:
0x20d: {  	s7 =	sshrl.u32 s14, $0x3;
	s15 =	sadd.s32 $0x5000, s15;
	(pc) =	sbr.rel @p1 .LBB2_19-.Ltmp12, $3  }
0x20e: {  	[hbm:s15], [sflag:s6] =	dma.local [spmem:s7], $0x500  }
0x20f: {  	_ =	sdelay $0x1  }
0x210: {  	s14 =	sadd.s32 $0x28000, s14  }
.LBB2_20:
.Ltmp13:
0x211: {  	(pc) =	sbr.rel @!p0 .LBB2_22-.Ltmp13, $3  }
0x212: {  	_ =	sdelay $0x1  }
0x213: {  	_ =	swait.ge [sflag:s19], $0x500  }
0x214: {  	s6 =	sadd.s32 $0xFFFFFFFF, s16;
	[sflag:s19] =	ssyncset.done $0x0  }
.LBB2_21:
0x215: {  	p0 =	sne.s32 s6, $0x1;
	s6 =	sadd.s32 $0xFFFFFFFF, s6;
	[sflag:s19] =	ssyncadd.s32 $0xFFFFFB00  }
.Ltmp14:
0x216: {  	(pc) =	sbr.rel @p0 .LBB2_21-.Ltmp14, $3  }
0x217: {  	_ =	sdelay $0x1  }
0x218: {  	_ =	swait.ge [sflag:s19], $0x500  }
0x219: {  	[sflag:s19] =	ssyncset.done $0x0  }
.LBB2_22:
0x21a: {  	s7 =	rddreg [dreg:$0xc]  }
0x21b: {  	s6 =	rddreg [dreg:$0x9];
	s7 =	sadd.s32 $0x1, s7  }
0x21c: {  	p0 =	sne.s32 s7, s6  }
.Ltmp15:
0x21d: {  	_ = 	snop;
	(pc) =	sbr.rel @p0 .LBB2_1-.Ltmp15, $2  }
0x21e: {  	_ =	sdelay $0x2  }
0x21f: {  	[sflag:s19] =	ssyncadd.s32 $0xFFFFFB00  }
0x220: {  	_ =	sfence.sel $0x180000  }
0x221: {  	[bflag:$0x0] =	sbarrier.arrive $0xFFFF  }
0x222: {  	_ =	strace $0x90000047  }
0x223: {  	s0 =	stileid.u32;
	[bflag:$0x2] =	sbarrier.arrive $0xFFFF  }
0x224: {  	p0 =	sne.s32 s0, $0x0;
	s0 =	rddreg [dreg:$0x4]  }
0x225: {  	s0 =	sadd.s32 @!p0 $0x100000, s0  }
0x226: {  	[sflag:s0] =	ssyncadd.tile.s32 @!p0 $0x1;
	_ =	shalt  }
.Lfunc_end2:
_tile_overlayer_lowered:
.L_overlay_start_2:
0x227: {  	(tag) =	ssettag $0x2  }
0x228: {  	s0 =	rddreg [dreg:$0x0];
	s2 =	stileid.u32  }
0x229: {  	s1 =	rddreg [dreg:$0x1];
	p0 =	sne.s32 s2, $0x0  }
0x22a: {  	s3 =	rddreg [dreg:$0x2];
	[bflag:$0x3] =	sbarrier.arrive $0xFFFF;
	s2 =	simm.s32 @!p0 $0x1C0A  }
0x22b: {  	[timem:s3], [sflag:s2] =	dma.local @!p0 [hbm:s0], s1  }
0x22c: {  	s0 =	simm.s32 @!p0 $0xA  }
0x22d: {  	_ =	swait.ge @!p0 [sflag:s0], s1  }
0x22e: {  	s1 =	ssub.s32 @!p0 $0x0, s1;
	[sflag:s0] =	ssyncset.done @!p0 $0x0  }
0x22f: {  	[sflag:s0] =	ssyncadd.s32 @!p0 s1  }
0x230: {  	[bflag:$0x3] =	sbarrier.arrive $0xFFFF  }
0x231: {  	_ =	shalt  }

</sc_bundles>
